<compile_context>
chip_gen: v7x
topology: tpu7x:2x2x1
jax: 0.10.2.dev20260603
libtpu: 0.0.44.dev20260713+nightly
codegen_flags: <defaults>
</compile_context>

<pallas_src>
import functools

import jax
import jax.numpy as jnp
from jax import lax
from jax.experimental import pallas as pl
from jax.experimental.pallas import tpu as pltpu
from jax.experimental.pallas import tpu_sc as plsc

N = 10000
E = 320000
D_IN = 128
D_HID = 128
D_OUT = 64

NC, NS = 2, 16
NW = NC * NS
CHUNK = 64
NBUF = 5
CPT = 160
NCHUNK = CPT * NW
E_PAD = NCHUNK * CHUNK

N_PAD16 = 10240
ZROWS = N_PAD16 // NS
DEG_PAD = 10240
JUNK = N

_MESH = dict(core_axis_name="c", subcore_axis_name="s", num_cores=NC,
             num_subcores=NS)


_DEG_ROWS = E // 128


@functools.partial(
    pl.kernel,
    out_type=jax.ShapeDtypeStruct((DEG_PAD,), jnp.float32),
    mesh=plsc.VectorSubcoreMesh(**_MESH),
    scratch_types=[
        pltpu.VMEM_SHARED((DEG_PAD,), jnp.float32),
        pltpu.VMEM((160, 128), jnp.int32),
        pltpu.VMEM((128,), jnp.float32),
        pltpu.SemaphoreType.DMA,
    ],
)
def _deg_kernel(dst2d, zeros640, ones128, deg_out, deg_sh, dst_all, onesv,
                sem):
    cid = lax.axis_index("c")
    sid = lax.axis_index("s")

    @pl.when(cid == 0)
    def _():
        sl = pl.ds(sid * 640, 640)
        pltpu.sync_copy(zeros640, deg_sh.at[sl])
        pltpu.sync_copy(ones128, onesv)

        @pl.when(sid < 15)
        def _():
            pltpu.sync_copy(dst2d.at[pl.ds(sid * 160, 160)], dst_all)

        @pl.when(sid == 15)
        def _():
            pltpu.sync_copy(dst2d.at[pl.ds(2400, _DEG_ROWS - 2400)],
                            dst_all.at[pl.ds(0, _DEG_ROWS - 2400)])

        plsc.subcore_barrier()

        def fire(r, carry):
            pltpu.async_copy(onesv, deg_sh.at[dst_all.at[r]], sem, add=True)
            return carry

        def drain(r, carry):
            pltpu.make_async_copy(ones128, onesv, sem).wait()
            return carry

        @pl.when(sid < 15)
        def _():
            lax.fori_loop(0, 160, fire, 0)
            lax.fori_loop(0, 160, drain, 0)

        @pl.when(sid == 15)
        def _():
            lax.fori_loop(0, _DEG_ROWS - 2400, fire, 0)
            lax.fori_loop(0, _DEG_ROWS - 2400, drain, 0)

        plsc.subcore_barrier()
        pltpu.sync_copy(deg_sh.at[sl], deg_out.at[sl])


def _make_agg(D, tc_tiling=True):
    @functools.partial(
        pl.kernel,
        out_type=(jax.ShapeDtypeStruct((N_PAD16, D), jnp.float32),
                  jax.ShapeDtypeStruct((N_PAD16, D), jnp.float32)),
        mesh=plsc.VectorSubcoreMesh(**_MESH),
        compiler_params=pltpu.CompilerParams(use_tc_tiling_on_sc=tc_tiling),
        scratch_types=[
            pltpu.VMEM_SHARED((N_PAD16, D), jnp.float32),
            [pltpu.VMEM((2, CHUNK), jnp.int32)] * NBUF,
            [pltpu.VMEM((CHUNK, D), jnp.float32)] * NBUF,
            [pltpu.SemaphoreType.DMA] * NBUF,
            [pltpu.SemaphoreType.DMA] * NBUF,
            [pltpu.SemaphoreType.DMA] * NBUF,
        ],
    )
    def agg(idx3d, scaled, zrows, out_a, out_b, agg_sh, idxv, rows, isem,
            gsem, ssem):
        cid = lax.axis_index("c")
        sid = lax.axis_index("s")
        wid = sid * NC + cid
        g_base = wid * CPT
        sl = pl.ds(sid * ZROWS, ZROWS)
        pltpu.sync_copy(zrows, agg_sh.at[sl])
        plsc.subcore_barrier()

        def idx_load(g, b):
            pltpu.async_copy(idx3d.at[g_base + g], idxv[b], isem[b])

        def idx_wait(b):
            pltpu.make_async_copy(idx3d.at[0], idxv[b], isem[b]).wait()

        def gather_start(b):
            pltpu.async_copy(scaled.at[idxv[b].at[0]], rows[b], gsem[b])

        def gather_wait(b):
            pltpu.make_async_copy(scaled.at[pl.ds(0, CHUNK)], rows[b],
                                  gsem[b]).wait()

        def scatter_start(b):
            pltpu.async_copy(rows[b], agg_sh.at[idxv[b].at[1]], ssem[b],
                             add=True)

        def scatter_wait(b):
            pltpu.make_async_copy(scaled.at[pl.ds(0, CHUNK)], rows[b],
                                  ssem[b]).wait()

        for b in range(NBUF):
            idx_load(b, b)
        for b in range(NBUF):
            idx_wait(b)
            gather_start(b)

        def body(i, carry):
            g0 = i * NBUF
            for b in range(NBUF):
                gather_wait(b)
                scatter_start(b)

            @pl.when(i < CPT // NBUF - 1)
            def _():
                for b in range(NBUF):
                    scatter_wait(b)
                    idx_load(g0 + NBUF + b, b)
                for b in range(NBUF):
                    idx_wait(b)
                    gather_start(b)

            return carry

        lax.fori_loop(0, CPT // NBUF, body, 0)
        for b in range(NBUF):
            scatter_wait(b)
        plsc.subcore_barrier()

        @pl.when(cid == 0)
        def _():
            pltpu.sync_copy(agg_sh.at[sl], out_a.at[sl])

        @pl.when(cid == 1)
        def _():
            pltpu.sync_copy(agg_sh.at[sl], out_b.at[sl])

    return agg


_agg128 = _make_agg(D_HID)
_agg64 = _make_agg(D_OUT, tc_tiling=False)

_RB = 1000


def _lin1_body(deg_ref, x_ref, w_ref, o_ref):
    dis = lax.rsqrt(deg_ref[...] + 1.0)
    xw = jnp.dot(x_ref[...], w_ref[...], preferred_element_type=jnp.float32)
    o_ref[...] = dis * xw


def _lin1(deg_col, x, W1):
    return pl.pallas_call(
        _lin1_body,
        grid=(N // _RB,),
        in_specs=[
            pl.BlockSpec((_RB, 1), lambda i: (i, 0)),
            pl.BlockSpec((_RB, D_IN), lambda i: (i, 0)),
            pl.BlockSpec((D_IN, D_HID), lambda i: (0, 0)),
        ],
        out_specs=pl.BlockSpec((_RB, D_HID), lambda i: (i, 0)),
        out_shape=jax.ShapeDtypeStruct((N, D_HID), jnp.float32),
    )(deg_col, x, W1)


def _lin2_body(deg_ref, aa_ref, ab_ref, s1_ref, b1_ref, w2_ref, o_ref):
    dis = lax.rsqrt(deg_ref[...] + 1.0)
    h1 = dis * (aa_ref[...] + ab_ref[...] + s1_ref[...]) + b1_ref[...]
    h1 = jnp.maximum(h1, 0.0)
    o_ref[...] = dis * jnp.dot(h1, w2_ref[...],
                               preferred_element_type=jnp.float32)


def _lin2(deg_col, agg_a, agg_b, scaled1, b1_row, W2):
    return pl.pallas_call(
        _lin2_body,
        grid=(N // _RB,),
        in_specs=[
            pl.BlockSpec((_RB, 1), lambda i: (i, 0)),
            pl.BlockSpec((_RB, D_HID), lambda i: (i, 0)),
            pl.BlockSpec((_RB, D_HID), lambda i: (i, 0)),
            pl.BlockSpec((_RB, D_HID), lambda i: (i, 0)),
            pl.BlockSpec((1, D_HID), lambda i: (0, 0)),
            pl.BlockSpec((D_HID, D_OUT), lambda i: (0, 0)),
        ],
        out_specs=pl.BlockSpec((_RB, D_OUT), lambda i: (i, 0)),
        out_shape=jax.ShapeDtypeStruct((N, D_OUT), jnp.float32),
    )(deg_col, agg_a, agg_b, scaled1, b1_row, W2)


def _h2_body(deg_ref, aa_ref, ab_ref, s2_ref, b2_ref, o_ref):
    dis = lax.rsqrt(deg_ref[...] + 1.0)
    tot = (aa_ref[...] + ab_ref[...] + s2_ref[...])
    o_ref[...] = dis * tot + b2_ref[...]


def _h2(deg_col, agg_a, agg_b, scaled2, b2_row):
    return pl.pallas_call(
        _h2_body,
        grid=(N // _RB,),
        in_specs=[
            pl.BlockSpec((_RB, 1), lambda i: (i, 0)),
            pl.BlockSpec((_RB, D_OUT), lambda i: (i, 0)),
            pl.BlockSpec((_RB, D_OUT), lambda i: (i, 0)),
            pl.BlockSpec((_RB, D_OUT), lambda i: (i, 0)),
            pl.BlockSpec((1, D_OUT), lambda i: (0, 0)),
        ],
        out_specs=pl.BlockSpec((_RB, D_OUT), lambda i: (i, 0)),
        out_shape=jax.ShapeDtypeStruct((N, D_OUT), jnp.float32),
    )(deg_col, agg_a, agg_b, scaled2, b2_row)


_DB = 400


def _dec_body(hi_ref, hf_ref, o_ref):
    p = lax.dot_general(hi_ref[...], hf_ref[...], (((1,), (1,)), ((), ())),
                        preferred_element_type=jnp.float32)
    o_ref[...] = jax.nn.sigmoid(p)


def _decode(h2):
    return pl.pallas_call(
        _dec_body,
        grid=(N // _DB,),
        in_specs=[
            pl.BlockSpec((_DB, D_OUT), lambda i: (i, 0)),
            pl.BlockSpec((N, D_OUT), lambda i: (0, 0)),
        ],
        out_specs=pl.BlockSpec((_DB, N), lambda i: (i, 0)),
        out_shape=jax.ShapeDtypeStruct((N, N), jnp.float32),
    )(h2, h2)


def kernel(x, edge_index, W1, b1, W2, b2):
    src = edge_index[0].astype(jnp.int32)
    dst = edge_index[1].astype(jnp.int32)
    pad = E_PAD - E
    pad_src = (jnp.arange(pad, dtype=jnp.int32) * 2003) % N
    pad_dst = jnp.full((pad,), JUNK, jnp.int32)
    src_p = jnp.concatenate([src, pad_src])
    dst_p = jnp.concatenate([dst, pad_dst])
    idx3d = jnp.stack([src_p.reshape(NCHUNK, CHUNK),
                       dst_p.reshape(NCHUNK, CHUNK)], axis=1)
    dst2d = dst.reshape(_DEG_ROWS, 128)

    zeros640 = jnp.zeros((640,), jnp.float32)
    ones128 = jnp.ones((128,), jnp.float32)
    zrows_h = jnp.zeros((ZROWS, D_HID), jnp.float32)
    zrows_o = jnp.zeros((ZROWS, D_OUT), jnp.float32)

    deg_pad = _deg_kernel(dst2d, zeros640, ones128)
    deg_col = deg_pad[:N].reshape(N, 1)

    scaled1 = _lin1(deg_col, x, W1)
    a1a, a1b = _agg128(idx3d, scaled1, zrows_h)
    scaled2 = _lin2(deg_col, a1a, a1b, scaled1, b1.reshape(1, D_HID), W2)
    a2a, a2b = _agg64(idx3d, scaled2, zrows_o)
    h2 = _h2(deg_col, a2a, a2b, scaled2, b2.reshape(1, D_OUT))
    return _decode(h2)

# --- scband reference (transcript-rebuilt; emitter-appended) ---
"""Pipeline reference for scband-intra-lp-49624052138626 (READ-ONLY COPY).

The authoritative reference and input builder live on the scoring server;
editing this copy changes nothing except your own understanding.
"""

import jax, jax.numpy as jnp
import numpy as np

N_NODES = 10000
N_EDGES = 320000
D_IN = 128
D_HID = 128
D_OUT = 64


def setup_inputs(seed: int = 0) -> dict:
    key = jax.random.key(seed)
    k_x, k_e, k_w1, k_b1, k_w2, k_b2 = jax.random.split(key, 6)
    x = jax.random.normal(k_x, (N_NODES, D_IN), dtype=jnp.float32)
    edge_index = jax.random.randint(k_e, (2, N_EDGES), 0, N_NODES, dtype=jnp.int64)
    # GCNConv weights (glorot-ish init)
    W1 = jax.random.normal(k_w1, (D_IN, D_HID), dtype=jnp.float32) * (1.0 / np.sqrt(D_IN))
    b1 = jnp.zeros((D_HID,), dtype=jnp.float32)
    W2 = jax.random.normal(k_w2, (D_HID, D_OUT), dtype=jnp.float32) * (1.0 / np.sqrt(D_HID))
    b2 = jnp.zeros((D_OUT,), dtype=jnp.float32)
    return {"x": x, "edge_index": edge_index, "W1": W1, "b1": b1, "W2": W2, "b2": b2}


def _gcn_conv(x, edge_index, W, b):
    # torch_geometric GCNConv: add self-loops, symmetric normalization, linear transform, scatter-add
    N = x.shape[0]
    self_idx = jnp.arange(N, dtype=edge_index.dtype)
    src = jnp.concatenate([edge_index[0], self_idx])
    dst = jnp.concatenate([edge_index[1], self_idx])
    ones = jnp.ones(src.shape[0], dtype=x.dtype)
    deg = jax.ops.segment_sum(ones, dst, num_segments=N)
    deg_inv_sqrt = jnp.where(deg > 0, jax.lax.rsqrt(jnp.maximum(deg, 1e-12)), 0.0)
    norm = deg_inv_sqrt[src] * deg_inv_sqrt[dst]
    xw = x @ W
    msgs = xw[src] * norm[:, None]
    out = jax.ops.segment_sum(msgs, dst, num_segments=N)
    return out + b


def reference(x, edge_index, W1, b1, W2, b2):
    h = _gcn_conv(x, edge_index, W1, b1)
    h = jax.nn.relu(h)
    h = _gcn_conv(h, edge_index, W2, b2)
    decode = jax.nn.sigmoid(h @ h.T)
    return decode

if __name__ == "__main__":
    import jax
    _d = setup_inputs()
    print(jax.jit(kernel)(*tuple(_d.values())))

</pallas_src>

<mosaic_0001>
#map = affine_map<(d0, d1) -> (0, 0)>
#map1 = affine_map<(d0, d1) -> (0)>
module attributes {stable_mosaic.version = 14 : i64} {
  func.func @_deg_kernel(%arg0: i32, %arg1: i32, %arg2: memref<2500x128xi32, #tpu.memory_space<hbm>>, %arg3: memref<640xf32, #tpu.memory_space<hbm>>, %arg4: memref<128xf32, #tpu.memory_space<hbm>>, %arg5: memref<10240xf32, #tpu.memory_space<hbm>>, %arg6: memref<10240xf32, #tpu.memory_space<vmem_shared>>, %arg7: memref<160x128xi32, #tpu.memory_space<vmem>>, %arg8: memref<128xf32, #tpu.memory_space<vmem>>, %arg9: memref<!tpu.dma_semaphore, #tpu.memory_space<semaphore_mem>>) attributes {dimension_semantics = [#tpu.dimension_semantics<core_parallel>, #tpu.dimension_semantics<subcore_parallel>], iteration_bounds = array<i64: 2, 16>, scalar_prefetch = 0 : i64, scratch_operands = 4 : i64, tpu.core_type = #tpu.core_type<sc_vector_subcore>, window_params = [{transform_indices = #map}, {transform_indices = #map1}, {transform_indices = #map1}, {transform_indices = #map1}]} {
    %eq3A = arith.constant 0 : i32
    %eq3A_0 = arith.cmpi eq, %arg0, %eq3A : i32
    %convert_element_type3A = arith.extui %eq3A_0 : i1 to i32
    %cond3A = arith.constant 0 : i32
    %cond3A_1 = arith.cmpi ne, %convert_element_type3A, %cond3A : i32
    scf.if %cond3A_1 {
      %mul3A = arith.constant 640 : i32
      %mul3A_2 = arith.muli %arg1, %mul3A : i32
      "tpu.region"() ({
        %run_scoped3A = tpu.sem_alloc : memref<!tpu.dma_semaphore, #tpu.memory_space<semaphore_mem>>
        %dma_start3A = tpu.memref_slice %arg6[%mul3A_2] : memref<10240xf32, #tpu.memory_space<vmem_shared>> -> memref<640xf32, #tpu.memory_space<vmem_shared>>
        tpu.enqueue_dma source(%arg3 : memref<640xf32, #tpu.memory_space<hbm>>) target(%dma_start3A : memref<640xf32, #tpu.memory_space<vmem_shared>>) target_semaphore(%run_scoped3A : memref<!tpu.dma_semaphore, #tpu.memory_space<semaphore_mem>>)
        %dma_wait3A = tpu.memref_slice %arg6[%mul3A_2] : memref<10240xf32, #tpu.memory_space<vmem_shared>> -> memref<640xf32, #tpu.memory_space<vmem_shared>>
        tpu.wait_dma2 semaphore(%run_scoped3A : memref<!tpu.dma_semaphore, #tpu.memory_space<semaphore_mem>>) src(%arg3 : memref<640xf32, #tpu.memory_space<hbm>>) dst(%dma_wait3A : memref<640xf32, #tpu.memory_space<vmem_shared>>)
        tpu.yield
      }) : () -> ()
      "tpu.region"() ({
        %run_scoped3A = tpu.sem_alloc : memref<!tpu.dma_semaphore, #tpu.memory_space<semaphore_mem>>
        tpu.enqueue_dma source(%arg4 : memref<128xf32, #tpu.memory_space<hbm>>) target(%arg8 : memref<128xf32, #tpu.memory_space<vmem>>) target_semaphore(%run_scoped3A : memref<!tpu.dma_semaphore, #tpu.memory_space<semaphore_mem>>)
        tpu.wait_dma2 semaphore(%run_scoped3A : memref<!tpu.dma_semaphore, #tpu.memory_space<semaphore_mem>>) src(%arg4 : memref<128xf32, #tpu.memory_space<hbm>>) dst(%arg8 : memref<128xf32, #tpu.memory_space<vmem>>)
        tpu.yield
      }) : () -> ()
      %lt3A = arith.constant 15 : i32
      %lt3A_3 = arith.cmpi slt, %arg1, %lt3A : i32
      %convert_element_type3A_4 = arith.extui %lt3A_3 : i1 to i32
      %cond3A_5 = arith.constant 0 : i32
      %cond3A_6 = arith.cmpi ne, %convert_element_type3A_4, %cond3A_5 : i32
      scf.if %cond3A_6 {
        %mul3A_23 = arith.constant 160 : i32
        %mul3A_24 = arith.muli %arg1, %mul3A_23 : i32
        "tpu.region"() ({
          %run_scoped3A = tpu.sem_alloc : memref<!tpu.dma_semaphore, #tpu.memory_space<semaphore_mem>>
          %dma_start3A = arith.constant 0 : i32
          %dma_start3A_25 = tpu.memref_slice %arg2[%mul3A_24, %dma_start3A] : memref<2500x128xi32, #tpu.memory_space<hbm>> -> memref<160x128xi32, #tpu.memory_space<hbm>>
          %dma_start3A_26 = arith.constant 0 : i32
          %dma_start3A_27 = tpu.memref_slice %arg2[%mul3A_24, %dma_start3A_26] : memref<2500x128xi32, #tpu.memory_space<hbm>> -> memref<160x128xi32, #tpu.memory_space<hbm>>
          tpu.enqueue_dma source(%dma_start3A_27 : memref<160x128xi32, #tpu.memory_space<hbm>>) target(%arg7 : memref<160x128xi32, #tpu.memory_space<vmem>>) target_semaphore(%run_scoped3A : memref<!tpu.dma_semaphore, #tpu.memory_space<semaphore_mem>>)
          %dma_wait3A = arith.constant 0 : i32
          %dma_wait3A_28 = tpu.memref_slice %arg2[%mul3A_24, %dma_wait3A] : memref<2500x128xi32, #tpu.memory_space<hbm>> -> memref<160x128xi32, #tpu.memory_space<hbm>>
          %dma_wait3A_29 = arith.constant 0 : i32
          %dma_wait3A_30 = tpu.memref_slice %arg2[%mul3A_24, %dma_wait3A_29] : memref<2500x128xi32, #tpu.memory_space<hbm>> -> memref<160x128xi32, #tpu.memory_space<hbm>>
          tpu.wait_dma2 semaphore(%run_scoped3A : memref<!tpu.dma_semaphore, #tpu.memory_space<semaphore_mem>>) src(%dma_wait3A_30 : memref<160x128xi32, #tpu.memory_space<hbm>>) dst(%arg7 : memref<160x128xi32, #tpu.memory_space<vmem>>)
          tpu.yield
        }) : () -> ()
      } else {
      }
      %eq3A_7 = arith.constant 15 : i32
      %eq3A_8 = arith.cmpi eq, %arg1, %eq3A_7 : i32
      %convert_element_type3A_9 = arith.extui %eq3A_8 : i1 to i32
      %cond3A_10 = arith.constant 0 : i32
      %cond3A_11 = arith.cmpi ne, %convert_element_type3A_9, %cond3A_10 : i32
      scf.if %cond3A_11 {
        "tpu.region"() ({
          %run_scoped3A = tpu.sem_alloc : memref<!tpu.dma_semaphore, #tpu.memory_space<semaphore_mem>>
          %dma_start3A = arith.constant 0 : i32
          %dma_start3A_23 = arith.constant 0 : i32
          %dma_start3A_24 = tpu.memref_slice %arg7[%dma_start3A, %dma_start3A_23] : memref<160x128xi32, #tpu.memory_space<vmem>> -> memref<100x128xi32, #tpu.memory_space<vmem>>
          %dma_start3A_25 = arith.constant 2400 : i32
          %dma_start3A_26 = arith.constant 0 : i32
          %dma_start3A_27 = tpu.memref_slice %arg2[%dma_start3A_25, %dma_start3A_26] : memref<2500x128xi32, #tpu.memory_space<hbm>> -> memref<100x128xi32, #tpu.memory_space<hbm>>
          %dma_start3A_28 = arith.constant 0 : i32
          %dma_start3A_29 = arith.constant 0 : i32
          %dma_start3A_30 = tpu.memref_slice %arg7[%dma_start3A_28, %dma_start3A_29] : memref<160x128xi32, #tpu.memory_space<vmem>> -> memref<100x128xi32, #tpu.memory_space<vmem>>
          %dma_start3A_31 = arith.constant 2400 : i32
          %dma_start3A_32 = arith.constant 0 : i32
          %dma_start3A_33 = tpu.memref_slice %arg2[%dma_start3A_31, %dma_start3A_32] : memref<2500x128xi32, #tpu.memory_space<hbm>> -> memref<100x128xi32, #tpu.memory_space<hbm>>
          tpu.enqueue_dma source(%dma_start3A_33 : memref<100x128xi32, #tpu.memory_space<hbm>>) target(%dma_start3A_30 : memref<100x128xi32, #tpu.memory_space<vmem>>) target_semaphore(%run_scoped3A : memref<!tpu.dma_semaphore, #tpu.memory_space<semaphore_mem>>)
          %dma_wait3A = arith.constant 0 : i32
          %dma_wait3A_34 = arith.constant 0 : i32
          %dma_wait3A_35 = tpu.memref_slice %arg7[%dma_wait3A, %dma_wait3A_34] : memref<160x128xi32, #tpu.memory_space<vmem>> -> memref<100x128xi32, #tpu.memory_space<vmem>>
          %dma_wait3A_36 = arith.constant 2400 : i32
          %dma_wait3A_37 = arith.constant 0 : i32
          %dma_wait3A_38 = tpu.memref_slice %arg2[%dma_wait3A_36, %dma_wait3A_37] : memref<2500x128xi32, #tpu.memory_space<hbm>> -> memref<100x128xi32, #tpu.memory_space<hbm>>
          %dma_wait3A_39 = arith.constant 0 : i32
          %dma_wait3A_40 = arith.constant 0 : i32
          %dma_wait3A_41 = tpu.memref_slice %arg7[%dma_wait3A_39, %dma_wait3A_40] : memref<160x128xi32, #tpu.memory_space<vmem>> -> memref<100x128xi32, #tpu.memory_space<vmem>>
          %dma_wait3A_42 = arith.constant 2400 : i32
          %dma_wait3A_43 = arith.constant 0 : i32
          %dma_wait3A_44 = tpu.memref_slice %arg2[%dma_wait3A_42, %dma_wait3A_43] : memref<2500x128xi32, #tpu.memory_space<hbm>> -> memref<100x128xi32, #tpu.memory_space<hbm>>
          tpu.wait_dma2 semaphore(%run_scoped3A : memref<!tpu.dma_semaphore, #tpu.memory_space<semaphore_mem>>) src(%dma_wait3A_44 : memref<100x128xi32, #tpu.memory_space<hbm>>) dst(%dma_wait3A_41 : memref<100x128xi32, #tpu.memory_space<vmem>>)
          tpu.yield
        }) : () -> ()
      } else {
      }
      %barrier3A = arith.constant 0 : index
      tpu.barrier barrier_id(%barrier3A)
      %lt3A_12 = arith.constant 15 : i32
      %lt3A_13 = arith.cmpi slt, %arg1, %lt3A_12 : i32
      %convert_element_type3A_14 = arith.extui %lt3A_13 : i1 to i32
      %cond3A_15 = arith.constant 0 : i32
      %cond3A_16 = arith.cmpi ne, %convert_element_type3A_14, %cond3A_15 : i32
      scf.if %cond3A_16 {
        %scan3A = arith.constant 0 : i32
        %scan3A_23 = arith.constant 0 : i32
        %scan3A_24 = arith.constant 160 : i32
        %scan3A_25 = arith.addi %scan3A_23, %scan3A_24 : i32
        %scan3A_26 = arith.constant 1 : i32
        scf.for %scan3A_34 = %scan3A_23 to %scan3A_25 step %scan3A_26  : i32 {
          %dma_start3A = arith.constant 0 : i32
          %dma_start3A_35 = tpu.memref_slice %arg7[%scan3A_34, %dma_start3A] : memref<160x128xi32, #tpu.memory_space<vmem>> -> memref<1x128xi32, #tpu.memory_space<vmem>>
          %dma_start3A_36 = tpu.memref_squeeze %dma_start3A_35 : memref<1x128xi32, #tpu.memory_space<vmem>> -> memref<128xi32, #tpu.memory_space<vmem>>
          %dma_start3A_37 = arith.constant 0 : i32
          %dma_start3A_38 = tpu.memref_slice %arg6[%dma_start3A_37] : memref<10240xf32, #tpu.memory_space<vmem_shared>> -> memref<10240xf32, #tpu.memory_space<vmem_shared>>
          tpu.enqueue_indirect_dma source(%arg8 : memref<128xf32, #tpu.memory_space<vmem>>) target(%dma_start3A_38 : memref<10240xf32, #tpu.memory_space<vmem_shared>>) offsets(%dma_start3A_36 : memref<128xi32, #tpu.memory_space<vmem>>) semaphore(%arg9 : memref<!tpu.dma_semaphore, #tpu.memory_space<semaphore_mem>>) {add = true}
        }
        %scan3A_27 = arith.constant 160 : i32
        %scan3A_28 = arith.constant 0 : i32
        %scan3A_29 = arith.constant 0 : i32
        %scan3A_30 = arith.constant 160 : i32
        %scan3A_31 = arith.addi %scan3A_29, %scan3A_30 : i32
        %scan3A_32 = arith.constant 1 : i32
        scf.for %scan3A_34 = %scan3A_29 to %scan3A_31 step %scan3A_32  : i32 {
          tpu.wait_dma2 semaphore(%arg9 : memref<!tpu.dma_semaphore, #tpu.memory_space<semaphore_mem>>) src(%arg4 : memref<128xf32, #tpu.memory_space<hbm>>) dst(%arg8 : memref<128xf32, #tpu.memory_space<vmem>>)
        }
        %scan3A_33 = arith.constant 160 : i32
      } else {
      }
      %eq3A_17 = arith.constant 15 : i32
      %eq3A_18 = arith.cmpi eq, %arg1, %eq3A_17 : i32
      %convert_element_type3A_19 = arith.extui %eq3A_18 : i1 to i32
      %cond3A_20 = arith.constant 0 : i32
      %cond3A_21 = arith.cmpi ne, %convert_element_type3A_19, %cond3A_20 : i32
      scf.if %cond3A_21 {
        %scan3A = arith.constant 0 : i32
        %scan3A_23 = arith.constant 0 : i32
        %scan3A_24 = arith.constant 100 : i32
        %scan3A_25 = arith.addi %scan3A_23, %scan3A_24 : i32
        %scan3A_26 = arith.constant 1 : i32
        scf.for %scan3A_34 = %scan3A_23 to %scan3A_25 step %scan3A_26  : i32 {
          %dma_start3A = arith.constant 0 : i32
          %dma_start3A_35 = tpu.memref_slice %arg7[%scan3A_34, %dma_start3A] : memref<160x128xi32, #tpu.memory_space<vmem>> -> memref<1x128xi32, #tpu.memory_space<vmem>>
          %dma_start3A_36 = tpu.memref_squeeze %dma_start3A_35 : memref<1x128xi32, #tpu.memory_space<vmem>> -> memref<128xi32, #tpu.memory_space<vmem>>
          %dma_start3A_37 = arith.constant 0 : i32
          %dma_start3A_38 = tpu.memref_slice %arg6[%dma_start3A_37] : memref<10240xf32, #tpu.memory_space<vmem_shared>> -> memref<10240xf32, #tpu.memory_space<vmem_shared>>
          tpu.enqueue_indirect_dma source(%arg8 : memref<128xf32, #tpu.memory_space<vmem>>) target(%dma_start3A_38 : memref<10240xf32, #tpu.memory_space<vmem_shared>>) offsets(%dma_start3A_36 : memref<128xi32, #tpu.memory_space<vmem>>) semaphore(%arg9 : memref<!tpu.dma_semaphore, #tpu.memory_space<semaphore_mem>>) {add = true}
        }
        %scan3A_27 = arith.constant 100 : i32
        %scan3A_28 = arith.constant 0 : i32
        %scan3A_29 = arith.constant 0 : i32
        %scan3A_30 = arith.constant 100 : i32
        %scan3A_31 = arith.addi %scan3A_29, %scan3A_30 : i32
        %scan3A_32 = arith.constant 1 : i32
        scf.for %scan3A_34 = %scan3A_29 to %scan3A_31 step %scan3A_32  : i32 {
          tpu.wait_dma2 semaphore(%arg9 : memref<!tpu.dma_semaphore, #tpu.memory_space<semaphore_mem>>) src(%arg4 : memref<128xf32, #tpu.memory_space<hbm>>) dst(%arg8 : memref<128xf32, #tpu.memory_space<vmem>>)
        }
        %scan3A_33 = arith.constant 100 : i32
      } else {
      }
      %barrier3A_22 = arith.constant 0 : index
      tpu.barrier barrier_id(%barrier3A_22)
      "tpu.region"() ({
        %run_scoped3A = tpu.sem_alloc : memref<!tpu.dma_semaphore, #tpu.memory_space<semaphore_mem>>
        %dma_start3A = tpu.memref_slice %arg5[%mul3A_2] : memref<10240xf32, #tpu.memory_space<hbm>> -> memref<640xf32, #tpu.memory_space<hbm>>
        %dma_start3A_23 = tpu.memref_slice %arg6[%mul3A_2] : memref<10240xf32, #tpu.memory_space<vmem_shared>> -> memref<640xf32, #tpu.memory_space<vmem_shared>>
        tpu.enqueue_dma source(%dma_start3A_23 : memref<640xf32, #tpu.memory_space<vmem_shared>>) target(%dma_start3A : memref<640xf32, #tpu.memory_space<hbm>>) target_semaphore(%run_scoped3A : memref<!tpu.dma_semaphore, #tpu.memory_space<semaphore_mem>>)
        %dma_wait3A = tpu.memref_slice %arg5[%mul3A_2] : memref<10240xf32, #tpu.memory_space<hbm>> -> memref<640xf32, #tpu.memory_space<hbm>>
        %dma_wait3A_24 = tpu.memref_slice %arg6[%mul3A_2] : memref<10240xf32, #tpu.memory_space<vmem_shared>> -> memref<640xf32, #tpu.memory_space<vmem_shared>>
        tpu.wait_dma2 semaphore(%run_scoped3A : memref<!tpu.dma_semaphore, #tpu.memory_space<semaphore_mem>>) src(%dma_wait3A_24 : memref<640xf32, #tpu.memory_space<vmem_shared>>) dst(%dma_wait3A : memref<640xf32, #tpu.memory_space<hbm>>)
        tpu.yield
      }) : () -> ()
    } else {
    }
    return
  }
}

#map = affine_map<(d0, d1) -> (0, 0, 0)>
#map1 = affine_map<(d0, d1) -> (0, 0)>
module attributes {stable_mosaic.version = 14 : i64} {
  func.func @agg(%arg0: i32, %arg1: i32, %arg2: memref<5120x2x64xi32, #tpu.memory_space<hbm>>, %arg3: memref<10000x128xf32, #tpu.memory_space<hbm>>, %arg4: memref<640x128xf32, #tpu.memory_space<hbm>>, %arg5: memref<10240x128xf32, #tpu.memory_space<hbm>>, %arg6: memref<10240x128xf32, #tpu.memory_space<hbm>>, %arg7: memref<10240x128xf32, #tpu.memory_space<vmem_shared>>, %arg8: memref<2x64xi32, #tpu.memory_space<vmem>>, %arg9: memref<2x64xi32, #tpu.memory_space<vmem>>, %arg10: memref<2x64xi32, #tpu.memory_space<vmem>>, %arg11: memref<2x64xi32, #tpu.memory_space<vmem>>, %arg12: memref<2x64xi32, #tpu.memory_space<vmem>>, %arg13: memref<64x128xf32, #tpu.memory_space<vmem>>, %arg14: memref<64x128xf32, #tpu.memory_space<vmem>>, %arg15: memref<64x128xf32, #tpu.memory_space<vmem>>, %arg16: memref<64x128xf32, #tpu.memory_space<vmem>>, %arg17: memref<64x128xf32, #tpu.memory_space<vmem>>, %arg18: memref<!tpu.dma_semaphore, #tpu.memory_space<semaphore_mem>>, %arg19: memref<!tpu.dma_semaphore, #tpu.memory_space<semaphore_mem>>, %arg20: memref<!tpu.dma_semaphore, #tpu.memory_space<semaphore_mem>>, %arg21: memref<!tpu.dma_semaphore, #tpu.memory_space<semaphore_mem>>, %arg22: memref<!tpu.dma_semaphore, #tpu.memory_space<semaphore_mem>>, %arg23: memref<!tpu.dma_semaphore, #tpu.memory_space<semaphore_mem>>, %arg24: memref<!tpu.dma_semaphore, #tpu.memory_space<semaphore_mem>>, %arg25: memref<!tpu.dma_semaphore, #tpu.memory_space<semaphore_mem>>, %arg26: memref<!tpu.dma_semaphore, #tpu.memory_space<semaphore_mem>>, %arg27: memref<!tpu.dma_semaphore, #tpu.memory_space<semaphore_mem>>, %arg28: memref<!tpu.dma_semaphore, #tpu.memory_space<semaphore_mem>>, %arg29: memref<!tpu.dma_semaphore, #tpu.memory_space<semaphore_mem>>, %arg30: memref<!tpu.dma_semaphore, #tpu.memory_space<semaphore_mem>>, %arg31: memref<!tpu.dma_semaphore, #tpu.memory_space<semaphore_mem>>, %arg32: memref<!tpu.dma_semaphore, #tpu.memory_space<semaphore_mem>>) attributes {dimension_semantics = [#tpu.dimension_semantics<core_parallel>, #tpu.dimension_semantics<subcore_parallel>], iteration_bounds = array<i64: 2, 16>, scalar_prefetch = 0 : i64, scratch_operands = 26 : i64, tpu.core_type = #tpu.core_type<sc_vector_subcore>, window_params = [{transform_indices = #map}, {transform_indices = #map1}, {transform_indices = #map1}, {transform_indices = #map1}, {transform_indices = #map1}]} {
    %mul3A = arith.constant 2 : i32
    %mul3A_0 = arith.muli %arg1, %mul3A : i32
    %add3A = arith.addi %mul3A_0, %arg0 : i32
    %mul3A_1 = arith.constant 160 : i32
    %mul3A_2 = arith.muli %add3A, %mul3A_1 : i32
    %mul3A_3 = arith.constant 640 : i32
    %mul3A_4 = arith.muli %arg1, %mul3A_3 : i32
    "tpu.region"() ({
      %run_scoped3A = tpu.sem_alloc : memref<!tpu.dma_semaphore, #tpu.memory_space<semaphore_mem>>
      %dma_start3A_176 = arith.constant 0 : i32
      %dma_start3A_177 = tpu.memref_slice %arg7[%mul3A_4, %dma_start3A_176] : memref<10240x128xf32, #tpu.memory_space<vmem_shared>> -> memref<640x128xf32, #tpu.memory_space<vmem_shared>>
      tpu.enqueue_dma source(%arg4 : memref<640x128xf32, #tpu.memory_space<hbm>>) target(%dma_start3A_177 : memref<640x128xf32, #tpu.memory_space<vmem_shared>>) target_semaphore(%run_scoped3A : memref<!tpu.dma_semaphore, #tpu.memory_space<semaphore_mem>>)
      %dma_wait3A_178 = arith.constant 0 : i32
      %dma_wait3A_179 = tpu.memref_slice %arg7[%mul3A_4, %dma_wait3A_178] : memref<10240x128xf32, #tpu.memory_space<vmem_shared>> -> memref<640x128xf32, #tpu.memory_space<vmem_shared>>
      tpu.wait_dma2 semaphore(%run_scoped3A : memref<!tpu.dma_semaphore, #tpu.memory_space<semaphore_mem>>) src(%arg4 : memref<640x128xf32, #tpu.memory_space<hbm>>) dst(%dma_wait3A_179 : memref<640x128xf32, #tpu.memory_space<vmem_shared>>)
      tpu.yield
    }) : () -> ()
    %barrier3A = arith.constant 0 : index
    tpu.barrier barrier_id(%barrier3A)
    %add3A_5 = arith.constant 0 : i32
    %add3A_6 = arith.addi %mul3A_2, %add3A_5 : i32
    %dma_start3A = arith.constant 0 : i32
    %dma_start3A_7 = arith.constant 0 : i32
    %dma_start3A_8 = tpu.memref_slice %arg2[%add3A_6, %dma_start3A, %dma_start3A_7] : memref<5120x2x64xi32, #tpu.memory_space<hbm>> -> memref<1x2x64xi32, #tpu.memory_space<hbm>>
    %dma_start3A_9 = tpu.memref_squeeze %dma_start3A_8 : memref<1x2x64xi32, #tpu.memory_space<hbm>> -> memref<2x64xi32, #tpu.memory_space<hbm>>
    %dma_start3A_10 = arith.constant 0 : i32
    %dma_start3A_11 = arith.constant 0 : i32
    %dma_start3A_12 = tpu.memref_slice %arg2[%add3A_6, %dma_start3A_10, %dma_start3A_11] : memref<5120x2x64xi32, #tpu.memory_space<hbm>> -> memref<1x2x64xi32, #tpu.memory_space<hbm>>
    %dma_start3A_13 = tpu.memref_squeeze %dma_start3A_12 : memref<1x2x64xi32, #tpu.memory_space<hbm>> -> memref<2x64xi32, #tpu.memory_space<hbm>>
    tpu.enqueue_dma source(%dma_start3A_13 : memref<2x64xi32, #tpu.memory_space<hbm>>) target(%arg8 : memref<2x64xi32, #tpu.memory_space<vmem>>) target_semaphore(%arg18 : memref<!tpu.dma_semaphore, #tpu.memory_space<semaphore_mem>>)
    %add3A_14 = arith.constant 1 : i32
    %add3A_15 = arith.addi %mul3A_2, %add3A_14 : i32
    %dma_start3A_16 = arith.constant 0 : i32
    %dma_start3A_17 = arith.constant 0 : i32
    %dma_start3A_18 = tpu.memref_slice %arg2[%add3A_15, %dma_start3A_16, %dma_start3A_17] : memref<5120x2x64xi32, #tpu.memory_space<hbm>> -> memref<1x2x64xi32, #tpu.memory_space<hbm>>
    %dma_start3A_19 = tpu.memref_squeeze %dma_start3A_18 : memref<1x2x64xi32, #tpu.memory_space<hbm>> -> memref<2x64xi32, #tpu.memory_space<hbm>>
    %dma_start3A_20 = arith.constant 0 : i32
    %dma_start3A_21 = arith.constant 0 : i32
    %dma_start3A_22 = tpu.memref_slice %arg2[%add3A_15, %dma_start3A_20, %dma_start3A_21] : memref<5120x2x64xi32, #tpu.memory_space<hbm>> -> memref<1x2x64xi32, #tpu.memory_space<hbm>>
    %dma_start3A_23 = tpu.memref_squeeze %dma_start3A_22 : memref<1x2x64xi32, #tpu.memory_space<hbm>> -> memref<2x64xi32, #tpu.memory_space<hbm>>
    tpu.enqueue_dma source(%dma_start3A_23 : memref<2x64xi32, #tpu.memory_space<hbm>>) target(%arg9 : memref<2x64xi32, #tpu.memory_space<vmem>>) target_semaphore(%arg19 : memref<!tpu.dma_semaphore, #tpu.memory_space<semaphore_mem>>)
    %add3A_24 = arith.constant 2 : i32
    %add3A_25 = arith.addi %mul3A_2, %add3A_24 : i32
    %dma_start3A_26 = arith.constant 0 : i32
    %dma_start3A_27 = arith.constant 0 : i32
    %dma_start3A_28 = tpu.memref_slice %arg2[%add3A_25, %dma_start3A_26, %dma_start3A_27] : memref<5120x2x64xi32, #tpu.memory_space<hbm>> -> memref<1x2x64xi32, #tpu.memory_space<hbm>>
    %dma_start3A_29 = tpu.memref_squeeze %dma_start3A_28 : memref<1x2x64xi32, #tpu.memory_space<hbm>> -> memref<2x64xi32, #tpu.memory_space<hbm>>
    %dma_start3A_30 = arith.constant 0 : i32
    %dma_start3A_31 = arith.constant 0 : i32
    %dma_start3A_32 = tpu.memref_slice %arg2[%add3A_25, %dma_start3A_30, %dma_start3A_31] : memref<5120x2x64xi32, #tpu.memory_space<hbm>> -> memref<1x2x64xi32, #tpu.memory_space<hbm>>
    %dma_start3A_33 = tpu.memref_squeeze %dma_start3A_32 : memref<1x2x64xi32, #tpu.memory_space<hbm>> -> memref<2x64xi32, #tpu.memory_space<hbm>>
    tpu.enqueue_dma source(%dma_start3A_33 : memref<2x64xi32, #tpu.memory_space<hbm>>) target(%arg10 : memref<2x64xi32, #tpu.memory_space<vmem>>) target_semaphore(%arg20 : memref<!tpu.dma_semaphore, #tpu.memory_space<semaphore_mem>>)
    %add3A_34 = arith.constant 3 : i32
    %add3A_35 = arith.addi %mul3A_2, %add3A_34 : i32
    %dma_start3A_36 = arith.constant 0 : i32
    %dma_start3A_37 = arith.constant 0 : i32
    %dma_start3A_38 = tpu.memref_slice %arg2[%add3A_35, %dma_start3A_36, %dma_start3A_37] : memref<5120x2x64xi32, #tpu.memory_space<hbm>> -> memref<1x2x64xi32, #tpu.memory_space<hbm>>
    %dma_start3A_39 = tpu.memref_squeeze %dma_start3A_38 : memref<1x2x64xi32, #tpu.memory_space<hbm>> -> memref<2x64xi32, #tpu.memory_space<hbm>>
    %dma_start3A_40 = arith.constant 0 : i32
    %dma_start3A_41 = arith.constant 0 : i32
    %dma_start3A_42 = tpu.memref_slice %arg2[%add3A_35, %dma_start3A_40, %dma_start3A_41] : memref<5120x2x64xi32, #tpu.memory_space<hbm>> -> memref<1x2x64xi32, #tpu.memory_space<hbm>>
    %dma_start3A_43 = tpu.memref_squeeze %dma_start3A_42 : memref<1x2x64xi32, #tpu.memory_space<hbm>> -> memref<2x64xi32, #tpu.memory_space<hbm>>
    tpu.enqueue_dma source(%dma_start3A_43 : memref<2x64xi32, #tpu.memory_space<hbm>>) target(%arg11 : memref<2x64xi32, #tpu.memory_space<vmem>>) target_semaphore(%arg21 : memref<!tpu.dma_semaphore, #tpu.memory_space<semaphore_mem>>)
    %add3A_44 = arith.constant 4 : i32
    %add3A_45 = arith.addi %mul3A_2, %add3A_44 : i32
    %dma_start3A_46 = arith.constant 0 : i32
    %dma_start3A_47 = arith.constant 0 : i32
    %dma_start3A_48 = tpu.memref_slice %arg2[%add3A_45, %dma_start3A_46, %dma_start3A_47] : memref<5120x2x64xi32, #tpu.memory_space<hbm>> -> memref<1x2x64xi32, #tpu.memory_space<hbm>>
    %dma_start3A_49 = tpu.memref_squeeze %dma_start3A_48 : memref<1x2x64xi32, #tpu.memory_space<hbm>> -> memref<2x64xi32, #tpu.memory_space<hbm>>
    %dma_start3A_50 = arith.constant 0 : i32
    %dma_start3A_51 = arith.constant 0 : i32
    %dma_start3A_52 = tpu.memref_slice %arg2[%add3A_45, %dma_start3A_50, %dma_start3A_51] : memref<5120x2x64xi32, #tpu.memory_space<hbm>> -> memref<1x2x64xi32, #tpu.memory_space<hbm>>
    %dma_start3A_53 = tpu.memref_squeeze %dma_start3A_52 : memref<1x2x64xi32, #tpu.memory_space<hbm>> -> memref<2x64xi32, #tpu.memory_space<hbm>>
    tpu.enqueue_dma source(%dma_start3A_53 : memref<2x64xi32, #tpu.memory_space<hbm>>) target(%arg12 : memref<2x64xi32, #tpu.memory_space<vmem>>) target_semaphore(%arg22 : memref<!tpu.dma_semaphore, #tpu.memory_space<semaphore_mem>>)
    %dma_wait3A = arith.constant 0 : i32
    %dma_wait3A_54 = arith.constant 0 : i32
    %dma_wait3A_55 = arith.constant 0 : i32
    %dma_wait3A_56 = tpu.memref_slice %arg2[%dma_wait3A, %dma_wait3A_54, %dma_wait3A_55] : memref<5120x2x64xi32, #tpu.memory_space<hbm>> -> memref<1x2x64xi32, #tpu.memory_space<hbm>>
    %dma_wait3A_57 = tpu.memref_squeeze %dma_wait3A_56 : memref<1x2x64xi32, #tpu.memory_space<hbm>> -> memref<2x64xi32, #tpu.memory_space<hbm>>
    %dma_wait3A_58 = arith.constant 0 : i32
    %dma_wait3A_59 = arith.constant 0 : i32
    %dma_wait3A_60 = tpu.memref_slice %arg2[%dma_wait3A, %dma_wait3A_58, %dma_wait3A_59] : memref<5120x2x64xi32, #tpu.memory_space<hbm>> -> memref<1x2x64xi32, #tpu.memory_space<hbm>>
    %dma_wait3A_61 = tpu.memref_squeeze %dma_wait3A_60 : memref<1x2x64xi32, #tpu.memory_space<hbm>> -> memref<2x64xi32, #tpu.memory_space<hbm>>
    tpu.wait_dma2 semaphore(%arg18 : memref<!tpu.dma_semaphore, #tpu.memory_space<semaphore_mem>>) src(%dma_wait3A_61 : memref<2x64xi32, #tpu.memory_space<hbm>>) dst(%arg8 : memref<2x64xi32, #tpu.memory_space<vmem>>)
    %dma_start3A_62 = arith.constant 0 : i32
    %dma_start3A_63 = arith.constant 0 : i32
    %dma_start3A_64 = tpu.memref_slice %arg8[%dma_start3A_62, %dma_start3A_63] : memref<2x64xi32, #tpu.memory_space<vmem>> -> memref<1x64xi32, #tpu.memory_space<vmem>>
    %dma_start3A_65 = tpu.memref_squeeze %dma_start3A_64 : memref<1x64xi32, #tpu.memory_space<vmem>> -> memref<64xi32, #tpu.memory_space<vmem>>
    %dma_start3A_66 = arith.constant 0 : i32
    %dma_start3A_67 = arith.constant 0 : i32
    %dma_start3A_68 = tpu.memref_slice %arg3[%dma_start3A_66, %dma_start3A_67] : memref<10000x128xf32, #tpu.memory_space<hbm>> -> memref<10000x128xf32, #tpu.memory_space<hbm>>
    tpu.enqueue_indirect_dma source(%dma_start3A_68 : memref<10000x128xf32, #tpu.memory_space<hbm>>) target(%arg13 : memref<64x128xf32, #tpu.memory_space<vmem>>) offsets(%dma_start3A_65 : memref<64xi32, #tpu.memory_space<vmem>>) semaphore(%arg23 : memref<!tpu.dma_semaphore, #tpu.memory_space<semaphore_mem>>)
    %dma_wait3A_69 = arith.constant 0 : i32
    %dma_wait3A_70 = arith.constant 0 : i32
    %dma_wait3A_71 = arith.constant 0 : i32
    %dma_wait3A_72 = tpu.memref_slice %arg2[%dma_wait3A_69, %dma_wait3A_70, %dma_wait3A_71] : memref<5120x2x64xi32, #tpu.memory_space<hbm>> -> memref<1x2x64xi32, #tpu.memory_space<hbm>>
    %dma_wait3A_73 = tpu.memref_squeeze %dma_wait3A_72 : memref<1x2x64xi32, #tpu.memory_space<hbm>> -> memref<2x64xi32, #tpu.memory_space<hbm>>
    %dma_wait3A_74 = arith.constant 0 : i32
    %dma_wait3A_75 = arith.constant 0 : i32
    %dma_wait3A_76 = tpu.memref_slice %arg2[%dma_wait3A_69, %dma_wait3A_74, %dma_wait3A_75] : memref<5120x2x64xi32, #tpu.memory_space<hbm>> -> memref<1x2x64xi32, #tpu.memory_space<hbm>>
    %dma_wait3A_77 = tpu.memref_squeeze %dma_wait3A_76 : memref<1x2x64xi32, #tpu.memory_space<hbm>> -> memref<2x64xi32, #tpu.memory_space<hbm>>
    tpu.wait_dma2 semaphore(%arg19 : memref<!tpu.dma_semaphore, #tpu.memory_space<semaphore_mem>>) src(%dma_wait3A_77 : memref<2x64xi32, #tpu.memory_space<hbm>>) dst(%arg9 : memref<2x64xi32, #tpu.memory_space<vmem>>)
    %dma_start3A_78 = arith.constant 0 : i32
    %dma_start3A_79 = arith.constant 0 : i32
    %dma_start3A_80 = tpu.memref_slice %arg9[%dma_start3A_78, %dma_start3A_79] : memref<2x64xi32, #tpu.memory_space<vmem>> -> memref<1x64xi32, #tpu.memory_space<vmem>>
    %dma_start3A_81 = tpu.memref_squeeze %dma_start3A_80 : memref<1x64xi32, #tpu.memory_space<vmem>> -> memref<64xi32, #tpu.memory_space<vmem>>
    %dma_start3A_82 = arith.constant 0 : i32
    %dma_start3A_83 = arith.constant 0 : i32
    %dma_start3A_84 = tpu.memref_slice %arg3[%dma_start3A_82, %dma_start3A_83] : memref<10000x128xf32, #tpu.memory_space<hbm>> -> memref<10000x128xf32, #tpu.memory_space<hbm>>
    tpu.enqueue_indirect_dma source(%dma_start3A_84 : memref<10000x128xf32, #tpu.memory_space<hbm>>) target(%arg14 : memref<64x128xf32, #tpu.memory_space<vmem>>) offsets(%dma_start3A_81 : memref<64xi32, #tpu.memory_space<vmem>>) semaphore(%arg24 : memref<!tpu.dma_semaphore, #tpu.memory_space<semaphore_mem>>)
    %dma_wait3A_85 = arith.constant 0 : i32
    %dma_wait3A_86 = arith.constant 0 : i32
    %dma_wait3A_87 = arith.constant 0 : i32
    %dma_wait3A_88 = tpu.memref_slice %arg2[%dma_wait3A_85, %dma_wait3A_86, %dma_wait3A_87] : memref<5120x2x64xi32, #tpu.memory_space<hbm>> -> memref<1x2x64xi32, #tpu.memory_space<hbm>>
    %dma_wait3A_89 = tpu.memref_squeeze %dma_wait3A_88 : memref<1x2x64xi32, #tpu.memory_space<hbm>> -> memref<2x64xi32, #tpu.memory_space<hbm>>
    %dma_wait3A_90 = arith.constant 0 : i32
    %dma_wait3A_91 = arith.constant 0 : i32
    %dma_wait3A_92 = tpu.memref_slice %arg2[%dma_wait3A_85, %dma_wait3A_90, %dma_wait3A_91] : memref<5120x2x64xi32, #tpu.memory_space<hbm>> -> memref<1x2x64xi32, #tpu.memory_space<hbm>>
    %dma_wait3A_93 = tpu.memref_squeeze %dma_wait3A_92 : memref<1x2x64xi32, #tpu.memory_space<hbm>> -> memref<2x64xi32, #tpu.memory_space<hbm>>
    tpu.wait_dma2 semaphore(%arg20 : memref<!tpu.dma_semaphore, #tpu.memory_space<semaphore_mem>>) src(%dma_wait3A_93 : memref<2x64xi32, #tpu.memory_space<hbm>>) dst(%arg10 : memref<2x64xi32, #tpu.memory_space<vmem>>)
    %dma_start3A_94 = arith.constant 0 : i32
    %dma_start3A_95 = arith.constant 0 : i32
    %dma_start3A_96 = tpu.memref_slice %arg10[%dma_start3A_94, %dma_start3A_95] : memref<2x64xi32, #tpu.memory_space<vmem>> -> memref<1x64xi32, #tpu.memory_space<vmem>>
    %dma_start3A_97 = tpu.memref_squeeze %dma_start3A_96 : memref<1x64xi32, #tpu.memory_space<vmem>> -> memref<64xi32, #tpu.memory_space<vmem>>
    %dma_start3A_98 = arith.constant 0 : i32
    %dma_start3A_99 = arith.constant 0 : i32
    %dma_start3A_100 = tpu.memref_slice %arg3[%dma_start3A_98, %dma_start3A_99] : memref<10000x128xf32, #tpu.memory_space<hbm>> -> memref<10000x128xf32, #tpu.memory_space<hbm>>
    tpu.enqueue_indirect_dma source(%dma_start3A_100 : memref<10000x128xf32, #tpu.memory_space<hbm>>) target(%arg15 : memref<64x128xf32, #tpu.memory_space<vmem>>) offsets(%dma_start3A_97 : memref<64xi32, #tpu.memory_space<vmem>>) semaphore(%arg25 : memref<!tpu.dma_semaphore, #tpu.memory_space<semaphore_mem>>)
    %dma_wait3A_101 = arith.constant 0 : i32
    %dma_wait3A_102 = arith.constant 0 : i32
    %dma_wait3A_103 = arith.constant 0 : i32
    %dma_wait3A_104 = tpu.memref_slice %arg2[%dma_wait3A_101, %dma_wait3A_102, %dma_wait3A_103] : memref<5120x2x64xi32, #tpu.memory_space<hbm>> -> memref<1x2x64xi32, #tpu.memory_space<hbm>>
    %dma_wait3A_105 = tpu.memref_squeeze %dma_wait3A_104 : memref<1x2x64xi32, #tpu.memory_space<hbm>> -> memref<2x64xi32, #tpu.memory_space<hbm>>
    %dma_wait3A_106 = arith.constant 0 : i32
    %dma_wait3A_107 = arith.constant 0 : i32
    %dma_wait3A_108 = tpu.memref_slice %arg2[%dma_wait3A_101, %dma_wait3A_106, %dma_wait3A_107] : memref<5120x2x64xi32, #tpu.memory_space<hbm>> -> memref<1x2x64xi32, #tpu.memory_space<hbm>>
    %dma_wait3A_109 = tpu.memref_squeeze %dma_wait3A_108 : memref<1x2x64xi32, #tpu.memory_space<hbm>> -> memref<2x64xi32, #tpu.memory_space<hbm>>
    tpu.wait_dma2 semaphore(%arg21 : memref<!tpu.dma_semaphore, #tpu.memory_space<semaphore_mem>>) src(%dma_wait3A_109 : memref<2x64xi32, #tpu.memory_space<hbm>>) dst(%arg11 : memref<2x64xi32, #tpu.memory_space<vmem>>)
    %dma_start3A_110 = arith.constant 0 : i32
    %dma_start3A_111 = arith.constant 0 : i32
    %dma_start3A_112 = tpu.memref_slice %arg11[%dma_start3A_110, %dma_start3A_111] : memref<2x64xi32, #tpu.memory_space<vmem>> -> memref<1x64xi32, #tpu.memory_space<vmem>>
    %dma_start3A_113 = tpu.memref_squeeze %dma_start3A_112 : memref<1x64xi32, #tpu.memory_space<vmem>> -> memref<64xi32, #tpu.memory_space<vmem>>
    %dma_start3A_114 = arith.constant 0 : i32
    %dma_start3A_115 = arith.constant 0 : i32
    %dma_start3A_116 = tpu.memref_slice %arg3[%dma_start3A_114, %dma_start3A_115] : memref<10000x128xf32, #tpu.memory_space<hbm>> -> memref<10000x128xf32, #tpu.memory_space<hbm>>
    tpu.enqueue_indirect_dma source(%dma_start3A_116 : memref<10000x128xf32, #tpu.memory_space<hbm>>) target(%arg16 : memref<64x128xf32, #tpu.memory_space<vmem>>) offsets(%dma_start3A_113 : memref<64xi32, #tpu.memory_space<vmem>>) semaphore(%arg26 : memref<!tpu.dma_semaphore, #tpu.memory_space<semaphore_mem>>)
    %dma_wait3A_117 = arith.constant 0 : i32
    %dma_wait3A_118 = arith.constant 0 : i32
    %dma_wait3A_119 = arith.constant 0 : i32
    %dma_wait3A_120 = tpu.memref_slice %arg2[%dma_wait3A_117, %dma_wait3A_118, %dma_wait3A_119] : memref<5120x2x64xi32, #tpu.memory_space<hbm>> -> memref<1x2x64xi32, #tpu.memory_space<hbm>>
    %dma_wait3A_121 = tpu.memref_squeeze %dma_wait3A_120 : memref<1x2x64xi32, #tpu.memory_space<hbm>> -> memref<2x64xi32, #tpu.memory_space<hbm>>
    %dma_wait3A_122 = arith.constant 0 : i32
    %dma_wait3A_123 = arith.constant 0 : i32
    %dma_wait3A_124 = tpu.memref_slice %arg2[%dma_wait3A_117, %dma_wait3A_122, %dma_wait3A_123] : memref<5120x2x64xi32, #tpu.memory_space<hbm>> -> memref<1x2x64xi32, #tpu.memory_space<hbm>>
    %dma_wait3A_125 = tpu.memref_squeeze %dma_wait3A_124 : memref<1x2x64xi32, #tpu.memory_space<hbm>> -> memref<2x64xi32, #tpu.memory_space<hbm>>
    tpu.wait_dma2 semaphore(%arg22 : memref<!tpu.dma_semaphore, #tpu.memory_space<semaphore_mem>>) src(%dma_wait3A_125 : memref<2x64xi32, #tpu.memory_space<hbm>>) dst(%arg12 : memref<2x64xi32, #tpu.memory_space<vmem>>)
    %dma_start3A_126 = arith.constant 0 : i32
    %dma_start3A_127 = arith.constant 0 : i32
    %dma_start3A_128 = tpu.memref_slice %arg12[%dma_start3A_126, %dma_start3A_127] : memref<2x64xi32, #tpu.memory_space<vmem>> -> memref<1x64xi32, #tpu.memory_space<vmem>>
    %dma_start3A_129 = tpu.memref_squeeze %dma_start3A_128 : memref<1x64xi32, #tpu.memory_space<vmem>> -> memref<64xi32, #tpu.memory_space<vmem>>
    %dma_start3A_130 = arith.constant 0 : i32
    %dma_start3A_131 = arith.constant 0 : i32
    %dma_start3A_132 = tpu.memref_slice %arg3[%dma_start3A_130, %dma_start3A_131] : memref<10000x128xf32, #tpu.memory_space<hbm>> -> memref<10000x128xf32, #tpu.memory_space<hbm>>
    tpu.enqueue_indirect_dma source(%dma_start3A_132 : memref<10000x128xf32, #tpu.memory_space<hbm>>) target(%arg17 : memref<64x128xf32, #tpu.memory_space<vmem>>) offsets(%dma_start3A_129 : memref<64xi32, #tpu.memory_space<vmem>>) semaphore(%arg27 : memref<!tpu.dma_semaphore, #tpu.memory_space<semaphore_mem>>)
    %scan3A = arith.constant 0 : i32
    %scan3A_133 = arith.constant 0 : i32
    %scan3A_134 = arith.constant 32 : i32
    %scan3A_135 = arith.addi %scan3A_133, %scan3A_134 : i32
    %scan3A_136 = arith.constant 1 : i32
    scf.for %scan3A_176 = %scan3A_133 to %scan3A_135 step %scan3A_136  : i32 {
      %mul3A_177 = arith.constant 5 : i32
      %mul3A_178 = arith.muli %scan3A_176, %mul3A_177 : i32
      %dma_wait3A_179 = arith.constant 0 : i32
      %dma_wait3A_180 = arith.constant 0 : i32
      %dma_wait3A_181 = tpu.memref_slice %arg3[%dma_wait3A_179, %dma_wait3A_180] : memref<10000x128xf32, #tpu.memory_space<hbm>> -> memref<64x128xf32, #tpu.memory_space<hbm>>
      %dma_wait3A_182 = arith.constant 0 : i32
      %dma_wait3A_183 = arith.constant 0 : i32
      %dma_wait3A_184 = tpu.memref_slice %arg3[%dma_wait3A_182, %dma_wait3A_183] : memref<10000x128xf32, #tpu.memory_space<hbm>> -> memref<64x128xf32, #tpu.memory_space<hbm>>
      tpu.wait_dma2 semaphore(%arg23 : memref<!tpu.dma_semaphore, #tpu.memory_space<semaphore_mem>>) src(%dma_wait3A_184 : memref<64x128xf32, #tpu.memory_space<hbm>>) dst(%arg13 : memref<64x128xf32, #tpu.memory_space<vmem>>)
      %dma_start3A_185 = arith.constant 1 : i32
      %dma_start3A_186 = arith.constant 0 : i32
      %dma_start3A_187 = tpu.memref_slice %arg8[%dma_start3A_185, %dma_start3A_186] : memref<2x64xi32, #tpu.memory_space<vmem>> -> memref<1x64xi32, #tpu.memory_space<vmem>>
      %dma_start3A_188 = tpu.memref_squeeze %dma_start3A_187 : memref<1x64xi32, #tpu.memory_space<vmem>> -> memref<64xi32, #tpu.memory_space<vmem>>
      %dma_start3A_189 = arith.constant 0 : i32
      %dma_start3A_190 = arith.constant 0 : i32
      %dma_start3A_191 = tpu.memref_slice %arg7[%dma_start3A_189, %dma_start3A_190] : memref<10240x128xf32, #tpu.memory_space<vmem_shared>> -> memref<10240x128xf32, #tpu.memory_space<vmem_shared>>
      tpu.enqueue_indirect_dma source(%arg13 : memref<64x128xf32, #tpu.memory_space<vmem>>) target(%dma_start3A_191 : memref<10240x128xf32, #tpu.memory_space<vmem_shared>>) offsets(%dma_start3A_188 : memref<64xi32, #tpu.memory_space<vmem>>) semaphore(%arg28 : memref<!tpu.dma_semaphore, #tpu.memory_space<semaphore_mem>>) {add = true}
      %dma_wait3A_192 = arith.constant 0 : i32
      %dma_wait3A_193 = arith.constant 0 : i32
      %dma_wait3A_194 = tpu.memref_slice %arg3[%dma_wait3A_192, %dma_wait3A_193] : memref<10000x128xf32, #tpu.memory_space<hbm>> -> memref<64x128xf32, #tpu.memory_space<hbm>>
      %dma_wait3A_195 = arith.constant 0 : i32
      %dma_wait3A_196 = arith.constant 0 : i32
      %dma_wait3A_197 = tpu.memref_slice %arg3[%dma_wait3A_195, %dma_wait3A_196] : memref<10000x128xf32, #tpu.memory_space<hbm>> -> memref<64x128xf32, #tpu.memory_space<hbm>>
      tpu.wait_dma2 semaphore(%arg24 : memref<!tpu.dma_semaphore, #tpu.memory_space<semaphore_mem>>) src(%dma_wait3A_197 : memref<64x128xf32, #tpu.memory_space<hbm>>) dst(%arg14 : memref<64x128xf32, #tpu.memory_space<vmem>>)
      %dma_start3A_198 = arith.constant 1 : i32
      %dma_start3A_199 = arith.constant 0 : i32
      %dma_start3A_200 = tpu.memref_slice %arg9[%dma_start3A_198, %dma_start3A_199] : memref<2x64xi32, #tpu.memory_space<vmem>> -> memref<1x64xi32, #tpu.memory_space<vmem>>
      %dma_start3A_201 = tpu.memref_squeeze %dma_start3A_200 : memref<1x64xi32, #tpu.memory_space<vmem>> -> memref<64xi32, #tpu.memory_space<vmem>>
      %dma_start3A_202 = arith.constant 0 : i32
      %dma_start3A_203 = arith.constant 0 : i32
      %dma_start3A_204 = tpu.memref_slice %arg7[%dma_start3A_202, %dma_start3A_203] : memref<10240x128xf32, #tpu.memory_space<vmem_shared>> -> memref<10240x128xf32, #tpu.memory_space<vmem_shared>>
      tpu.enqueue_indirect_dma source(%arg14 : memref<64x128xf32, #tpu.memory_space<vmem>>) target(%dma_start3A_204 : memref<10240x128xf32, #tpu.memory_space<vmem_shared>>) offsets(%dma_start3A_201 : memref<64xi32, #tpu.memory_space<vmem>>) semaphore(%arg29 : memref<!tpu.dma_semaphore, #tpu.memory_space<semaphore_mem>>) {add = true}
      %dma_wait3A_205 = arith.constant 0 : i32
      %dma_wait3A_206 = arith.constant 0 : i32
      %dma_wait3A_207 = tpu.memref_slice %arg3[%dma_wait3A_205, %dma_wait3A_206] : memref<10000x128xf32, #tpu.memory_space<hbm>> -> memref<64x128xf32, #tpu.memory_space<hbm>>
      %dma_wait3A_208 = arith.constant 0 : i32
      %dma_wait3A_209 = arith.constant 0 : i32
      %dma_wait3A_210 = tpu.memref_slice %arg3[%dma_wait3A_208, %dma_wait3A_209] : memref<10000x128xf32, #tpu.memory_space<hbm>> -> memref<64x128xf32, #tpu.memory_space<hbm>>
      tpu.wait_dma2 semaphore(%arg25 : memref<!tpu.dma_semaphore, #tpu.memory_space<semaphore_mem>>) src(%dma_wait3A_210 : memref<64x128xf32, #tpu.memory_space<hbm>>) dst(%arg15 : memref<64x128xf32, #tpu.memory_space<vmem>>)
      %dma_start3A_211 = arith.constant 1 : i32
      %dma_start3A_212 = arith.constant 0 : i32
      %dma_start3A_213 = tpu.memref_slice %arg10[%dma_start3A_211, %dma_start3A_212] : memref<2x64xi32, #tpu.memory_space<vmem>> -> memref<1x64xi32, #tpu.memory_space<vmem>>
      %dma_start3A_214 = tpu.memref_squeeze %dma_start3A_213 : memref<1x64xi32, #tpu.memory_space<vmem>> -> memref<64xi32, #tpu.memory_space<vmem>>
      %dma_start3A_215 = arith.constant 0 : i32
      %dma_start3A_216 = arith.constant 0 : i32
      %dma_start3A_217 = tpu.memref_slice %arg7[%dma_start3A_215, %dma_start3A_216] : memref<10240x128xf32, #tpu.memory_space<vmem_shared>> -> memref<10240x128xf32, #tpu.memory_space<vmem_shared>>
      tpu.enqueue_indirect_dma source(%arg15 : memref<64x128xf32, #tpu.memory_space<vmem>>) target(%dma_start3A_217 : memref<10240x128xf32, #tpu.memory_space<vmem_shared>>) offsets(%dma_start3A_214 : memref<64xi32, #tpu.memory_space<vmem>>) semaphore(%arg30 : memref<!tpu.dma_semaphore, #tpu.memory_space<semaphore_mem>>) {add = true}
      %dma_wait3A_218 = arith.constant 0 : i32
      %dma_wait3A_219 = arith.constant 0 : i32
      %dma_wait3A_220 = tpu.memref_slice %arg3[%dma_wait3A_218, %dma_wait3A_219] : memref<10000x128xf32, #tpu.memory_space<hbm>> -> memref<64x128xf32, #tpu.memory_space<hbm>>
      %dma_wait3A_221 = arith.constant 0 : i32
      %dma_wait3A_222 = arith.constant 0 : i32
      %dma_wait3A_223 = tpu.memref_slice %arg3[%dma_wait3A_221, %dma_wait3A_222] : memref<10000x128xf32, #tpu.memory_space<hbm>> -> memref<64x128xf32, #tpu.memory_space<hbm>>
      tpu.wait_dma2 semaphore(%arg26 : memref<!tpu.dma_semaphore, #tpu.memory_space<semaphore_mem>>) src(%dma_wait3A_223 : memref<64x128xf32, #tpu.memory_space<hbm>>) dst(%arg16 : memref<64x128xf32, #tpu.memory_space<vmem>>)
      %dma_start3A_224 = arith.constant 1 : i32
      %dma_start3A_225 = arith.constant 0 : i32
      %dma_start3A_226 = tpu.memref_slice %arg11[%dma_start3A_224, %dma_start3A_225] : memref<2x64xi32, #tpu.memory_space<vmem>> -> memref<1x64xi32, #tpu.memory_space<vmem>>
      %dma_start3A_227 = tpu.memref_squeeze %dma_start3A_226 : memref<1x64xi32, #tpu.memory_space<vmem>> -> memref<64xi32, #tpu.memory_space<vmem>>
      %dma_start3A_228 = arith.constant 0 : i32
      %dma_start3A_229 = arith.constant 0 : i32
      %dma_start3A_230 = tpu.memref_slice %arg7[%dma_start3A_228, %dma_start3A_229] : memref<10240x128xf32, #tpu.memory_space<vmem_shared>> -> memref<10240x128xf32, #tpu.memory_space<vmem_shared>>
      tpu.enqueue_indirect_dma source(%arg16 : memref<64x128xf32, #tpu.memory_space<vmem>>) target(%dma_start3A_230 : memref<10240x128xf32, #tpu.memory_space<vmem_shared>>) offsets(%dma_start3A_227 : memref<64xi32, #tpu.memory_space<vmem>>) semaphore(%arg31 : memref<!tpu.dma_semaphore, #tpu.memory_space<semaphore_mem>>) {add = true}
      %dma_wait3A_231 = arith.constant 0 : i32
      %dma_wait3A_232 = arith.constant 0 : i32
      %dma_wait3A_233 = tpu.memref_slice %arg3[%dma_wait3A_231, %dma_wait3A_232] : memref<10000x128xf32, #tpu.memory_space<hbm>> -> memref<64x128xf32, #tpu.memory_space<hbm>>
      %dma_wait3A_234 = arith.constant 0 : i32
      %dma_wait3A_235 = arith.constant 0 : i32
      %dma_wait3A_236 = tpu.memref_slice %arg3[%dma_wait3A_234, %dma_wait3A_235] : memref<10000x128xf32, #tpu.memory_space<hbm>> -> memref<64x128xf32, #tpu.memory_space<hbm>>
      tpu.wait_dma2 semaphore(%arg27 : memref<!tpu.dma_semaphore, #tpu.memory_space<semaphore_mem>>) src(%dma_wait3A_236 : memref<64x128xf32, #tpu.memory_space<hbm>>) dst(%arg17 : memref<64x128xf32, #tpu.memory_space<vmem>>)
      %dma_start3A_237 = arith.constant 1 : i32
      %dma_start3A_238 = arith.constant 0 : i32
      %dma_start3A_239 = tpu.memref_slice %arg12[%dma_start3A_237, %dma_start3A_238] : memref<2x64xi32, #tpu.memory_space<vmem>> -> memref<1x64xi32, #tpu.memory_space<vmem>>
      %dma_start3A_240 = tpu.memref_squeeze %dma_start3A_239 : memref<1x64xi32, #tpu.memory_space<vmem>> -> memref<64xi32, #tpu.memory_space<vmem>>
      %dma_start3A_241 = arith.constant 0 : i32
      %dma_start3A_242 = arith.constant 0 : i32
      %dma_start3A_243 = tpu.memref_slice %arg7[%dma_start3A_241, %dma_start3A_242] : memref<10240x128xf32, #tpu.memory_space<vmem_shared>> -> memref<10240x128xf32, #tpu.memory_space<vmem_shared>>
      tpu.enqueue_indirect_dma source(%arg17 : memref<64x128xf32, #tpu.memory_space<vmem>>) target(%dma_start3A_243 : memref<10240x128xf32, #tpu.memory_space<vmem_shared>>) offsets(%dma_start3A_240 : memref<64xi32, #tpu.memory_space<vmem>>) semaphore(%arg32 : memref<!tpu.dma_semaphore, #tpu.memory_space<semaphore_mem>>) {add = true}
      %lt3A = arith.constant 31 : i32
      %lt3A_244 = arith.cmpi slt, %scan3A_176, %lt3A : i32
      %convert_element_type3A_245 = arith.extui %lt3A_244 : i1 to i32
      %cond3A_246 = arith.constant 0 : i32
      %cond3A_247 = arith.cmpi ne, %convert_element_type3A_245, %cond3A_246 : i32
      scf.if %cond3A_247 {
        %dma_wait3A_248 = arith.constant 0 : i32
        %dma_wait3A_249 = arith.constant 0 : i32
        %dma_wait3A_250 = tpu.memref_slice %arg3[%dma_wait3A_248, %dma_wait3A_249] : memref<10000x128xf32, #tpu.memory_space<hbm>> -> memref<64x128xf32, #tpu.memory_space<hbm>>
        %dma_wait3A_251 = arith.constant 0 : i32
        %dma_wait3A_252 = arith.constant 0 : i32
        %dma_wait3A_253 = tpu.memref_slice %arg3[%dma_wait3A_251, %dma_wait3A_252] : memref<10000x128xf32, #tpu.memory_space<hbm>> -> memref<64x128xf32, #tpu.memory_space<hbm>>
        tpu.wait_dma2 semaphore(%arg28 : memref<!tpu.dma_semaphore, #tpu.memory_space<semaphore_mem>>) src(%dma_wait3A_253 : memref<64x128xf32, #tpu.memory_space<hbm>>) dst(%arg13 : memref<64x128xf32, #tpu.memory_space<vmem>>)
        %add3A_254 = arith.constant 5 : i32
        %add3A_255 = arith.addi %mul3A_178, %add3A_254 : i32
        %add3A_256 = arith.constant 0 : i32
        %add3A_257 = arith.addi %add3A_255, %add3A_256 : i32
        %add3A_258 = arith.addi %mul3A_2, %add3A_257 : i32
        %dma_start3A_259 = arith.constant 0 : i32
        %dma_start3A_260 = arith.constant 0 : i32
        %dma_start3A_261 = tpu.memref_slice %arg2[%add3A_258, %dma_start3A_259, %dma_start3A_260] : memref<5120x2x64xi32, #tpu.memory_space<hbm>> -> memref<1x2x64xi32, #tpu.memory_space<hbm>>
        %dma_start3A_262 = tpu.memref_squeeze %dma_start3A_261 : memref<1x2x64xi32, #tpu.memory_space<hbm>> -> memref<2x64xi32, #tpu.memory_space<hbm>>
        %dma_start3A_263 = arith.constant 0 : i32
        %dma_start3A_264 = arith.constant 0 : i32
        %dma_start3A_265 = tpu.memref_slice %arg2[%add3A_258, %dma_start3A_263, %dma_start3A_264] : memref<5120x2x64xi32, #tpu.memory_space<hbm>> -> memref<1x2x64xi32, #tpu.memory_space<hbm>>
        %dma_start3A_266 = tpu.memref_squeeze %dma_start3A_265 : memref<1x2x64xi32, #tpu.memory_space<hbm>> -> memref<2x64xi32, #tpu.memory_space<hbm>>
        tpu.enqueue_dma source(%dma_start3A_266 : memref<2x64xi32, #tpu.memory_space<hbm>>) target(%arg8 : memref<2x64xi32, #tpu.memory_space<vmem>>) target_semaphore(%arg18 : memref<!tpu.dma_semaphore, #tpu.memory_space<semaphore_mem>>)
        %dma_wait3A_267 = arith.constant 0 : i32
        %dma_wait3A_268 = arith.constant 0 : i32
        %dma_wait3A_269 = tpu.memref_slice %arg3[%dma_wait3A_267, %dma_wait3A_268] : memref<10000x128xf32, #tpu.memory_space<hbm>> -> memref<64x128xf32, #tpu.memory_space<hbm>>
        %dma_wait3A_270 = arith.constant 0 : i32
        %dma_wait3A_271 = arith.constant 0 : i32
        %dma_wait3A_272 = tpu.memref_slice %arg3[%dma_wait3A_270, %dma_wait3A_271] : memref<10000x128xf32, #tpu.memory_space<hbm>> -> memref<64x128xf32, #tpu.memory_space<hbm>>
        tpu.wait_dma2 semaphore(%arg29 : memref<!tpu.dma_semaphore, #tpu.memory_space<semaphore_mem>>) src(%dma_wait3A_272 : memref<64x128xf32, #tpu.memory_space<hbm>>) dst(%arg14 : memref<64x128xf32, #tpu.memory_space<vmem>>)
        %add3A_273 = arith.constant 5 : i32
        %add3A_274 = arith.addi %mul3A_178, %add3A_273 : i32
        %add3A_275 = arith.constant 1 : i32
        %add3A_276 = arith.addi %add3A_274, %add3A_275 : i32
        %add3A_277 = arith.addi %mul3A_2, %add3A_276 : i32
        %dma_start3A_278 = arith.constant 0 : i32
        %dma_start3A_279 = arith.constant 0 : i32
        %dma_start3A_280 = tpu.memref_slice %arg2[%add3A_277, %dma_start3A_278, %dma_start3A_279] : memref<5120x2x64xi32, #tpu.memory_space<hbm>> -> memref<1x2x64xi32, #tpu.memory_space<hbm>>
        %dma_start3A_281 = tpu.memref_squeeze %dma_start3A_280 : memref<1x2x64xi32, #tpu.memory_space<hbm>> -> memref<2x64xi32, #tpu.memory_space<hbm>>
        %dma_start3A_282 = arith.constant 0 : i32
        %dma_start3A_283 = arith.constant 0 : i32
        %dma_start3A_284 = tpu.memref_slice %arg2[%add3A_277, %dma_start3A_282, %dma_start3A_283] : memref<5120x2x64xi32, #tpu.memory_space<hbm>> -> memref<1x2x64xi32, #tpu.memory_space<hbm>>
        %dma_start3A_285 = tpu.memref_squeeze %dma_start3A_284 : memref<1x2x64xi32, #tpu.memory_space<hbm>> -> memref<2x64xi32, #tpu.memory_space<hbm>>
        tpu.enqueue_dma source(%dma_start3A_285 : memref<2x64xi32, #tpu.memory_space<hbm>>) target(%arg9 : memref<2x64xi32, #tpu.memory_space<vmem>>) target_semaphore(%arg19 : memref<!tpu.dma_semaphore, #tpu.memory_space<semaphore_mem>>)
        %dma_wait3A_286 = arith.constant 0 : i32
        %dma_wait3A_287 = arith.constant 0 : i32
        %dma_wait3A_288 = tpu.memref_slice %arg3[%dma_wait3A_286, %dma_wait3A_287] : memref<10000x128xf32, #tpu.memory_space<hbm>> -> memref<64x128xf32, #tpu.memory_space<hbm>>
        %dma_wait3A_289 = arith.constant 0 : i32
        %dma_wait3A_290 = arith.constant 0 : i32
        %dma_wait3A_291 = tpu.memref_slice %arg3[%dma_wait3A_289, %dma_wait3A_290] : memref<10000x128xf32, #tpu.memory_space<hbm>> -> memref<64x128xf32, #tpu.memory_space<hbm>>
        tpu.wait_dma2 semaphore(%arg30 : memref<!tpu.dma_semaphore, #tpu.memory_space<semaphore_mem>>) src(%dma_wait3A_291 : memref<64x128xf32, #tpu.memory_space<hbm>>) dst(%arg15 : memref<64x128xf32, #tpu.memory_space<vmem>>)
        %add3A_292 = arith.constant 5 : i32
        %add3A_293 = arith.addi %mul3A_178, %add3A_292 : i32
        %add3A_294 = arith.constant 2 : i32
        %add3A_295 = arith.addi %add3A_293, %add3A_294 : i32
        %add3A_296 = arith.addi %mul3A_2, %add3A_295 : i32
        %dma_start3A_297 = arith.constant 0 : i32
        %dma_start3A_298 = arith.constant 0 : i32
        %dma_start3A_299 = tpu.memref_slice %arg2[%add3A_296, %dma_start3A_297, %dma_start3A_298] : memref<5120x2x64xi32, #tpu.memory_space<hbm>> -> memref<1x2x64xi32, #tpu.memory_space<hbm>>
        %dma_start3A_300 = tpu.memref_squeeze %dma_start3A_299 : memref<1x2x64xi32, #tpu.memory_space<hbm>> -> memref<2x64xi32, #tpu.memory_space<hbm>>
        %dma_start3A_301 = arith.constant 0 : i32
        %dma_start3A_302 = arith.constant 0 : i32
        %dma_start3A_303 = tpu.memref_slice %arg2[%add3A_296, %dma_start3A_301, %dma_start3A_302] : memref<5120x2x64xi32, #tpu.memory_space<hbm>> -> memref<1x2x64xi32, #tpu.memory_space<hbm>>
        %dma_start3A_304 = tpu.memref_squeeze %dma_start3A_303 : memref<1x2x64xi32, #tpu.memory_space<hbm>> -> memref<2x64xi32, #tpu.memory_space<hbm>>
        tpu.enqueue_dma source(%dma_start3A_304 : memref<2x64xi32, #tpu.memory_space<hbm>>) target(%arg10 : memref<2x64xi32, #tpu.memory_space<vmem>>) target_semaphore(%arg20 : memref<!tpu.dma_semaphore, #tpu.memory_space<semaphore_mem>>)
        %dma_wait3A_305 = arith.constant 0 : i32
        %dma_wait3A_306 = arith.constant 0 : i32
        %dma_wait3A_307 = tpu.memref_slice %arg3[%dma_wait3A_305, %dma_wait3A_306] : memref<10000x128xf32, #tpu.memory_space<hbm>> -> memref<64x128xf32, #tpu.memory_space<hbm>>
        %dma_wait3A_308 = arith.constant 0 : i32
        %dma_wait3A_309 = arith.constant 0 : i32
        %dma_wait3A_310 = tpu.memref_slice %arg3[%dma_wait3A_308, %dma_wait3A_309] : memref<10000x128xf32, #tpu.memory_space<hbm>> -> memref<64x128xf32, #tpu.memory_space<hbm>>
        tpu.wait_dma2 semaphore(%arg31 : memref<!tpu.dma_semaphore, #tpu.memory_space<semaphore_mem>>) src(%dma_wait3A_310 : memref<64x128xf32, #tpu.memory_space<hbm>>) dst(%arg16 : memref<64x128xf32, #tpu.memory_space<vmem>>)
        %add3A_311 = arith.constant 5 : i32
        %add3A_312 = arith.addi %mul3A_178, %add3A_311 : i32
        %add3A_313 = arith.constant 3 : i32
        %add3A_314 = arith.addi %add3A_312, %add3A_313 : i32
        %add3A_315 = arith.addi %mul3A_2, %add3A_314 : i32
        %dma_start3A_316 = arith.constant 0 : i32
        %dma_start3A_317 = arith.constant 0 : i32
        %dma_start3A_318 = tpu.memref_slice %arg2[%add3A_315, %dma_start3A_316, %dma_start3A_317] : memref<5120x2x64xi32, #tpu.memory_space<hbm>> -> memref<1x2x64xi32, #tpu.memory_space<hbm>>
        %dma_start3A_319 = tpu.memref_squeeze %dma_start3A_318 : memref<1x2x64xi32, #tpu.memory_space<hbm>> -> memref<2x64xi32, #tpu.memory_space<hbm>>
        %dma_start3A_320 = arith.constant 0 : i32
        %dma_start3A_321 = arith.constant 0 : i32
        %dma_start3A_322 = tpu.memref_slice %arg2[%add3A_315, %dma_start3A_320, %dma_start3A_321] : memref<5120x2x64xi32, #tpu.memory_space<hbm>> -> memref<1x2x64xi32, #tpu.memory_space<hbm>>
        %dma_start3A_323 = tpu.memref_squeeze %dma_start3A_322 : memref<1x2x64xi32, #tpu.memory_space<hbm>> -> memref<2x64xi32, #tpu.memory_space<hbm>>
        tpu.enqueue_dma source(%dma_start3A_323 : memref<2x64xi32, #tpu.memory_space<hbm>>) target(%arg11 : memref<2x64xi32, #tpu.memory_space<vmem>>) target_semaphore(%arg21 : memref<!tpu.dma_semaphore, #tpu.memory_space<semaphore_mem>>)
        %dma_wait3A_324 = arith.constant 0 : i32
        %dma_wait3A_325 = arith.constant 0 : i32
        %dma_wait3A_326 = tpu.memref_slice %arg3[%dma_wait3A_324, %dma_wait3A_325] : memref<10000x128xf32, #tpu.memory_space<hbm>> -> memref<64x128xf32, #tpu.memory_space<hbm>>
        %dma_wait3A_327 = arith.constant 0 : i32
        %dma_wait3A_328 = arith.constant 0 : i32
        %dma_wait3A_329 = tpu.memref_slice %arg3[%dma_wait3A_327, %dma_wait3A_328] : memref<10000x128xf32, #tpu.memory_space<hbm>> -> memref<64x128xf32, #tpu.memory_space<hbm>>
        tpu.wait_dma2 semaphore(%arg32 : memref<!tpu.dma_semaphore, #tpu.memory_space<semaphore_mem>>) src(%dma_wait3A_329 : memref<64x128xf32, #tpu.memory_space<hbm>>) dst(%arg17 : memref<64x128xf32, #tpu.memory_space<vmem>>)
        %add3A_330 = arith.constant 5 : i32
        %add3A_331 = arith.addi %mul3A_178, %add3A_330 : i32
        %add3A_332 = arith.constant 4 : i32
        %add3A_333 = arith.addi %add3A_331, %add3A_332 : i32
        %add3A_334 = arith.addi %mul3A_2, %add3A_333 : i32
        %dma_start3A_335 = arith.constant 0 : i32
        %dma_start3A_336 = arith.constant 0 : i32
        %dma_start3A_337 = tpu.memref_slice %arg2[%add3A_334, %dma_start3A_335, %dma_start3A_336] : memref<5120x2x64xi32, #tpu.memory_space<hbm>> -> memref<1x2x64xi32, #tpu.memory_space<hbm>>
        %dma_start3A_338 = tpu.memref_squeeze %dma_start3A_337 : memref<1x2x64xi32, #tpu.memory_space<hbm>> -> memref<2x64xi32, #tpu.memory_space<hbm>>
        %dma_start3A_339 = arith.constant 0 : i32
        %dma_start3A_340 = arith.constant 0 : i32
        %dma_start3A_341 = tpu.memref_slice %arg2[%add3A_334, %dma_start3A_339, %dma_start3A_340] : memref<5120x2x64xi32, #tpu.memory_space<hbm>> -> memref<1x2x64xi32, #tpu.memory_space<hbm>>
        %dma_start3A_342 = tpu.memref_squeeze %dma_start3A_341 : memref<1x2x64xi32, #tpu.memory_space<hbm>> -> memref<2x64xi32, #tpu.memory_space<hbm>>
        tpu.enqueue_dma source(%dma_start3A_342 : memref<2x64xi32, #tpu.memory_space<hbm>>) target(%arg12 : memref<2x64xi32, #tpu.memory_space<vmem>>) target_semaphore(%arg22 : memref<!tpu.dma_semaphore, #tpu.memory_space<semaphore_mem>>)
        %dma_wait3A_343 = arith.constant 0 : i32
        %dma_wait3A_344 = arith.constant 0 : i32
        %dma_wait3A_345 = arith.constant 0 : i32
        %dma_wait3A_346 = tpu.memref_slice %arg2[%dma_wait3A_343, %dma_wait3A_344, %dma_wait3A_345] : memref<5120x2x64xi32, #tpu.memory_space<hbm>> -> memref<1x2x64xi32, #tpu.memory_space<hbm>>
        %dma_wait3A_347 = tpu.memref_squeeze %dma_wait3A_346 : memref<1x2x64xi32, #tpu.memory_space<hbm>> -> memref<2x64xi32, #tpu.memory_space<hbm>>
        %dma_wait3A_348 = arith.constant 0 : i32
        %dma_wait3A_349 = arith.constant 0 : i32
        %dma_wait3A_350 = tpu.memref_slice %arg2[%dma_wait3A_343, %dma_wait3A_348, %dma_wait3A_349] : memref<5120x2x64xi32, #tpu.memory_space<hbm>> -> memref<1x2x64xi32, #tpu.memory_space<hbm>>
        %dma_wait3A_351 = tpu.memref_squeeze %dma_wait3A_350 : memref<1x2x64xi32, #tpu.memory_space<hbm>> -> memref<2x64xi32, #tpu.memory_space<hbm>>
        tpu.wait_dma2 semaphore(%arg18 : memref<!tpu.dma_semaphore, #tpu.memory_space<semaphore_mem>>) src(%dma_wait3A_351 : memref<2x64xi32, #tpu.memory_space<hbm>>) dst(%arg8 : memref<2x64xi32, #tpu.memory_space<vmem>>)
        %dma_start3A_352 = arith.constant 0 : i32
        %dma_start3A_353 = arith.constant 0 : i32
        %dma_start3A_354 = tpu.memref_slice %arg8[%dma_start3A_352, %dma_start3A_353] : memref<2x64xi32, #tpu.memory_space<vmem>> -> memref<1x64xi32, #tpu.memory_space<vmem>>
        %dma_start3A_355 = tpu.memref_squeeze %dma_start3A_354 : memref<1x64xi32, #tpu.memory_space<vmem>> -> memref<64xi32, #tpu.memory_space<vmem>>
        %dma_start3A_356 = arith.constant 0 : i32
        %dma_start3A_357 = arith.constant 0 : i32
        %dma_start3A_358 = tpu.memref_slice %arg3[%dma_start3A_356, %dma_start3A_357] : memref<10000x128xf32, #tpu.memory_space<hbm>> -> memref<10000x128xf32, #tpu.memory_space<hbm>>
        tpu.enqueue_indirect_dma source(%dma_start3A_358 : memref<10000x128xf32, #tpu.memory_space<hbm>>) target(%arg13 : memref<64x128xf32, #tpu.memory_space<vmem>>) offsets(%dma_start3A_355 : memref<64xi32, #tpu.memory_space<vmem>>) semaphore(%arg23 : memref<!tpu.dma_semaphore, #tpu.memory_space<semaphore_mem>>)
        %dma_wait3A_359 = arith.constant 0 : i32
        %dma_wait3A_360 = arith.constant 0 : i32
        %dma_wait3A_361 = arith.constant 0 : i32
        %dma_wait3A_362 = tpu.memref_slice %arg2[%dma_wait3A_359, %dma_wait3A_360, %dma_wait3A_361] : memref<5120x2x64xi32, #tpu.memory_space<hbm>> -> memref<1x2x64xi32, #tpu.memory_space<hbm>>
        %dma_wait3A_363 = tpu.memref_squeeze %dma_wait3A_362 : memref<1x2x64xi32, #tpu.memory_space<hbm>> -> memref<2x64xi32, #tpu.memory_space<hbm>>
        %dma_wait3A_364 = arith.constant 0 : i32
        %dma_wait3A_365 = arith.constant 0 : i32
        %dma_wait3A_366 = tpu.memref_slice %arg2[%dma_wait3A_359, %dma_wait3A_364, %dma_wait3A_365] : memref<5120x2x64xi32, #tpu.memory_space<hbm>> -> memref<1x2x64xi32, #tpu.memory_space<hbm>>
        %dma_wait3A_367 = tpu.memref_squeeze %dma_wait3A_366 : memref<1x2x64xi32, #tpu.memory_space<hbm>> -> memref<2x64xi32, #tpu.memory_space<hbm>>
        tpu.wait_dma2 semaphore(%arg19 : memref<!tpu.dma_semaphore, #tpu.memory_space<semaphore_mem>>) src(%dma_wait3A_367 : memref<2x64xi32, #tpu.memory_space<hbm>>) dst(%arg9 : memref<2x64xi32, #tpu.memory_space<vmem>>)
        %dma_start3A_368 = arith.constant 0 : i32
        %dma_start3A_369 = arith.constant 0 : i32
        %dma_start3A_370 = tpu.memref_slice %arg9[%dma_start3A_368, %dma_start3A_369] : memref<2x64xi32, #tpu.memory_space<vmem>> -> memref<1x64xi32, #tpu.memory_space<vmem>>
        %dma_start3A_371 = tpu.memref_squeeze %dma_start3A_370 : memref<1x64xi32, #tpu.memory_space<vmem>> -> memref<64xi32, #tpu.memory_space<vmem>>
        %dma_start3A_372 = arith.constant 0 : i32
        %dma_start3A_373 = arith.constant 0 : i32
        %dma_start3A_374 = tpu.memref_slice %arg3[%dma_start3A_372, %dma_start3A_373] : memref<10000x128xf32, #tpu.memory_space<hbm>> -> memref<10000x128xf32, #tpu.memory_space<hbm>>
        tpu.enqueue_indirect_dma source(%dma_start3A_374 : memref<10000x128xf32, #tpu.memory_space<hbm>>) target(%arg14 : memref<64x128xf32, #tpu.memory_space<vmem>>) offsets(%dma_start3A_371 : memref<64xi32, #tpu.memory_space<vmem>>) semaphore(%arg24 : memref<!tpu.dma_semaphore, #tpu.memory_space<semaphore_mem>>)
        %dma_wait3A_375 = arith.constant 0 : i32
        %dma_wait3A_376 = arith.constant 0 : i32
        %dma_wait3A_377 = arith.constant 0 : i32
        %dma_wait3A_378 = tpu.memref_slice %arg2[%dma_wait3A_375, %dma_wait3A_376, %dma_wait3A_377] : memref<5120x2x64xi32, #tpu.memory_space<hbm>> -> memref<1x2x64xi32, #tpu.memory_space<hbm>>
        %dma_wait3A_379 = tpu.memref_squeeze %dma_wait3A_378 : memref<1x2x64xi32, #tpu.memory_space<hbm>> -> memref<2x64xi32, #tpu.memory_space<hbm>>
        %dma_wait3A_380 = arith.constant 0 : i32
        %dma_wait3A_381 = arith.constant 0 : i32
        %dma_wait3A_382 = tpu.memref_slice %arg2[%dma_wait3A_375, %dma_wait3A_380, %dma_wait3A_381] : memref<5120x2x64xi32, #tpu.memory_space<hbm>> -> memref<1x2x64xi32, #tpu.memory_space<hbm>>
        %dma_wait3A_383 = tpu.memref_squeeze %dma_wait3A_382 : memref<1x2x64xi32, #tpu.memory_space<hbm>> -> memref<2x64xi32, #tpu.memory_space<hbm>>
        tpu.wait_dma2 semaphore(%arg20 : memref<!tpu.dma_semaphore, #tpu.memory_space<semaphore_mem>>) src(%dma_wait3A_383 : memref<2x64xi32, #tpu.memory_space<hbm>>) dst(%arg10 : memref<2x64xi32, #tpu.memory_space<vmem>>)
        %dma_start3A_384 = arith.constant 0 : i32
        %dma_start3A_385 = arith.constant 0 : i32
        %dma_start3A_386 = tpu.memref_slice %arg10[%dma_start3A_384, %dma_start3A_385] : memref<2x64xi32, #tpu.memory_space<vmem>> -> memref<1x64xi32, #tpu.memory_space<vmem>>
        %dma_start3A_387 = tpu.memref_squeeze %dma_start3A_386 : memref<1x64xi32, #tpu.memory_space<vmem>> -> memref<64xi32, #tpu.memory_space<vmem>>
        %dma_start3A_388 = arith.constant 0 : i32
        %dma_start3A_389 = arith.constant 0 : i32
        %dma_start3A_390 = tpu.memref_slice %arg3[%dma_start3A_388, %dma_start3A_389] : memref<10000x128xf32, #tpu.memory_space<hbm>> -> memref<10000x128xf32, #tpu.memory_space<hbm>>
        tpu.enqueue_indirect_dma source(%dma_start3A_390 : memref<10000x128xf32, #tpu.memory_space<hbm>>) target(%arg15 : memref<64x128xf32, #tpu.memory_space<vmem>>) offsets(%dma_start3A_387 : memref<64xi32, #tpu.memory_space<vmem>>) semaphore(%arg25 : memref<!tpu.dma_semaphore, #tpu.memory_space<semaphore_mem>>)
        %dma_wait3A_391 = arith.constant 0 : i32
        %dma_wait3A_392 = arith.constant 0 : i32
        %dma_wait3A_393 = arith.constant 0 : i32
        %dma_wait3A_394 = tpu.memref_slice %arg2[%dma_wait3A_391, %dma_wait3A_392, %dma_wait3A_393] : memref<5120x2x64xi32, #tpu.memory_space<hbm>> -> memref<1x2x64xi32, #tpu.memory_space<hbm>>
        %dma_wait3A_395 = tpu.memref_squeeze %dma_wait3A_394 : memref<1x2x64xi32, #tpu.memory_space<hbm>> -> memref<2x64xi32, #tpu.memory_space<hbm>>
        %dma_wait3A_396 = arith.constant 0 : i32
        %dma_wait3A_397 = arith.constant 0 : i32
        %dma_wait3A_398 = tpu.memref_slice %arg2[%dma_wait3A_391, %dma_wait3A_396, %dma_wait3A_397] : memref<5120x2x64xi32, #tpu.memory_space<hbm>> -> memref<1x2x64xi32, #tpu.memory_space<hbm>>
        %dma_wait3A_399 = tpu.memref_squeeze %dma_wait3A_398 : memref<1x2x64xi32, #tpu.memory_space<hbm>> -> memref<2x64xi32, #tpu.memory_space<hbm>>
        tpu.wait_dma2 semaphore(%arg21 : memref<!tpu.dma_semaphore, #tpu.memory_space<semaphore_mem>>) src(%dma_wait3A_399 : memref<2x64xi32, #tpu.memory_space<hbm>>) dst(%arg11 : memref<2x64xi32, #tpu.memory_space<vmem>>)
        %dma_start3A_400 = arith.constant 0 : i32
        %dma_start3A_401 = arith.constant 0 : i32
        %dma_start3A_402 = tpu.memref_slice %arg11[%dma_start3A_400, %dma_start3A_401] : memref<2x64xi32, #tpu.memory_space<vmem>> -> memref<1x64xi32, #tpu.memory_space<vmem>>
        %dma_start3A_403 = tpu.memref_squeeze %dma_start3A_402 : memref<1x64xi32, #tpu.memory_space<vmem>> -> memref<64xi32, #tpu.memory_space<vmem>>
        %dma_start3A_404 = arith.constant 0 : i32
        %dma_start3A_405 = arith.constant 0 : i32
        %dma_start3A_406 = tpu.memref_slice %arg3[%dma_start3A_404, %dma_start3A_405] : memref<10000x128xf32, #tpu.memory_space<hbm>> -> memref<10000x128xf32, #tpu.memory_space<hbm>>
        tpu.enqueue_indirect_dma source(%dma_start3A_406 : memref<10000x128xf32, #tpu.memory_space<hbm>>) target(%arg16 : memref<64x128xf32, #tpu.memory_space<vmem>>) offsets(%dma_start3A_403 : memref<64xi32, #tpu.memory_space<vmem>>) semaphore(%arg26 : memref<!tpu.dma_semaphore, #tpu.memory_space<semaphore_mem>>)
        %dma_wait3A_407 = arith.constant 0 : i32
        %dma_wait3A_408 = arith.constant 0 : i32
        %dma_wait3A_409 = arith.constant 0 : i32
        %dma_wait3A_410 = tpu.memref_slice %arg2[%dma_wait3A_407, %dma_wait3A_408, %dma_wait3A_409] : memref<5120x2x64xi32, #tpu.memory_space<hbm>> -> memref<1x2x64xi32, #tpu.memory_space<hbm>>
        %dma_wait3A_411 = tpu.memref_squeeze %dma_wait3A_410 : memref<1x2x64xi32, #tpu.memory_space<hbm>> -> memref<2x64xi32, #tpu.memory_space<hbm>>
        %dma_wait3A_412 = arith.constant 0 : i32
        %dma_wait3A_413 = arith.constant 0 : i32
        %dma_wait3A_414 = tpu.memref_slice %arg2[%dma_wait3A_407, %dma_wait3A_412, %dma_wait3A_413] : memref<5120x2x64xi32, #tpu.memory_space<hbm>> -> memref<1x2x64xi32, #tpu.memory_space<hbm>>
        %dma_wait3A_415 = tpu.memref_squeeze %dma_wait3A_414 : memref<1x2x64xi32, #tpu.memory_space<hbm>> -> memref<2x64xi32, #tpu.memory_space<hbm>>
        tpu.wait_dma2 semaphore(%arg22 : memref<!tpu.dma_semaphore, #tpu.memory_space<semaphore_mem>>) src(%dma_wait3A_415 : memref<2x64xi32, #tpu.memory_space<hbm>>) dst(%arg12 : memref<2x64xi32, #tpu.memory_space<vmem>>)
        %dma_start3A_416 = arith.constant 0 : i32
        %dma_start3A_417 = arith.constant 0 : i32
        %dma_start3A_418 = tpu.memref_slice %arg12[%dma_start3A_416, %dma_start3A_417] : memref<2x64xi32, #tpu.memory_space<vmem>> -> memref<1x64xi32, #tpu.memory_space<vmem>>
        %dma_start3A_419 = tpu.memref_squeeze %dma_start3A_418 : memref<1x64xi32, #tpu.memory_space<vmem>> -> memref<64xi32, #tpu.memory_space<vmem>>
        %dma_start3A_420 = arith.constant 0 : i32
        %dma_start3A_421 = arith.constant 0 : i32
        %dma_start3A_422 = tpu.memref_slice %arg3[%dma_start3A_420, %dma_start3A_421] : memref<10000x128xf32, #tpu.memory_space<hbm>> -> memref<10000x128xf32, #tpu.memory_space<hbm>>
        tpu.enqueue_indirect_dma source(%dma_start3A_422 : memref<10000x128xf32, #tpu.memory_space<hbm>>) target(%arg17 : memref<64x128xf32, #tpu.memory_space<vmem>>) offsets(%dma_start3A_419 : memref<64xi32, #tpu.memory_space<vmem>>) semaphore(%arg27 : memref<!tpu.dma_semaphore, #tpu.memory_space<semaphore_mem>>)
      } else {
      }
    }
    %scan3A_137 = arith.constant 32 : i32
    %dma_wait3A_138 = arith.constant 0 : i32
    %dma_wait3A_139 = arith.constant 0 : i32
    %dma_wait3A_140 = tpu.memref_slice %arg3[%dma_wait3A_138, %dma_wait3A_139] : memref<10000x128xf32, #tpu.memory_space<hbm>> -> memref<64x128xf32, #tpu.memory_space<hbm>>
    %dma_wait3A_141 = arith.constant 0 : i32
    %dma_wait3A_142 = arith.constant 0 : i32
    %dma_wait3A_143 = tpu.memref_slice %arg3[%dma_wait3A_141, %dma_wait3A_142] : memref<10000x128xf32, #tpu.memory_space<hbm>> -> memref<64x128xf32, #tpu.memory_space<hbm>>
    tpu.wait_dma2 semaphore(%arg28 : memref<!tpu.dma_semaphore, #tpu.memory_space<semaphore_mem>>) src(%dma_wait3A_143 : memref<64x128xf32, #tpu.memory_space<hbm>>) dst(%arg13 : memref<64x128xf32, #tpu.memory_space<vmem>>)
    %dma_wait3A_144 = arith.constant 0 : i32
    %dma_wait3A_145 = arith.constant 0 : i32
    %dma_wait3A_146 = tpu.memref_slice %arg3[%dma_wait3A_144, %dma_wait3A_145] : memref<10000x128xf32, #tpu.memory_space<hbm>> -> memref<64x128xf32, #tpu.memory_space<hbm>>
    %dma_wait3A_147 = arith.constant 0 : i32
    %dma_wait3A_148 = arith.constant 0 : i32
    %dma_wait3A_149 = tpu.memref_slice %arg3[%dma_wait3A_147, %dma_wait3A_148] : memref<10000x128xf32, #tpu.memory_space<hbm>> -> memref<64x128xf32, #tpu.memory_space<hbm>>
    tpu.wait_dma2 semaphore(%arg29 : memref<!tpu.dma_semaphore, #tpu.memory_space<semaphore_mem>>) src(%dma_wait3A_149 : memref<64x128xf32, #tpu.memory_space<hbm>>) dst(%arg14 : memref<64x128xf32, #tpu.memory_space<vmem>>)
    %dma_wait3A_150 = arith.constant 0 : i32
    %dma_wait3A_151 = arith.constant 0 : i32
    %dma_wait3A_152 = tpu.memref_slice %arg3[%dma_wait3A_150, %dma_wait3A_151] : memref<10000x128xf32, #tpu.memory_space<hbm>> -> memref<64x128xf32, #tpu.memory_space<hbm>>
    %dma_wait3A_153 = arith.constant 0 : i32
    %dma_wait3A_154 = arith.constant 0 : i32
    %dma_wait3A_155 = tpu.memref_slice %arg3[%dma_wait3A_153, %dma_wait3A_154] : memref<10000x128xf32, #tpu.memory_space<hbm>> -> memref<64x128xf32, #tpu.memory_space<hbm>>
    tpu.wait_dma2 semaphore(%arg30 : memref<!tpu.dma_semaphore, #tpu.memory_space<semaphore_mem>>) src(%dma_wait3A_155 : memref<64x128xf32, #tpu.memory_space<hbm>>) dst(%arg15 : memref<64x128xf32, #tpu.memory_space<vmem>>)
    %dma_wait3A_156 = arith.constant 0 : i32
    %dma_wait3A_157 = arith.constant 0 : i32
    %dma_wait3A_158 = tpu.memref_slice %arg3[%dma_wait3A_156, %dma_wait3A_157] : memref<10000x128xf32, #tpu.memory_space<hbm>> -> memref<64x128xf32, #tpu.memory_space<hbm>>
    %dma_wait3A_159 = arith.constant 0 : i32
    %dma_wait3A_160 = arith.constant 0 : i32
    %dma_wait3A_161 = tpu.memref_slice %arg3[%dma_wait3A_159, %dma_wait3A_160] : memref<10000x128xf32, #tpu.memory_space<hbm>> -> memref<64x128xf32, #tpu.memory_space<hbm>>
    tpu.wait_dma2 semaphore(%arg31 : memref<!tpu.dma_semaphore, #tpu.memory_space<semaphore_mem>>) src(%dma_wait3A_161 : memref<64x128xf32, #tpu.memory_space<hbm>>) dst(%arg16 : memref<64x128xf32, #tpu.memory_space<vmem>>)
    %dma_wait3A_162 = arith.constant 0 : i32
    %dma_wait3A_163 = arith.constant 0 : i32
    %dma_wait3A_164 = tpu.memref_slice %arg3[%dma_wait3A_162, %dma_wait3A_163] : memref<10000x128xf32, #tpu.memory_space<hbm>> -> memref<64x128xf32, #tpu.memory_space<hbm>>
    %dma_wait3A_165 = arith.constant 0 : i32
    %dma_wait3A_166 = arith.constant 0 : i32
    %dma_wait3A_167 = tpu.memref_slice %arg3[%dma_wait3A_165, %dma_wait3A_166] : memref<10000x128xf32, #tpu.memory_space<hbm>> -> memref<64x128xf32, #tpu.memory_space<hbm>>
    tpu.wait_dma2 semaphore(%arg32 : memref<!tpu.dma_semaphore, #tpu.memory_space<semaphore_mem>>) src(%dma_wait3A_167 : memref<64x128xf32, #tpu.memory_space<hbm>>) dst(%arg17 : memref<64x128xf32, #tpu.memory_space<vmem>>)
    %barrier3A_168 = arith.constant 0 : index
    tpu.barrier barrier_id(%barrier3A_168)
    %eq3A = arith.constant 0 : i32
    %eq3A_169 = arith.cmpi eq, %arg0, %eq3A : i32
    %convert_element_type3A = arith.extui %eq3A_169 : i1 to i32
    %cond3A = arith.constant 0 : i32
    %cond3A_170 = arith.cmpi ne, %convert_element_type3A, %cond3A : i32
    scf.if %cond3A_170 {
      "tpu.region"() ({
        %run_scoped3A = tpu.sem_alloc : memref<!tpu.dma_semaphore, #tpu.memory_space<semaphore_mem>>
        %dma_start3A_176 = arith.constant 0 : i32
        %dma_start3A_177 = tpu.memref_slice %arg5[%mul3A_4, %dma_start3A_176] : memref<10240x128xf32, #tpu.memory_space<hbm>> -> memref<640x128xf32, #tpu.memory_space<hbm>>
        %dma_start3A_178 = arith.constant 0 : i32
        %dma_start3A_179 = tpu.memref_slice %arg7[%mul3A_4, %dma_start3A_178] : memref<10240x128xf32, #tpu.memory_space<vmem_shared>> -> memref<640x128xf32, #tpu.memory_space<vmem_shared>>
        tpu.enqueue_dma source(%dma_start3A_179 : memref<640x128xf32, #tpu.memory_space<vmem_shared>>) target(%dma_start3A_177 : memref<640x128xf32, #tpu.memory_space<hbm>>) target_semaphore(%run_scoped3A : memref<!tpu.dma_semaphore, #tpu.memory_space<semaphore_mem>>)
        %dma_wait3A_180 = arith.constant 0 : i32
        %dma_wait3A_181 = tpu.memref_slice %arg5[%mul3A_4, %dma_wait3A_180] : memref<10240x128xf32, #tpu.memory_space<hbm>> -> memref<640x128xf32, #tpu.memory_space<hbm>>
        %dma_wait3A_182 = arith.constant 0 : i32
        %dma_wait3A_183 = tpu.memref_slice %arg7[%mul3A_4, %dma_wait3A_182] : memref<10240x128xf32, #tpu.memory_space<vmem_shared>> -> memref<640x128xf32, #tpu.memory_space<vmem_shared>>
        tpu.wait_dma2 semaphore(%run_scoped3A : memref<!tpu.dma_semaphore, #tpu.memory_space<semaphore_mem>>) src(%dma_wait3A_183 : memref<640x128xf32, #tpu.memory_space<vmem_shared>>) dst(%dma_wait3A_181 : memref<640x128xf32, #tpu.memory_space<hbm>>)
        tpu.yield
      }) : () -> ()
    } else {
    }
    %eq3A_171 = arith.constant 1 : i32
    %eq3A_172 = arith.cmpi eq, %arg0, %eq3A_171 : i32
    %convert_element_type3A_173 = arith.extui %eq3A_172 : i1 to i32
    %cond3A_174 = arith.constant 0 : i32
    %cond3A_175 = arith.cmpi ne, %convert_element_type3A_173, %cond3A_174 : i32
    scf.if %cond3A_175 {
      "tpu.region"() ({
        %run_scoped3A = tpu.sem_alloc : memref<!tpu.dma_semaphore, #tpu.memory_space<semaphore_mem>>
        %dma_start3A_176 = arith.constant 0 : i32
        %dma_start3A_177 = tpu.memref_slice %arg6[%mul3A_4, %dma_start3A_176] : memref<10240x128xf32, #tpu.memory_space<hbm>> -> memref<640x128xf32, #tpu.memory_space<hbm>>
        %dma_start3A_178 = arith.constant 0 : i32
        %dma_start3A_179 = tpu.memref_slice %arg7[%mul3A_4, %dma_start3A_178] : memref<10240x128xf32, #tpu.memory_space<vmem_shared>> -> memref<640x128xf32, #tpu.memory_space<vmem_shared>>
        tpu.enqueue_dma source(%dma_start3A_179 : memref<640x128xf32, #tpu.memory_space<vmem_shared>>) target(%dma_start3A_177 : memref<640x128xf32, #tpu.memory_space<hbm>>) target_semaphore(%run_scoped3A : memref<!tpu.dma_semaphore, #tpu.memory_space<semaphore_mem>>)
        %dma_wait3A_180 = arith.constant 0 : i32
        %dma_wait3A_181 = tpu.memref_slice %arg6[%mul3A_4, %dma_wait3A_180] : memref<10240x128xf32, #tpu.memory_space<hbm>> -> memref<640x128xf32, #tpu.memory_space<hbm>>
        %dma_wait3A_182 = arith.constant 0 : i32
        %dma_wait3A_183 = tpu.memref_slice %arg7[%mul3A_4, %dma_wait3A_182] : memref<10240x128xf32, #tpu.memory_space<vmem_shared>> -> memref<640x128xf32, #tpu.memory_space<vmem_shared>>
        tpu.wait_dma2 semaphore(%run_scoped3A : memref<!tpu.dma_semaphore, #tpu.memory_space<semaphore_mem>>) src(%dma_wait3A_183 : memref<640x128xf32, #tpu.memory_space<vmem_shared>>) dst(%dma_wait3A_181 : memref<640x128xf32, #tpu.memory_space<hbm>>)
        tpu.yield
      }) : () -> ()
    } else {
    }
    return
  }
}

#map = affine_map<(d0, d1) -> (0, 0, 0)>
#map1 = affine_map<(d0, d1) -> (0, 0)>
module attributes {stable_mosaic.version = 14 : i64} {
  func.func @agg(%arg0: i32, %arg1: i32, %arg2: memref<5120x2x64xi32, #tpu.memory_space<hbm>>, %arg3: memref<10000x64xf32, #tpu.memory_space<hbm>>, %arg4: memref<640x64xf32, #tpu.memory_space<hbm>>, %arg5: memref<10240x64xf32, #tpu.memory_space<hbm>>, %arg6: memref<10240x64xf32, #tpu.memory_space<hbm>>, %arg7: memref<10240x64xf32, #tpu.memory_space<vmem_shared>>, %arg8: memref<2x64xi32, #tpu.memory_space<vmem>>, %arg9: memref<2x64xi32, #tpu.memory_space<vmem>>, %arg10: memref<2x64xi32, #tpu.memory_space<vmem>>, %arg11: memref<2x64xi32, #tpu.memory_space<vmem>>, %arg12: memref<2x64xi32, #tpu.memory_space<vmem>>, %arg13: memref<64x64xf32, #tpu.memory_space<vmem>>, %arg14: memref<64x64xf32, #tpu.memory_space<vmem>>, %arg15: memref<64x64xf32, #tpu.memory_space<vmem>>, %arg16: memref<64x64xf32, #tpu.memory_space<vmem>>, %arg17: memref<64x64xf32, #tpu.memory_space<vmem>>, %arg18: memref<!tpu.dma_semaphore, #tpu.memory_space<semaphore_mem>>, %arg19: memref<!tpu.dma_semaphore, #tpu.memory_space<semaphore_mem>>, %arg20: memref<!tpu.dma_semaphore, #tpu.memory_space<semaphore_mem>>, %arg21: memref<!tpu.dma_semaphore, #tpu.memory_space<semaphore_mem>>, %arg22: memref<!tpu.dma_semaphore, #tpu.memory_space<semaphore_mem>>, %arg23: memref<!tpu.dma_semaphore, #tpu.memory_space<semaphore_mem>>, %arg24: memref<!tpu.dma_semaphore, #tpu.memory_space<semaphore_mem>>, %arg25: memref<!tpu.dma_semaphore, #tpu.memory_space<semaphore_mem>>, %arg26: memref<!tpu.dma_semaphore, #tpu.memory_space<semaphore_mem>>, %arg27: memref<!tpu.dma_semaphore, #tpu.memory_space<semaphore_mem>>, %arg28: memref<!tpu.dma_semaphore, #tpu.memory_space<semaphore_mem>>, %arg29: memref<!tpu.dma_semaphore, #tpu.memory_space<semaphore_mem>>, %arg30: memref<!tpu.dma_semaphore, #tpu.memory_space<semaphore_mem>>, %arg31: memref<!tpu.dma_semaphore, #tpu.memory_space<semaphore_mem>>, %arg32: memref<!tpu.dma_semaphore, #tpu.memory_space<semaphore_mem>>) attributes {dimension_semantics = [#tpu.dimension_semantics<core_parallel>, #tpu.dimension_semantics<subcore_parallel>], iteration_bounds = array<i64: 2, 16>, scalar_prefetch = 0 : i64, scratch_operands = 26 : i64, tpu.core_type = #tpu.core_type<sc_vector_subcore>, window_params = [{transform_indices = #map}, {transform_indices = #map1}, {transform_indices = #map1}, {transform_indices = #map1}, {transform_indices = #map1}]} {
    %mul3A = arith.constant 2 : i32
    %mul3A_0 = arith.muli %arg1, %mul3A : i32
    %add3A = arith.addi %mul3A_0, %arg0 : i32
    %mul3A_1 = arith.constant 160 : i32
    %mul3A_2 = arith.muli %add3A, %mul3A_1 : i32
    %mul3A_3 = arith.constant 640 : i32
    %mul3A_4 = arith.muli %arg1, %mul3A_3 : i32
    "tpu.region"() ({
      %run_scoped3A = tpu.sem_alloc : memref<!tpu.dma_semaphore, #tpu.memory_space<semaphore_mem>>
      %dma_start3A_176 = arith.constant 0 : i32
      %dma_start3A_177 = tpu.memref_slice %arg7[%mul3A_4, %dma_start3A_176] : memref<10240x64xf32, #tpu.memory_space<vmem_shared>> -> memref<640x64xf32, #tpu.memory_space<vmem_shared>>
      tpu.enqueue_dma source(%arg4 : memref<640x64xf32, #tpu.memory_space<hbm>>) target(%dma_start3A_177 : memref<640x64xf32, #tpu.memory_space<vmem_shared>>) target_semaphore(%run_scoped3A : memref<!tpu.dma_semaphore, #tpu.memory_space<semaphore_mem>>)
      %dma_wait3A_178 = arith.constant 0 : i32
      %dma_wait3A_179 = tpu.memref_slice %arg7[%mul3A_4, %dma_wait3A_178] : memref<10240x64xf32, #tpu.memory_space<vmem_shared>> -> memref<640x64xf32, #tpu.memory_space<vmem_shared>>
      tpu.wait_dma2 semaphore(%run_scoped3A : memref<!tpu.dma_semaphore, #tpu.memory_space<semaphore_mem>>) src(%arg4 : memref<640x64xf32, #tpu.memory_space<hbm>>) dst(%dma_wait3A_179 : memref<640x64xf32, #tpu.memory_space<vmem_shared>>)
      tpu.yield
    }) : () -> ()
    %barrier3A = arith.constant 0 : index
    tpu.barrier barrier_id(%barrier3A)
    %add3A_5 = arith.constant 0 : i32
    %add3A_6 = arith.addi %mul3A_2, %add3A_5 : i32
    %dma_start3A = arith.constant 0 : i32
    %dma_start3A_7 = arith.constant 0 : i32
    %dma_start3A_8 = tpu.memref_slice %arg2[%add3A_6, %dma_start3A, %dma_start3A_7] : memref<5120x2x64xi32, #tpu.memory_space<hbm>> -> memref<1x2x64xi32, #tpu.memory_space<hbm>>
    %dma_start3A_9 = tpu.memref_squeeze %dma_start3A_8 : memref<1x2x64xi32, #tpu.memory_space<hbm>> -> memref<2x64xi32, #tpu.memory_space<hbm>>
    %dma_start3A_10 = arith.constant 0 : i32
    %dma_start3A_11 = arith.constant 0 : i32
    %dma_start3A_12 = tpu.memref_slice %arg2[%add3A_6, %dma_start3A_10, %dma_start3A_11] : memref<5120x2x64xi32, #tpu.memory_space<hbm>> -> memref<1x2x64xi32, #tpu.memory_space<hbm>>
    %dma_start3A_13 = tpu.memref_squeeze %dma_start3A_12 : memref<1x2x64xi32, #tpu.memory_space<hbm>> -> memref<2x64xi32, #tpu.memory_space<hbm>>
    tpu.enqueue_dma source(%dma_start3A_13 : memref<2x64xi32, #tpu.memory_space<hbm>>) target(%arg8 : memref<2x64xi32, #tpu.memory_space<vmem>>) target_semaphore(%arg18 : memref<!tpu.dma_semaphore, #tpu.memory_space<semaphore_mem>>)
    %add3A_14 = arith.constant 1 : i32
    %add3A_15 = arith.addi %mul3A_2, %add3A_14 : i32
    %dma_start3A_16 = arith.constant 0 : i32
    %dma_start3A_17 = arith.constant 0 : i32
    %dma_start3A_18 = tpu.memref_slice %arg2[%add3A_15, %dma_start3A_16, %dma_start3A_17] : memref<5120x2x64xi32, #tpu.memory_space<hbm>> -> memref<1x2x64xi32, #tpu.memory_space<hbm>>
    %dma_start3A_19 = tpu.memref_squeeze %dma_start3A_18 : memref<1x2x64xi32, #tpu.memory_space<hbm>> -> memref<2x64xi32, #tpu.memory_space<hbm>>
    %dma_start3A_20 = arith.constant 0 : i32
    %dma_start3A_21 = arith.constant 0 : i32
    %dma_start3A_22 = tpu.memref_slice %arg2[%add3A_15, %dma_start3A_20, %dma_start3A_21] : memref<5120x2x64xi32, #tpu.memory_space<hbm>> -> memref<1x2x64xi32, #tpu.memory_space<hbm>>
    %dma_start3A_23 = tpu.memref_squeeze %dma_start3A_22 : memref<1x2x64xi32, #tpu.memory_space<hbm>> -> memref<2x64xi32, #tpu.memory_space<hbm>>
    tpu.enqueue_dma source(%dma_start3A_23 : memref<2x64xi32, #tpu.memory_space<hbm>>) target(%arg9 : memref<2x64xi32, #tpu.memory_space<vmem>>) target_semaphore(%arg19 : memref<!tpu.dma_semaphore, #tpu.memory_space<semaphore_mem>>)
    %add3A_24 = arith.constant 2 : i32
    %add3A_25 = arith.addi %mul3A_2, %add3A_24 : i32
    %dma_start3A_26 = arith.constant 0 : i32
    %dma_start3A_27 = arith.constant 0 : i32
    %dma_start3A_28 = tpu.memref_slice %arg2[%add3A_25, %dma_start3A_26, %dma_start3A_27] : memref<5120x2x64xi32, #tpu.memory_space<hbm>> -> memref<1x2x64xi32, #tpu.memory_space<hbm>>
    %dma_start3A_29 = tpu.memref_squeeze %dma_start3A_28 : memref<1x2x64xi32, #tpu.memory_space<hbm>> -> memref<2x64xi32, #tpu.memory_space<hbm>>
    %dma_start3A_30 = arith.constant 0 : i32
    %dma_start3A_31 = arith.constant 0 : i32
    %dma_start3A_32 = tpu.memref_slice %arg2[%add3A_25, %dma_start3A_30, %dma_start3A_31] : memref<5120x2x64xi32, #tpu.memory_space<hbm>> -> memref<1x2x64xi32, #tpu.memory_space<hbm>>
    %dma_start3A_33 = tpu.memref_squeeze %dma_start3A_32 : memref<1x2x64xi32, #tpu.memory_space<hbm>> -> memref<2x64xi32, #tpu.memory_space<hbm>>
    tpu.enqueue_dma source(%dma_start3A_33 : memref<2x64xi32, #tpu.memory_space<hbm>>) target(%arg10 : memref<2x64xi32, #tpu.memory_space<vmem>>) target_semaphore(%arg20 : memref<!tpu.dma_semaphore, #tpu.memory_space<semaphore_mem>>)
    %add3A_34 = arith.constant 3 : i32
    %add3A_35 = arith.addi %mul3A_2, %add3A_34 : i32
    %dma_start3A_36 = arith.constant 0 : i32
    %dma_start3A_37 = arith.constant 0 : i32
    %dma_start3A_38 = tpu.memref_slice %arg2[%add3A_35, %dma_start3A_36, %dma_start3A_37] : memref<5120x2x64xi32, #tpu.memory_space<hbm>> -> memref<1x2x64xi32, #tpu.memory_space<hbm>>
    %dma_start3A_39 = tpu.memref_squeeze %dma_start3A_38 : memref<1x2x64xi32, #tpu.memory_space<hbm>> -> memref<2x64xi32, #tpu.memory_space<hbm>>
    %dma_start3A_40 = arith.constant 0 : i32
    %dma_start3A_41 = arith.constant 0 : i32
    %dma_start3A_42 = tpu.memref_slice %arg2[%add3A_35, %dma_start3A_40, %dma_start3A_41] : memref<5120x2x64xi32, #tpu.memory_space<hbm>> -> memref<1x2x64xi32, #tpu.memory_space<hbm>>
    %dma_start3A_43 = tpu.memref_squeeze %dma_start3A_42 : memref<1x2x64xi32, #tpu.memory_space<hbm>> -> memref<2x64xi32, #tpu.memory_space<hbm>>
    tpu.enqueue_dma source(%dma_start3A_43 : memref<2x64xi32, #tpu.memory_space<hbm>>) target(%arg11 : memref<2x64xi32, #tpu.memory_space<vmem>>) target_semaphore(%arg21 : memref<!tpu.dma_semaphore, #tpu.memory_space<semaphore_mem>>)
    %add3A_44 = arith.constant 4 : i32
    %add3A_45 = arith.addi %mul3A_2, %add3A_44 : i32
    %dma_start3A_46 = arith.constant 0 : i32
    %dma_start3A_47 = arith.constant 0 : i32
    %dma_start3A_48 = tpu.memref_slice %arg2[%add3A_45, %dma_start3A_46, %dma_start3A_47] : memref<5120x2x64xi32, #tpu.memory_space<hbm>> -> memref<1x2x64xi32, #tpu.memory_space<hbm>>
    %dma_start3A_49 = tpu.memref_squeeze %dma_start3A_48 : memref<1x2x64xi32, #tpu.memory_space<hbm>> -> memref<2x64xi32, #tpu.memory_space<hbm>>
    %dma_start3A_50 = arith.constant 0 : i32
    %dma_start3A_51 = arith.constant 0 : i32
    %dma_start3A_52 = tpu.memref_slice %arg2[%add3A_45, %dma_start3A_50, %dma_start3A_51] : memref<5120x2x64xi32, #tpu.memory_space<hbm>> -> memref<1x2x64xi32, #tpu.memory_space<hbm>>
    %dma_start3A_53 = tpu.memref_squeeze %dma_start3A_52 : memref<1x2x64xi32, #tpu.memory_space<hbm>> -> memref<2x64xi32, #tpu.memory_space<hbm>>
    tpu.enqueue_dma source(%dma_start3A_53 : memref<2x64xi32, #tpu.memory_space<hbm>>) target(%arg12 : memref<2x64xi32, #tpu.memory_space<vmem>>) target_semaphore(%arg22 : memref<!tpu.dma_semaphore, #tpu.memory_space<semaphore_mem>>)
    %dma_wait3A = arith.constant 0 : i32
    %dma_wait3A_54 = arith.constant 0 : i32
    %dma_wait3A_55 = arith.constant 0 : i32
    %dma_wait3A_56 = tpu.memref_slice %arg2[%dma_wait3A, %dma_wait3A_54, %dma_wait3A_55] : memref<5120x2x64xi32, #tpu.memory_space<hbm>> -> memref<1x2x64xi32, #tpu.memory_space<hbm>>
    %dma_wait3A_57 = tpu.memref_squeeze %dma_wait3A_56 : memref<1x2x64xi32, #tpu.memory_space<hbm>> -> memref<2x64xi32, #tpu.memory_space<hbm>>
    %dma_wait3A_58 = arith.constant 0 : i32
    %dma_wait3A_59 = arith.constant 0 : i32
    %dma_wait3A_60 = tpu.memref_slice %arg2[%dma_wait3A, %dma_wait3A_58, %dma_wait3A_59] : memref<5120x2x64xi32, #tpu.memory_space<hbm>> -> memref<1x2x64xi32, #tpu.memory_space<hbm>>
    %dma_wait3A_61 = tpu.memref_squeeze %dma_wait3A_60 : memref<1x2x64xi32, #tpu.memory_space<hbm>> -> memref<2x64xi32, #tpu.memory_space<hbm>>
    tpu.wait_dma2 semaphore(%arg18 : memref<!tpu.dma_semaphore, #tpu.memory_space<semaphore_mem>>) src(%dma_wait3A_61 : memref<2x64xi32, #tpu.memory_space<hbm>>) dst(%arg8 : memref<2x64xi32, #tpu.memory_space<vmem>>)
    %dma_start3A_62 = arith.constant 0 : i32
    %dma_start3A_63 = arith.constant 0 : i32
    %dma_start3A_64 = tpu.memref_slice %arg8[%dma_start3A_62, %dma_start3A_63] : memref<2x64xi32, #tpu.memory_space<vmem>> -> memref<1x64xi32, #tpu.memory_space<vmem>>
    %dma_start3A_65 = tpu.memref_squeeze %dma_start3A_64 : memref<1x64xi32, #tpu.memory_space<vmem>> -> memref<64xi32, #tpu.memory_space<vmem>>
    %dma_start3A_66 = arith.constant 0 : i32
    %dma_start3A_67 = arith.constant 0 : i32
    %dma_start3A_68 = tpu.memref_slice %arg3[%dma_start3A_66, %dma_start3A_67] : memref<10000x64xf32, #tpu.memory_space<hbm>> -> memref<10000x64xf32, #tpu.memory_space<hbm>>
    tpu.enqueue_indirect_dma source(%dma_start3A_68 : memref<10000x64xf32, #tpu.memory_space<hbm>>) target(%arg13 : memref<64x64xf32, #tpu.memory_space<vmem>>) offsets(%dma_start3A_65 : memref<64xi32, #tpu.memory_space<vmem>>) semaphore(%arg23 : memref<!tpu.dma_semaphore, #tpu.memory_space<semaphore_mem>>)
    %dma_wait3A_69 = arith.constant 0 : i32
    %dma_wait3A_70 = arith.constant 0 : i32
    %dma_wait3A_71 = arith.constant 0 : i32
    %dma_wait3A_72 = tpu.memref_slice %arg2[%dma_wait3A_69, %dma_wait3A_70, %dma_wait3A_71] : memref<5120x2x64xi32, #tpu.memory_space<hbm>> -> memref<1x2x64xi32, #tpu.memory_space<hbm>>
    %dma_wait3A_73 = tpu.memref_squeeze %dma_wait3A_72 : memref<1x2x64xi32, #tpu.memory_space<hbm>> -> memref<2x64xi32, #tpu.memory_space<hbm>>
    %dma_wait3A_74 = arith.constant 0 : i32
    %dma_wait3A_75 = arith.constant 0 : i32
    %dma_wait3A_76 = tpu.memref_slice %arg2[%dma_wait3A_69, %dma_wait3A_74, %dma_wait3A_75] : memref<5120x2x64xi32, #tpu.memory_space<hbm>> -> memref<1x2x64xi32, #tpu.memory_space<hbm>>
    %dma_wait3A_77 = tpu.memref_squeeze %dma_wait3A_76 : memref<1x2x64xi32, #tpu.memory_space<hbm>> -> memref<2x64xi32, #tpu.memory_space<hbm>>
    tpu.wait_dma2 semaphore(%arg19 : memref<!tpu.dma_semaphore, #tpu.memory_space<semaphore_mem>>) src(%dma_wait3A_77 : memref<2x64xi32, #tpu.memory_space<hbm>>) dst(%arg9 : memref<2x64xi32, #tpu.memory_space<vmem>>)
    %dma_start3A_78 = arith.constant 0 : i32
    %dma_start3A_79 = arith.constant 0 : i32
    %dma_start3A_80 = tpu.memref_slice %arg9[%dma_start3A_78, %dma_start3A_79] : memref<2x64xi32, #tpu.memory_space<vmem>> -> memref<1x64xi32, #tpu.memory_space<vmem>>
    %dma_start3A_81 = tpu.memref_squeeze %dma_start3A_80 : memref<1x64xi32, #tpu.memory_space<vmem>> -> memref<64xi32, #tpu.memory_space<vmem>>
    %dma_start3A_82 = arith.constant 0 : i32
    %dma_start3A_83 = arith.constant 0 : i32
    %dma_start3A_84 = tpu.memref_slice %arg3[%dma_start3A_82, %dma_start3A_83] : memref<10000x64xf32, #tpu.memory_space<hbm>> -> memref<10000x64xf32, #tpu.memory_space<hbm>>
    tpu.enqueue_indirect_dma source(%dma_start3A_84 : memref<10000x64xf32, #tpu.memory_space<hbm>>) target(%arg14 : memref<64x64xf32, #tpu.memory_space<vmem>>) offsets(%dma_start3A_81 : memref<64xi32, #tpu.memory_space<vmem>>) semaphore(%arg24 : memref<!tpu.dma_semaphore, #tpu.memory_space<semaphore_mem>>)
    %dma_wait3A_85 = arith.constant 0 : i32
    %dma_wait3A_86 = arith.constant 0 : i32
    %dma_wait3A_87 = arith.constant 0 : i32
    %dma_wait3A_88 = tpu.memref_slice %arg2[%dma_wait3A_85, %dma_wait3A_86, %dma_wait3A_87] : memref<5120x2x64xi32, #tpu.memory_space<hbm>> -> memref<1x2x64xi32, #tpu.memory_space<hbm>>
    %dma_wait3A_89 = tpu.memref_squeeze %dma_wait3A_88 : memref<1x2x64xi32, #tpu.memory_space<hbm>> -> memref<2x64xi32, #tpu.memory_space<hbm>>
    %dma_wait3A_90 = arith.constant 0 : i32
    %dma_wait3A_91 = arith.constant 0 : i32
    %dma_wait3A_92 = tpu.memref_slice %arg2[%dma_wait3A_85, %dma_wait3A_90, %dma_wait3A_91] : memref<5120x2x64xi32, #tpu.memory_space<hbm>> -> memref<1x2x64xi32, #tpu.memory_space<hbm>>
    %dma_wait3A_93 = tpu.memref_squeeze %dma_wait3A_92 : memref<1x2x64xi32, #tpu.memory_space<hbm>> -> memref<2x64xi32, #tpu.memory_space<hbm>>
    tpu.wait_dma2 semaphore(%arg20 : memref<!tpu.dma_semaphore, #tpu.memory_space<semaphore_mem>>) src(%dma_wait3A_93 : memref<2x64xi32, #tpu.memory_space<hbm>>) dst(%arg10 : memref<2x64xi32, #tpu.memory_space<vmem>>)
    %dma_start3A_94 = arith.constant 0 : i32
    %dma_start3A_95 = arith.constant 0 : i32
    %dma_start3A_96 = tpu.memref_slice %arg10[%dma_start3A_94, %dma_start3A_95] : memref<2x64xi32, #tpu.memory_space<vmem>> -> memref<1x64xi32, #tpu.memory_space<vmem>>
    %dma_start3A_97 = tpu.memref_squeeze %dma_start3A_96 : memref<1x64xi32, #tpu.memory_space<vmem>> -> memref<64xi32, #tpu.memory_space<vmem>>
    %dma_start3A_98 = arith.constant 0 : i32
    %dma_start3A_99 = arith.constant 0 : i32
    %dma_start3A_100 = tpu.memref_slice %arg3[%dma_start3A_98, %dma_start3A_99] : memref<10000x64xf32, #tpu.memory_space<hbm>> -> memref<10000x64xf32, #tpu.memory_space<hbm>>
    tpu.enqueue_indirect_dma source(%dma_start3A_100 : memref<10000x64xf32, #tpu.memory_space<hbm>>) target(%arg15 : memref<64x64xf32, #tpu.memory_space<vmem>>) offsets(%dma_start3A_97 : memref<64xi32, #tpu.memory_space<vmem>>) semaphore(%arg25 : memref<!tpu.dma_semaphore, #tpu.memory_space<semaphore_mem>>)
    %dma_wait3A_101 = arith.constant 0 : i32
    %dma_wait3A_102 = arith.constant 0 : i32
    %dma_wait3A_103 = arith.constant 0 : i32
    %dma_wait3A_104 = tpu.memref_slice %arg2[%dma_wait3A_101, %dma_wait3A_102, %dma_wait3A_103] : memref<5120x2x64xi32, #tpu.memory_space<hbm>> -> memref<1x2x64xi32, #tpu.memory_space<hbm>>
    %dma_wait3A_105 = tpu.memref_squeeze %dma_wait3A_104 : memref<1x2x64xi32, #tpu.memory_space<hbm>> -> memref<2x64xi32, #tpu.memory_space<hbm>>
    %dma_wait3A_106 = arith.constant 0 : i32
    %dma_wait3A_107 = arith.constant 0 : i32
    %dma_wait3A_108 = tpu.memref_slice %arg2[%dma_wait3A_101, %dma_wait3A_106, %dma_wait3A_107] : memref<5120x2x64xi32, #tpu.memory_space<hbm>> -> memref<1x2x64xi32, #tpu.memory_space<hbm>>
    %dma_wait3A_109 = tpu.memref_squeeze %dma_wait3A_108 : memref<1x2x64xi32, #tpu.memory_space<hbm>> -> memref<2x64xi32, #tpu.memory_space<hbm>>
    tpu.wait_dma2 semaphore(%arg21 : memref<!tpu.dma_semaphore, #tpu.memory_space<semaphore_mem>>) src(%dma_wait3A_109 : memref<2x64xi32, #tpu.memory_space<hbm>>) dst(%arg11 : memref<2x64xi32, #tpu.memory_space<vmem>>)
    %dma_start3A_110 = arith.constant 0 : i32
    %dma_start3A_111 = arith.constant 0 : i32
    %dma_start3A_112 = tpu.memref_slice %arg11[%dma_start3A_110, %dma_start3A_111] : memref<2x64xi32, #tpu.memory_space<vmem>> -> memref<1x64xi32, #tpu.memory_space<vmem>>
    %dma_start3A_113 = tpu.memref_squeeze %dma_start3A_112 : memref<1x64xi32, #tpu.memory_space<vmem>> -> memref<64xi32, #tpu.memory_space<vmem>>
    %dma_start3A_114 = arith.constant 0 : i32
    %dma_start3A_115 = arith.constant 0 : i32
    %dma_start3A_116 = tpu.memref_slice %arg3[%dma_start3A_114, %dma_start3A_115] : memref<10000x64xf32, #tpu.memory_space<hbm>> -> memref<10000x64xf32, #tpu.memory_space<hbm>>
    tpu.enqueue_indirect_dma source(%dma_start3A_116 : memref<10000x64xf32, #tpu.memory_space<hbm>>) target(%arg16 : memref<64x64xf32, #tpu.memory_space<vmem>>) offsets(%dma_start3A_113 : memref<64xi32, #tpu.memory_space<vmem>>) semaphore(%arg26 : memref<!tpu.dma_semaphore, #tpu.memory_space<semaphore_mem>>)
    %dma_wait3A_117 = arith.constant 0 : i32
    %dma_wait3A_118 = arith.constant 0 : i32
    %dma_wait3A_119 = arith.constant 0 : i32
    %dma_wait3A_120 = tpu.memref_slice %arg2[%dma_wait3A_117, %dma_wait3A_118, %dma_wait3A_119] : memref<5120x2x64xi32, #tpu.memory_space<hbm>> -> memref<1x2x64xi32, #tpu.memory_space<hbm>>
    %dma_wait3A_121 = tpu.memref_squeeze %dma_wait3A_120 : memref<1x2x64xi32, #tpu.memory_space<hbm>> -> memref<2x64xi32, #tpu.memory_space<hbm>>
    %dma_wait3A_122 = arith.constant 0 : i32
    %dma_wait3A_123 = arith.constant 0 : i32
    %dma_wait3A_124 = tpu.memref_slice %arg2[%dma_wait3A_117, %dma_wait3A_122, %dma_wait3A_123] : memref<5120x2x64xi32, #tpu.memory_space<hbm>> -> memref<1x2x64xi32, #tpu.memory_space<hbm>>
    %dma_wait3A_125 = tpu.memref_squeeze %dma_wait3A_124 : memref<1x2x64xi32, #tpu.memory_space<hbm>> -> memref<2x64xi32, #tpu.memory_space<hbm>>
    tpu.wait_dma2 semaphore(%arg22 : memref<!tpu.dma_semaphore, #tpu.memory_space<semaphore_mem>>) src(%dma_wait3A_125 : memref<2x64xi32, #tpu.memory_space<hbm>>) dst(%arg12 : memref<2x64xi32, #tpu.memory_space<vmem>>)
    %dma_start3A_126 = arith.constant 0 : i32
    %dma_start3A_127 = arith.constant 0 : i32
    %dma_start3A_128 = tpu.memref_slice %arg12[%dma_start3A_126, %dma_start3A_127] : memref<2x64xi32, #tpu.memory_space<vmem>> -> memref<1x64xi32, #tpu.memory_space<vmem>>
    %dma_start3A_129 = tpu.memref_squeeze %dma_start3A_128 : memref<1x64xi32, #tpu.memory_space<vmem>> -> memref<64xi32, #tpu.memory_space<vmem>>
    %dma_start3A_130 = arith.constant 0 : i32
    %dma_start3A_131 = arith.constant 0 : i32
    %dma_start3A_132 = tpu.memref_slice %arg3[%dma_start3A_130, %dma_start3A_131] : memref<10000x64xf32, #tpu.memory_space<hbm>> -> memref<10000x64xf32, #tpu.memory_space<hbm>>
    tpu.enqueue_indirect_dma source(%dma_start3A_132 : memref<10000x64xf32, #tpu.memory_space<hbm>>) target(%arg17 : memref<64x64xf32, #tpu.memory_space<vmem>>) offsets(%dma_start3A_129 : memref<64xi32, #tpu.memory_space<vmem>>) semaphore(%arg27 : memref<!tpu.dma_semaphore, #tpu.memory_space<semaphore_mem>>)
    %scan3A = arith.constant 0 : i32
    %scan3A_133 = arith.constant 0 : i32
    %scan3A_134 = arith.constant 32 : i32
    %scan3A_135 = arith.addi %scan3A_133, %scan3A_134 : i32
    %scan3A_136 = arith.constant 1 : i32
    scf.for %scan3A_176 = %scan3A_133 to %scan3A_135 step %scan3A_136  : i32 {
      %mul3A_177 = arith.constant 5 : i32
      %mul3A_178 = arith.muli %scan3A_176, %mul3A_177 : i32
      %dma_wait3A_179 = arith.constant 0 : i32
      %dma_wait3A_180 = arith.constant 0 : i32
      %dma_wait3A_181 = tpu.memref_slice %arg3[%dma_wait3A_179, %dma_wait3A_180] : memref<10000x64xf32, #tpu.memory_space<hbm>> -> memref<64x64xf32, #tpu.memory_space<hbm>>
      %dma_wait3A_182 = arith.constant 0 : i32
      %dma_wait3A_183 = arith.constant 0 : i32
      %dma_wait3A_184 = tpu.memref_slice %arg3[%dma_wait3A_182, %dma_wait3A_183] : memref<10000x64xf32, #tpu.memory_space<hbm>> -> memref<64x64xf32, #tpu.memory_space<hbm>>
      tpu.wait_dma2 semaphore(%arg23 : memref<!tpu.dma_semaphore, #tpu.memory_space<semaphore_mem>>) src(%dma_wait3A_184 : memref<64x64xf32, #tpu.memory_space<hbm>>) dst(%arg13 : memref<64x64xf32, #tpu.memory_space<vmem>>)
      %dma_start3A_185 = arith.constant 1 : i32
      %dma_start3A_186 = arith.constant 0 : i32
      %dma_start3A_187 = tpu.memref_slice %arg8[%dma_start3A_185, %dma_start3A_186] : memref<2x64xi32, #tpu.memory_space<vmem>> -> memref<1x64xi32, #tpu.memory_space<vmem>>
      %dma_start3A_188 = tpu.memref_squeeze %dma_start3A_187 : memref<1x64xi32, #tpu.memory_space<vmem>> -> memref<64xi32, #tpu.memory_space<vmem>>
      %dma_start3A_189 = arith.constant 0 : i32
      %dma_start3A_190 = arith.constant 0 : i32
      %dma_start3A_191 = tpu.memref_slice %arg7[%dma_start3A_189, %dma_start3A_190] : memref<10240x64xf32, #tpu.memory_space<vmem_shared>> -> memref<10240x64xf32, #tpu.memory_space<vmem_shared>>
      tpu.enqueue_indirect_dma source(%arg13 : memref<64x64xf32, #tpu.memory_space<vmem>>) target(%dma_start3A_191 : memref<10240x64xf32, #tpu.memory_space<vmem_shared>>) offsets(%dma_start3A_188 : memref<64xi32, #tpu.memory_space<vmem>>) semaphore(%arg28 : memref<!tpu.dma_semaphore, #tpu.memory_space<semaphore_mem>>) {add = true}
      %dma_wait3A_192 = arith.constant 0 : i32
      %dma_wait3A_193 = arith.constant 0 : i32
      %dma_wait3A_194 = tpu.memref_slice %arg3[%dma_wait3A_192, %dma_wait3A_193] : memref<10000x64xf32, #tpu.memory_space<hbm>> -> memref<64x64xf32, #tpu.memory_space<hbm>>
      %dma_wait3A_195 = arith.constant 0 : i32
      %dma_wait3A_196 = arith.constant 0 : i32
      %dma_wait3A_197 = tpu.memref_slice %arg3[%dma_wait3A_195, %dma_wait3A_196] : memref<10000x64xf32, #tpu.memory_space<hbm>> -> memref<64x64xf32, #tpu.memory_space<hbm>>
      tpu.wait_dma2 semaphore(%arg24 : memref<!tpu.dma_semaphore, #tpu.memory_space<semaphore_mem>>) src(%dma_wait3A_197 : memref<64x64xf32, #tpu.memory_space<hbm>>) dst(%arg14 : memref<64x64xf32, #tpu.memory_space<vmem>>)
      %dma_start3A_198 = arith.constant 1 : i32
      %dma_start3A_199 = arith.constant 0 : i32
      %dma_start3A_200 = tpu.memref_slice %arg9[%dma_start3A_198, %dma_start3A_199] : memref<2x64xi32, #tpu.memory_space<vmem>> -> memref<1x64xi32, #tpu.memory_space<vmem>>
      %dma_start3A_201 = tpu.memref_squeeze %dma_start3A_200 : memref<1x64xi32, #tpu.memory_space<vmem>> -> memref<64xi32, #tpu.memory_space<vmem>>
      %dma_start3A_202 = arith.constant 0 : i32
      %dma_start3A_203 = arith.constant 0 : i32
      %dma_start3A_204 = tpu.memref_slice %arg7[%dma_start3A_202, %dma_start3A_203] : memref<10240x64xf32, #tpu.memory_space<vmem_shared>> -> memref<10240x64xf32, #tpu.memory_space<vmem_shared>>
      tpu.enqueue_indirect_dma source(%arg14 : memref<64x64xf32, #tpu.memory_space<vmem>>) target(%dma_start3A_204 : memref<10240x64xf32, #tpu.memory_space<vmem_shared>>) offsets(%dma_start3A_201 : memref<64xi32, #tpu.memory_space<vmem>>) semaphore(%arg29 : memref<!tpu.dma_semaphore, #tpu.memory_space<semaphore_mem>>) {add = true}
      %dma_wait3A_205 = arith.constant 0 : i32
      %dma_wait3A_206 = arith.constant 0 : i32
      %dma_wait3A_207 = tpu.memref_slice %arg3[%dma_wait3A_205, %dma_wait3A_206] : memref<10000x64xf32, #tpu.memory_space<hbm>> -> memref<64x64xf32, #tpu.memory_space<hbm>>
      %dma_wait3A_208 = arith.constant 0 : i32
      %dma_wait3A_209 = arith.constant 0 : i32
      %dma_wait3A_210 = tpu.memref_slice %arg3[%dma_wait3A_208, %dma_wait3A_209] : memref<10000x64xf32, #tpu.memory_space<hbm>> -> memref<64x64xf32, #tpu.memory_space<hbm>>
      tpu.wait_dma2 semaphore(%arg25 : memref<!tpu.dma_semaphore, #tpu.memory_space<semaphore_mem>>) src(%dma_wait3A_210 : memref<64x64xf32, #tpu.memory_space<hbm>>) dst(%arg15 : memref<64x64xf32, #tpu.memory_space<vmem>>)
      %dma_start3A_211 = arith.constant 1 : i32
      %dma_start3A_212 = arith.constant 0 : i32
      %dma_start3A_213 = tpu.memref_slice %arg10[%dma_start3A_211, %dma_start3A_212] : memref<2x64xi32, #tpu.memory_space<vmem>> -> memref<1x64xi32, #tpu.memory_space<vmem>>
      %dma_start3A_214 = tpu.memref_squeeze %dma_start3A_213 : memref<1x64xi32, #tpu.memory_space<vmem>> -> memref<64xi32, #tpu.memory_space<vmem>>
      %dma_start3A_215 = arith.constant 0 : i32
      %dma_start3A_216 = arith.constant 0 : i32
      %dma_start3A_217 = tpu.memref_slice %arg7[%dma_start3A_215, %dma_start3A_216] : memref<10240x64xf32, #tpu.memory_space<vmem_shared>> -> memref<10240x64xf32, #tpu.memory_space<vmem_shared>>
      tpu.enqueue_indirect_dma source(%arg15 : memref<64x64xf32, #tpu.memory_space<vmem>>) target(%dma_start3A_217 : memref<10240x64xf32, #tpu.memory_space<vmem_shared>>) offsets(%dma_start3A_214 : memref<64xi32, #tpu.memory_space<vmem>>) semaphore(%arg30 : memref<!tpu.dma_semaphore, #tpu.memory_space<semaphore_mem>>) {add = true}
      %dma_wait3A_218 = arith.constant 0 : i32
      %dma_wait3A_219 = arith.constant 0 : i32
      %dma_wait3A_220 = tpu.memref_slice %arg3[%dma_wait3A_218, %dma_wait3A_219] : memref<10000x64xf32, #tpu.memory_space<hbm>> -> memref<64x64xf32, #tpu.memory_space<hbm>>
      %dma_wait3A_221 = arith.constant 0 : i32
      %dma_wait3A_222 = arith.constant 0 : i32
      %dma_wait3A_223 = tpu.memref_slice %arg3[%dma_wait3A_221, %dma_wait3A_222] : memref<10000x64xf32, #tpu.memory_space<hbm>> -> memref<64x64xf32, #tpu.memory_space<hbm>>
      tpu.wait_dma2 semaphore(%arg26 : memref<!tpu.dma_semaphore, #tpu.memory_space<semaphore_mem>>) src(%dma_wait3A_223 : memref<64x64xf32, #tpu.memory_space<hbm>>) dst(%arg16 : memref<64x64xf32, #tpu.memory_space<vmem>>)
      %dma_start3A_224 = arith.constant 1 : i32
      %dma_start3A_225 = arith.constant 0 : i32
      %dma_start3A_226 = tpu.memref_slice %arg11[%dma_start3A_224, %dma_start3A_225] : memref<2x64xi32, #tpu.memory_space<vmem>> -> memref<1x64xi32, #tpu.memory_space<vmem>>
      %dma_start3A_227 = tpu.memref_squeeze %dma_start3A_226 : memref<1x64xi32, #tpu.memory_space<vmem>> -> memref<64xi32, #tpu.memory_space<vmem>>
      %dma_start3A_228 = arith.constant 0 : i32
      %dma_start3A_229 = arith.constant 0 : i32
      %dma_start3A_230 = tpu.memref_slice %arg7[%dma_start3A_228, %dma_start3A_229] : memref<10240x64xf32, #tpu.memory_space<vmem_shared>> -> memref<10240x64xf32, #tpu.memory_space<vmem_shared>>
      tpu.enqueue_indirect_dma source(%arg16 : memref<64x64xf32, #tpu.memory_space<vmem>>) target(%dma_start3A_230 : memref<10240x64xf32, #tpu.memory_space<vmem_shared>>) offsets(%dma_start3A_227 : memref<64xi32, #tpu.memory_space<vmem>>) semaphore(%arg31 : memref<!tpu.dma_semaphore, #tpu.memory_space<semaphore_mem>>) {add = true}
      %dma_wait3A_231 = arith.constant 0 : i32
      %dma_wait3A_232 = arith.constant 0 : i32
      %dma_wait3A_233 = tpu.memref_slice %arg3[%dma_wait3A_231, %dma_wait3A_232] : memref<10000x64xf32, #tpu.memory_space<hbm>> -> memref<64x64xf32, #tpu.memory_space<hbm>>
      %dma_wait3A_234 = arith.constant 0 : i32
      %dma_wait3A_235 = arith.constant 0 : i32
      %dma_wait3A_236 = tpu.memref_slice %arg3[%dma_wait3A_234, %dma_wait3A_235] : memref<10000x64xf32, #tpu.memory_space<hbm>> -> memref<64x64xf32, #tpu.memory_space<hbm>>
      tpu.wait_dma2 semaphore(%arg27 : memref<!tpu.dma_semaphore, #tpu.memory_space<semaphore_mem>>) src(%dma_wait3A_236 : memref<64x64xf32, #tpu.memory_space<hbm>>) dst(%arg17 : memref<64x64xf32, #tpu.memory_space<vmem>>)
      %dma_start3A_237 = arith.constant 1 : i32
      %dma_start3A_238 = arith.constant 0 : i32
      %dma_start3A_239 = tpu.memref_slice %arg12[%dma_start3A_237, %dma_start3A_238] : memref<2x64xi32, #tpu.memory_space<vmem>> -> memref<1x64xi32, #tpu.memory_space<vmem>>
      %dma_start3A_240 = tpu.memref_squeeze %dma_start3A_239 : memref<1x64xi32, #tpu.memory_space<vmem>> -> memref<64xi32, #tpu.memory_space<vmem>>
      %dma_start3A_241 = arith.constant 0 : i32
      %dma_start3A_242 = arith.constant 0 : i32
      %dma_start3A_243 = tpu.memref_slice %arg7[%dma_start3A_241, %dma_start3A_242] : memref<10240x64xf32, #tpu.memory_space<vmem_shared>> -> memref<10240x64xf32, #tpu.memory_space<vmem_shared>>
      tpu.enqueue_indirect_dma source(%arg17 : memref<64x64xf32, #tpu.memory_space<vmem>>) target(%dma_start3A_243 : memref<10240x64xf32, #tpu.memory_space<vmem_shared>>) offsets(%dma_start3A_240 : memref<64xi32, #tpu.memory_space<vmem>>) semaphore(%arg32 : memref<!tpu.dma_semaphore, #tpu.memory_space<semaphore_mem>>) {add = true}
      %lt3A = arith.constant 31 : i32
      %lt3A_244 = arith.cmpi slt, %scan3A_176, %lt3A : i32
      %convert_element_type3A_245 = arith.extui %lt3A_244 : i1 to i32
      %cond3A_246 = arith.constant 0 : i32
      %cond3A_247 = arith.cmpi ne, %convert_element_type3A_245, %cond3A_246 : i32
      scf.if %cond3A_247 {
        %dma_wait3A_248 = arith.constant 0 : i32
        %dma_wait3A_249 = arith.constant 0 : i32
        %dma_wait3A_250 = tpu.memref_slice %arg3[%dma_wait3A_248, %dma_wait3A_249] : memref<10000x64xf32, #tpu.memory_space<hbm>> -> memref<64x64xf32, #tpu.memory_space<hbm>>
        %dma_wait3A_251 = arith.constant 0 : i32
        %dma_wait3A_252 = arith.constant 0 : i32
        %dma_wait3A_253 = tpu.memref_slice %arg3[%dma_wait3A_251, %dma_wait3A_252] : memref<10000x64xf32, #tpu.memory_space<hbm>> -> memref<64x64xf32, #tpu.memory_space<hbm>>
        tpu.wait_dma2 semaphore(%arg28 : memref<!tpu.dma_semaphore, #tpu.memory_space<semaphore_mem>>) src(%dma_wait3A_253 : memref<64x64xf32, #tpu.memory_space<hbm>>) dst(%arg13 : memref<64x64xf32, #tpu.memory_space<vmem>>)
        %add3A_254 = arith.constant 5 : i32
        %add3A_255 = arith.addi %mul3A_178, %add3A_254 : i32
        %add3A_256 = arith.constant 0 : i32
        %add3A_257 = arith.addi %add3A_255, %add3A_256 : i32
        %add3A_258 = arith.addi %mul3A_2, %add3A_257 : i32
        %dma_start3A_259 = arith.constant 0 : i32
        %dma_start3A_260 = arith.constant 0 : i32
        %dma_start3A_261 = tpu.memref_slice %arg2[%add3A_258, %dma_start3A_259, %dma_start3A_260] : memref<5120x2x64xi32, #tpu.memory_space<hbm>> -> memref<1x2x64xi32, #tpu.memory_space<hbm>>
        %dma_start3A_262 = tpu.memref_squeeze %dma_start3A_261 : memref<1x2x64xi32, #tpu.memory_space<hbm>> -> memref<2x64xi32, #tpu.memory_space<hbm>>
        %dma_start3A_263 = arith.constant 0 : i32
        %dma_start3A_264 = arith.constant 0 : i32
        %dma_start3A_265 = tpu.memref_slice %arg2[%add3A_258, %dma_start3A_263, %dma_start3A_264] : memref<5120x2x64xi32, #tpu.memory_space<hbm>> -> memref<1x2x64xi32, #tpu.memory_space<hbm>>
        %dma_start3A_266 = tpu.memref_squeeze %dma_start3A_265 : memref<1x2x64xi32, #tpu.memory_space<hbm>> -> memref<2x64xi32, #tpu.memory_space<hbm>>
        tpu.enqueue_dma source(%dma_start3A_266 : memref<2x64xi32, #tpu.memory_space<hbm>>) target(%arg8 : memref<2x64xi32, #tpu.memory_space<vmem>>) target_semaphore(%arg18 : memref<!tpu.dma_semaphore, #tpu.memory_space<semaphore_mem>>)
        %dma_wait3A_267 = arith.constant 0 : i32
        %dma_wait3A_268 = arith.constant 0 : i32
        %dma_wait3A_269 = tpu.memref_slice %arg3[%dma_wait3A_267, %dma_wait3A_268] : memref<10000x64xf32, #tpu.memory_space<hbm>> -> memref<64x64xf32, #tpu.memory_space<hbm>>
        %dma_wait3A_270 = arith.constant 0 : i32
        %dma_wait3A_271 = arith.constant 0 : i32
        %dma_wait3A_272 = tpu.memref_slice %arg3[%dma_wait3A_270, %dma_wait3A_271] : memref<10000x64xf32, #tpu.memory_space<hbm>> -> memref<64x64xf32, #tpu.memory_space<hbm>>
        tpu.wait_dma2 semaphore(%arg29 : memref<!tpu.dma_semaphore, #tpu.memory_space<semaphore_mem>>) src(%dma_wait3A_272 : memref<64x64xf32, #tpu.memory_space<hbm>>) dst(%arg14 : memref<64x64xf32, #tpu.memory_space<vmem>>)
        %add3A_273 = arith.constant 5 : i32
        %add3A_274 = arith.addi %mul3A_178, %add3A_273 : i32
        %add3A_275 = arith.constant 1 : i32
        %add3A_276 = arith.addi %add3A_274, %add3A_275 : i32
        %add3A_277 = arith.addi %mul3A_2, %add3A_276 : i32
        %dma_start3A_278 = arith.constant 0 : i32
        %dma_start3A_279 = arith.constant 0 : i32
        %dma_start3A_280 = tpu.memref_slice %arg2[%add3A_277, %dma_start3A_278, %dma_start3A_279] : memref<5120x2x64xi32, #tpu.memory_space<hbm>> -> memref<1x2x64xi32, #tpu.memory_space<hbm>>
        %dma_start3A_281 = tpu.memref_squeeze %dma_start3A_280 : memref<1x2x64xi32, #tpu.memory_space<hbm>> -> memref<2x64xi32, #tpu.memory_space<hbm>>
        %dma_start3A_282 = arith.constant 0 : i32
        %dma_start3A_283 = arith.constant 0 : i32
        %dma_start3A_284 = tpu.memref_slice %arg2[%add3A_277, %dma_start3A_282, %dma_start3A_283] : memref<5120x2x64xi32, #tpu.memory_space<hbm>> -> memref<1x2x64xi32, #tpu.memory_space<hbm>>
        %dma_start3A_285 = tpu.memref_squeeze %dma_start3A_284 : memref<1x2x64xi32, #tpu.memory_space<hbm>> -> memref<2x64xi32, #tpu.memory_space<hbm>>
        tpu.enqueue_dma source(%dma_start3A_285 : memref<2x64xi32, #tpu.memory_space<hbm>>) target(%arg9 : memref<2x64xi32, #tpu.memory_space<vmem>>) target_semaphore(%arg19 : memref<!tpu.dma_semaphore, #tpu.memory_space<semaphore_mem>>)
        %dma_wait3A_286 = arith.constant 0 : i32
        %dma_wait3A_287 = arith.constant 0 : i32
        %dma_wait3A_288 = tpu.memref_slice %arg3[%dma_wait3A_286, %dma_wait3A_287] : memref<10000x64xf32, #tpu.memory_space<hbm>> -> memref<64x64xf32, #tpu.memory_space<hbm>>
        %dma_wait3A_289 = arith.constant 0 : i32
        %dma_wait3A_290 = arith.constant 0 : i32
        %dma_wait3A_291 = tpu.memref_slice %arg3[%dma_wait3A_289, %dma_wait3A_290] : memref<10000x64xf32, #tpu.memory_space<hbm>> -> memref<64x64xf32, #tpu.memory_space<hbm>>
        tpu.wait_dma2 semaphore(%arg30 : memref<!tpu.dma_semaphore, #tpu.memory_space<semaphore_mem>>) src(%dma_wait3A_291 : memref<64x64xf32, #tpu.memory_space<hbm>>) dst(%arg15 : memref<64x64xf32, #tpu.memory_space<vmem>>)
        %add3A_292 = arith.constant 5 : i32
        %add3A_293 = arith.addi %mul3A_178, %add3A_292 : i32
        %add3A_294 = arith.constant 2 : i32
        %add3A_295 = arith.addi %add3A_293, %add3A_294 : i32
        %add3A_296 = arith.addi %mul3A_2, %add3A_295 : i32
        %dma_start3A_297 = arith.constant 0 : i32
        %dma_start3A_298 = arith.constant 0 : i32
        %dma_start3A_299 = tpu.memref_slice %arg2[%add3A_296, %dma_start3A_297, %dma_start3A_298] : memref<5120x2x64xi32, #tpu.memory_space<hbm>> -> memref<1x2x64xi32, #tpu.memory_space<hbm>>
        %dma_start3A_300 = tpu.memref_squeeze %dma_start3A_299 : memref<1x2x64xi32, #tpu.memory_space<hbm>> -> memref<2x64xi32, #tpu.memory_space<hbm>>
        %dma_start3A_301 = arith.constant 0 : i32
        %dma_start3A_302 = arith.constant 0 : i32
        %dma_start3A_303 = tpu.memref_slice %arg2[%add3A_296, %dma_start3A_301, %dma_start3A_302] : memref<5120x2x64xi32, #tpu.memory_space<hbm>> -> memref<1x2x64xi32, #tpu.memory_space<hbm>>
        %dma_start3A_304 = tpu.memref_squeeze %dma_start3A_303 : memref<1x2x64xi32, #tpu.memory_space<hbm>> -> memref<2x64xi32, #tpu.memory_space<hbm>>
        tpu.enqueue_dma source(%dma_start3A_304 : memref<2x64xi32, #tpu.memory_space<hbm>>) target(%arg10 : memref<2x64xi32, #tpu.memory_space<vmem>>) target_semaphore(%arg20 : memref<!tpu.dma_semaphore, #tpu.memory_space<semaphore_mem>>)
        %dma_wait3A_305 = arith.constant 0 : i32
        %dma_wait3A_306 = arith.constant 0 : i32
        %dma_wait3A_307 = tpu.memref_slice %arg3[%dma_wait3A_305, %dma_wait3A_306] : memref<10000x64xf32, #tpu.memory_space<hbm>> -> memref<64x64xf32, #tpu.memory_space<hbm>>
        %dma_wait3A_308 = arith.constant 0 : i32
        %dma_wait3A_309 = arith.constant 0 : i32
        %dma_wait3A_310 = tpu.memref_slice %arg3[%dma_wait3A_308, %dma_wait3A_309] : memref<10000x64xf32, #tpu.memory_space<hbm>> -> memref<64x64xf32, #tpu.memory_space<hbm>>
        tpu.wait_dma2 semaphore(%arg31 : memref<!tpu.dma_semaphore, #tpu.memory_space<semaphore_mem>>) src(%dma_wait3A_310 : memref<64x64xf32, #tpu.memory_space<hbm>>) dst(%arg16 : memref<64x64xf32, #tpu.memory_space<vmem>>)
        %add3A_311 = arith.constant 5 : i32
        %add3A_312 = arith.addi %mul3A_178, %add3A_311 : i32
        %add3A_313 = arith.constant 3 : i32
        %add3A_314 = arith.addi %add3A_312, %add3A_313 : i32
        %add3A_315 = arith.addi %mul3A_2, %add3A_314 : i32
        %dma_start3A_316 = arith.constant 0 : i32
        %dma_start3A_317 = arith.constant 0 : i32
        %dma_start3A_318 = tpu.memref_slice %arg2[%add3A_315, %dma_start3A_316, %dma_start3A_317] : memref<5120x2x64xi32, #tpu.memory_space<hbm>> -> memref<1x2x64xi32, #tpu.memory_space<hbm>>
        %dma_start3A_319 = tpu.memref_squeeze %dma_start3A_318 : memref<1x2x64xi32, #tpu.memory_space<hbm>> -> memref<2x64xi32, #tpu.memory_space<hbm>>
        %dma_start3A_320 = arith.constant 0 : i32
        %dma_start3A_321 = arith.constant 0 : i32
        %dma_start3A_322 = tpu.memref_slice %arg2[%add3A_315, %dma_start3A_320, %dma_start3A_321] : memref<5120x2x64xi32, #tpu.memory_space<hbm>> -> memref<1x2x64xi32, #tpu.memory_space<hbm>>
        %dma_start3A_323 = tpu.memref_squeeze %dma_start3A_322 : memref<1x2x64xi32, #tpu.memory_space<hbm>> -> memref<2x64xi32, #tpu.memory_space<hbm>>
        tpu.enqueue_dma source(%dma_start3A_323 : memref<2x64xi32, #tpu.memory_space<hbm>>) target(%arg11 : memref<2x64xi32, #tpu.memory_space<vmem>>) target_semaphore(%arg21 : memref<!tpu.dma_semaphore, #tpu.memory_space<semaphore_mem>>)
        %dma_wait3A_324 = arith.constant 0 : i32
        %dma_wait3A_325 = arith.constant 0 : i32
        %dma_wait3A_326 = tpu.memref_slice %arg3[%dma_wait3A_324, %dma_wait3A_325] : memref<10000x64xf32, #tpu.memory_space<hbm>> -> memref<64x64xf32, #tpu.memory_space<hbm>>
        %dma_wait3A_327 = arith.constant 0 : i32
        %dma_wait3A_328 = arith.constant 0 : i32
        %dma_wait3A_329 = tpu.memref_slice %arg3[%dma_wait3A_327, %dma_wait3A_328] : memref<10000x64xf32, #tpu.memory_space<hbm>> -> memref<64x64xf32, #tpu.memory_space<hbm>>
        tpu.wait_dma2 semaphore(%arg32 : memref<!tpu.dma_semaphore, #tpu.memory_space<semaphore_mem>>) src(%dma_wait3A_329 : memref<64x64xf32, #tpu.memory_space<hbm>>) dst(%arg17 : memref<64x64xf32, #tpu.memory_space<vmem>>)
        %add3A_330 = arith.constant 5 : i32
        %add3A_331 = arith.addi %mul3A_178, %add3A_330 : i32
        %add3A_332 = arith.constant 4 : i32
        %add3A_333 = arith.addi %add3A_331, %add3A_332 : i32
        %add3A_334 = arith.addi %mul3A_2, %add3A_333 : i32
        %dma_start3A_335 = arith.constant 0 : i32
        %dma_start3A_336 = arith.constant 0 : i32
        %dma_start3A_337 = tpu.memref_slice %arg2[%add3A_334, %dma_start3A_335, %dma_start3A_336] : memref<5120x2x64xi32, #tpu.memory_space<hbm>> -> memref<1x2x64xi32, #tpu.memory_space<hbm>>
        %dma_start3A_338 = tpu.memref_squeeze %dma_start3A_337 : memref<1x2x64xi32, #tpu.memory_space<hbm>> -> memref<2x64xi32, #tpu.memory_space<hbm>>
        %dma_start3A_339 = arith.constant 0 : i32
        %dma_start3A_340 = arith.constant 0 : i32
        %dma_start3A_341 = tpu.memref_slice %arg2[%add3A_334, %dma_start3A_339, %dma_start3A_340] : memref<5120x2x64xi32, #tpu.memory_space<hbm>> -> memref<1x2x64xi32, #tpu.memory_space<hbm>>
        %dma_start3A_342 = tpu.memref_squeeze %dma_start3A_341 : memref<1x2x64xi32, #tpu.memory_space<hbm>> -> memref<2x64xi32, #tpu.memory_space<hbm>>
        tpu.enqueue_dma source(%dma_start3A_342 : memref<2x64xi32, #tpu.memory_space<hbm>>) target(%arg12 : memref<2x64xi32, #tpu.memory_space<vmem>>) target_semaphore(%arg22 : memref<!tpu.dma_semaphore, #tpu.memory_space<semaphore_mem>>)
        %dma_wait3A_343 = arith.constant 0 : i32
        %dma_wait3A_344 = arith.constant 0 : i32
        %dma_wait3A_345 = arith.constant 0 : i32
        %dma_wait3A_346 = tpu.memref_slice %arg2[%dma_wait3A_343, %dma_wait3A_344, %dma_wait3A_345] : memref<5120x2x64xi32, #tpu.memory_space<hbm>> -> memref<1x2x64xi32, #tpu.memory_space<hbm>>
        %dma_wait3A_347 = tpu.memref_squeeze %dma_wait3A_346 : memref<1x2x64xi32, #tpu.memory_space<hbm>> -> memref<2x64xi32, #tpu.memory_space<hbm>>
        %dma_wait3A_348 = arith.constant 0 : i32
        %dma_wait3A_349 = arith.constant 0 : i32
        %dma_wait3A_350 = tpu.memref_slice %arg2[%dma_wait3A_343, %dma_wait3A_348, %dma_wait3A_349] : memref<5120x2x64xi32, #tpu.memory_space<hbm>> -> memref<1x2x64xi32, #tpu.memory_space<hbm>>
        %dma_wait3A_351 = tpu.memref_squeeze %dma_wait3A_350 : memref<1x2x64xi32, #tpu.memory_space<hbm>> -> memref<2x64xi32, #tpu.memory_space<hbm>>
        tpu.wait_dma2 semaphore(%arg18 : memref<!tpu.dma_semaphore, #tpu.memory_space<semaphore_mem>>) src(%dma_wait3A_351 : memref<2x64xi32, #tpu.memory_space<hbm>>) dst(%arg8 : memref<2x64xi32, #tpu.memory_space<vmem>>)
        %dma_start3A_352 = arith.constant 0 : i32
        %dma_start3A_353 = arith.constant 0 : i32
        %dma_start3A_354 = tpu.memref_slice %arg8[%dma_start3A_352, %dma_start3A_353] : memref<2x64xi32, #tpu.memory_space<vmem>> -> memref<1x64xi32, #tpu.memory_space<vmem>>
        %dma_start3A_355 = tpu.memref_squeeze %dma_start3A_354 : memref<1x64xi32, #tpu.memory_space<vmem>> -> memref<64xi32, #tpu.memory_space<vmem>>
        %dma_start3A_356 = arith.constant 0 : i32
        %dma_start3A_357 = arith.constant 0 : i32
        %dma_start3A_358 = tpu.memref_slice %arg3[%dma_start3A_356, %dma_start3A_357] : memref<10000x64xf32, #tpu.memory_space<hbm>> -> memref<10000x64xf32, #tpu.memory_space<hbm>>
        tpu.enqueue_indirect_dma source(%dma_start3A_358 : memref<10000x64xf32, #tpu.memory_space<hbm>>) target(%arg13 : memref<64x64xf32, #tpu.memory_space<vmem>>) offsets(%dma_start3A_355 : memref<64xi32, #tpu.memory_space<vmem>>) semaphore(%arg23 : memref<!tpu.dma_semaphore, #tpu.memory_space<semaphore_mem>>)
        %dma_wait3A_359 = arith.constant 0 : i32
        %dma_wait3A_360 = arith.constant 0 : i32
        %dma_wait3A_361 = arith.constant 0 : i32
        %dma_wait3A_362 = tpu.memref_slice %arg2[%dma_wait3A_359, %dma_wait3A_360, %dma_wait3A_361] : memref<5120x2x64xi32, #tpu.memory_space<hbm>> -> memref<1x2x64xi32, #tpu.memory_space<hbm>>
        %dma_wait3A_363 = tpu.memref_squeeze %dma_wait3A_362 : memref<1x2x64xi32, #tpu.memory_space<hbm>> -> memref<2x64xi32, #tpu.memory_space<hbm>>
        %dma_wait3A_364 = arith.constant 0 : i32
        %dma_wait3A_365 = arith.constant 0 : i32
        %dma_wait3A_366 = tpu.memref_slice %arg2[%dma_wait3A_359, %dma_wait3A_364, %dma_wait3A_365] : memref<5120x2x64xi32, #tpu.memory_space<hbm>> -> memref<1x2x64xi32, #tpu.memory_space<hbm>>
        %dma_wait3A_367 = tpu.memref_squeeze %dma_wait3A_366 : memref<1x2x64xi32, #tpu.memory_space<hbm>> -> memref<2x64xi32, #tpu.memory_space<hbm>>
        tpu.wait_dma2 semaphore(%arg19 : memref<!tpu.dma_semaphore, #tpu.memory_space<semaphore_mem>>) src(%dma_wait3A_367 : memref<2x64xi32, #tpu.memory_space<hbm>>) dst(%arg9 : memref<2x64xi32, #tpu.memory_space<vmem>>)
        %dma_start3A_368 = arith.constant 0 : i32
        %dma_start3A_369 = arith.constant 0 : i32
        %dma_start3A_370 = tpu.memref_slice %arg9[%dma_start3A_368, %dma_start3A_369] : memref<2x64xi32, #tpu.memory_space<vmem>> -> memref<1x64xi32, #tpu.memory_space<vmem>>
        %dma_start3A_371 = tpu.memref_squeeze %dma_start3A_370 : memref<1x64xi32, #tpu.memory_space<vmem>> -> memref<64xi32, #tpu.memory_space<vmem>>
        %dma_start3A_372 = arith.constant 0 : i32
        %dma_start3A_373 = arith.constant 0 : i32
        %dma_start3A_374 = tpu.memref_slice %arg3[%dma_start3A_372, %dma_start3A_373] : memref<10000x64xf32, #tpu.memory_space<hbm>> -> memref<10000x64xf32, #tpu.memory_space<hbm>>
        tpu.enqueue_indirect_dma source(%dma_start3A_374 : memref<10000x64xf32, #tpu.memory_space<hbm>>) target(%arg14 : memref<64x64xf32, #tpu.memory_space<vmem>>) offsets(%dma_start3A_371 : memref<64xi32, #tpu.memory_space<vmem>>) semaphore(%arg24 : memref<!tpu.dma_semaphore, #tpu.memory_space<semaphore_mem>>)
        %dma_wait3A_375 = arith.constant 0 : i32
        %dma_wait3A_376 = arith.constant 0 : i32
        %dma_wait3A_377 = arith.constant 0 : i32
        %dma_wait3A_378 = tpu.memref_slice %arg2[%dma_wait3A_375, %dma_wait3A_376, %dma_wait3A_377] : memref<5120x2x64xi32, #tpu.memory_space<hbm>> -> memref<1x2x64xi32, #tpu.memory_space<hbm>>
        %dma_wait3A_379 = tpu.memref_squeeze %dma_wait3A_378 : memref<1x2x64xi32, #tpu.memory_space<hbm>> -> memref<2x64xi32, #tpu.memory_space<hbm>>
        %dma_wait3A_380 = arith.constant 0 : i32
        %dma_wait3A_381 = arith.constant 0 : i32
        %dma_wait3A_382 = tpu.memref_slice %arg2[%dma_wait3A_375, %dma_wait3A_380, %dma_wait3A_381] : memref<5120x2x64xi32, #tpu.memory_space<hbm>> -> memref<1x2x64xi32, #tpu.memory_space<hbm>>
        %dma_wait3A_383 = tpu.memref_squeeze %dma_wait3A_382 : memref<1x2x64xi32, #tpu.memory_space<hbm>> -> memref<2x64xi32, #tpu.memory_space<hbm>>
        tpu.wait_dma2 semaphore(%arg20 : memref<!tpu.dma_semaphore, #tpu.memory_space<semaphore_mem>>) src(%dma_wait3A_383 : memref<2x64xi32, #tpu.memory_space<hbm>>) dst(%arg10 : memref<2x64xi32, #tpu.memory_space<vmem>>)
        %dma_start3A_384 = arith.constant 0 : i32
        %dma_start3A_385 = arith.constant 0 : i32
        %dma_start3A_386 = tpu.memref_slice %arg10[%dma_start3A_384, %dma_start3A_385] : memref<2x64xi32, #tpu.memory_space<vmem>> -> memref<1x64xi32, #tpu.memory_space<vmem>>
        %dma_start3A_387 = tpu.memref_squeeze %dma_start3A_386 : memref<1x64xi32, #tpu.memory_space<vmem>> -> memref<64xi32, #tpu.memory_space<vmem>>
        %dma_start3A_388 = arith.constant 0 : i32
        %dma_start3A_389 = arith.constant 0 : i32
        %dma_start3A_390 = tpu.memref_slice %arg3[%dma_start3A_388, %dma_start3A_389] : memref<10000x64xf32, #tpu.memory_space<hbm>> -> memref<10000x64xf32, #tpu.memory_space<hbm>>
        tpu.enqueue_indirect_dma source(%dma_start3A_390 : memref<10000x64xf32, #tpu.memory_space<hbm>>) target(%arg15 : memref<64x64xf32, #tpu.memory_space<vmem>>) offsets(%dma_start3A_387 : memref<64xi32, #tpu.memory_space<vmem>>) semaphore(%arg25 : memref<!tpu.dma_semaphore, #tpu.memory_space<semaphore_mem>>)
        %dma_wait3A_391 = arith.constant 0 : i32
        %dma_wait3A_392 = arith.constant 0 : i32
        %dma_wait3A_393 = arith.constant 0 : i32
        %dma_wait3A_394 = tpu.memref_slice %arg2[%dma_wait3A_391, %dma_wait3A_392, %dma_wait3A_393] : memref<5120x2x64xi32, #tpu.memory_space<hbm>> -> memref<1x2x64xi32, #tpu.memory_space<hbm>>
        %dma_wait3A_395 = tpu.memref_squeeze %dma_wait3A_394 : memref<1x2x64xi32, #tpu.memory_space<hbm>> -> memref<2x64xi32, #tpu.memory_space<hbm>>
        %dma_wait3A_396 = arith.constant 0 : i32
        %dma_wait3A_397 = arith.constant 0 : i32
        %dma_wait3A_398 = tpu.memref_slice %arg2[%dma_wait3A_391, %dma_wait3A_396, %dma_wait3A_397] : memref<5120x2x64xi32, #tpu.memory_space<hbm>> -> memref<1x2x64xi32, #tpu.memory_space<hbm>>
        %dma_wait3A_399 = tpu.memref_squeeze %dma_wait3A_398 : memref<1x2x64xi32, #tpu.memory_space<hbm>> -> memref<2x64xi32, #tpu.memory_space<hbm>>
        tpu.wait_dma2 semaphore(%arg21 : memref<!tpu.dma_semaphore, #tpu.memory_space<semaphore_mem>>) src(%dma_wait3A_399 : memref<2x64xi32, #tpu.memory_space<hbm>>) dst(%arg11 : memref<2x64xi32, #tpu.memory_space<vmem>>)
        %dma_start3A_400 = arith.constant 0 : i32
        %dma_start3A_401 = arith.constant 0 : i32
        %dma_start3A_402 = tpu.memref_slice %arg11[%dma_start3A_400, %dma_start3A_401] : memref<2x64xi32, #tpu.memory_space<vmem>> -> memref<1x64xi32, #tpu.memory_space<vmem>>
        %dma_start3A_403 = tpu.memref_squeeze %dma_start3A_402 : memref<1x64xi32, #tpu.memory_space<vmem>> -> memref<64xi32, #tpu.memory_space<vmem>>
        %dma_start3A_404 = arith.constant 0 : i32
        %dma_start3A_405 = arith.constant 0 : i32
        %dma_start3A_406 = tpu.memref_slice %arg3[%dma_start3A_404, %dma_start3A_405] : memref<10000x64xf32, #tpu.memory_space<hbm>> -> memref<10000x64xf32, #tpu.memory_space<hbm>>
        tpu.enqueue_indirect_dma source(%dma_start3A_406 : memref<10000x64xf32, #tpu.memory_space<hbm>>) target(%arg16 : memref<64x64xf32, #tpu.memory_space<vmem>>) offsets(%dma_start3A_403 : memref<64xi32, #tpu.memory_space<vmem>>) semaphore(%arg26 : memref<!tpu.dma_semaphore, #tpu.memory_space<semaphore_mem>>)
        %dma_wait3A_407 = arith.constant 0 : i32
        %dma_wait3A_408 = arith.constant 0 : i32
        %dma_wait3A_409 = arith.constant 0 : i32
        %dma_wait3A_410 = tpu.memref_slice %arg2[%dma_wait3A_407, %dma_wait3A_408, %dma_wait3A_409] : memref<5120x2x64xi32, #tpu.memory_space<hbm>> -> memref<1x2x64xi32, #tpu.memory_space<hbm>>
        %dma_wait3A_411 = tpu.memref_squeeze %dma_wait3A_410 : memref<1x2x64xi32, #tpu.memory_space<hbm>> -> memref<2x64xi32, #tpu.memory_space<hbm>>
        %dma_wait3A_412 = arith.constant 0 : i32
        %dma_wait3A_413 = arith.constant 0 : i32
        %dma_wait3A_414 = tpu.memref_slice %arg2[%dma_wait3A_407, %dma_wait3A_412, %dma_wait3A_413] : memref<5120x2x64xi32, #tpu.memory_space<hbm>> -> memref<1x2x64xi32, #tpu.memory_space<hbm>>
        %dma_wait3A_415 = tpu.memref_squeeze %dma_wait3A_414 : memref<1x2x64xi32, #tpu.memory_space<hbm>> -> memref<2x64xi32, #tpu.memory_space<hbm>>
        tpu.wait_dma2 semaphore(%arg22 : memref<!tpu.dma_semaphore, #tpu.memory_space<semaphore_mem>>) src(%dma_wait3A_415 : memref<2x64xi32, #tpu.memory_space<hbm>>) dst(%arg12 : memref<2x64xi32, #tpu.memory_space<vmem>>)
        %dma_start3A_416 = arith.constant 0 : i32
        %dma_start3A_417 = arith.constant 0 : i32
        %dma_start3A_418 = tpu.memref_slice %arg12[%dma_start3A_416, %dma_start3A_417] : memref<2x64xi32, #tpu.memory_space<vmem>> -> memref<1x64xi32, #tpu.memory_space<vmem>>
        %dma_start3A_419 = tpu.memref_squeeze %dma_start3A_418 : memref<1x64xi32, #tpu.memory_space<vmem>> -> memref<64xi32, #tpu.memory_space<vmem>>
        %dma_start3A_420 = arith.constant 0 : i32
        %dma_start3A_421 = arith.constant 0 : i32
        %dma_start3A_422 = tpu.memref_slice %arg3[%dma_start3A_420, %dma_start3A_421] : memref<10000x64xf32, #tpu.memory_space<hbm>> -> memref<10000x64xf32, #tpu.memory_space<hbm>>
        tpu.enqueue_indirect_dma source(%dma_start3A_422 : memref<10000x64xf32, #tpu.memory_space<hbm>>) target(%arg17 : memref<64x64xf32, #tpu.memory_space<vmem>>) offsets(%dma_start3A_419 : memref<64xi32, #tpu.memory_space<vmem>>) semaphore(%arg27 : memref<!tpu.dma_semaphore, #tpu.memory_space<semaphore_mem>>)
      } else {
      }
    }
    %scan3A_137 = arith.constant 32 : i32
    %dma_wait3A_138 = arith.constant 0 : i32
    %dma_wait3A_139 = arith.constant 0 : i32
    %dma_wait3A_140 = tpu.memref_slice %arg3[%dma_wait3A_138, %dma_wait3A_139] : memref<10000x64xf32, #tpu.memory_space<hbm>> -> memref<64x64xf32, #tpu.memory_space<hbm>>
    %dma_wait3A_141 = arith.constant 0 : i32
    %dma_wait3A_142 = arith.constant 0 : i32
    %dma_wait3A_143 = tpu.memref_slice %arg3[%dma_wait3A_141, %dma_wait3A_142] : memref<10000x64xf32, #tpu.memory_space<hbm>> -> memref<64x64xf32, #tpu.memory_space<hbm>>
    tpu.wait_dma2 semaphore(%arg28 : memref<!tpu.dma_semaphore, #tpu.memory_space<semaphore_mem>>) src(%dma_wait3A_143 : memref<64x64xf32, #tpu.memory_space<hbm>>) dst(%arg13 : memref<64x64xf32, #tpu.memory_space<vmem>>)
    %dma_wait3A_144 = arith.constant 0 : i32
    %dma_wait3A_145 = arith.constant 0 : i32
    %dma_wait3A_146 = tpu.memref_slice %arg3[%dma_wait3A_144, %dma_wait3A_145] : memref<10000x64xf32, #tpu.memory_space<hbm>> -> memref<64x64xf32, #tpu.memory_space<hbm>>
    %dma_wait3A_147 = arith.constant 0 : i32
    %dma_wait3A_148 = arith.constant 0 : i32
    %dma_wait3A_149 = tpu.memref_slice %arg3[%dma_wait3A_147, %dma_wait3A_148] : memref<10000x64xf32, #tpu.memory_space<hbm>> -> memref<64x64xf32, #tpu.memory_space<hbm>>
    tpu.wait_dma2 semaphore(%arg29 : memref<!tpu.dma_semaphore, #tpu.memory_space<semaphore_mem>>) src(%dma_wait3A_149 : memref<64x64xf32, #tpu.memory_space<hbm>>) dst(%arg14 : memref<64x64xf32, #tpu.memory_space<vmem>>)
    %dma_wait3A_150 = arith.constant 0 : i32
    %dma_wait3A_151 = arith.constant 0 : i32
    %dma_wait3A_152 = tpu.memref_slice %arg3[%dma_wait3A_150, %dma_wait3A_151] : memref<10000x64xf32, #tpu.memory_space<hbm>> -> memref<64x64xf32, #tpu.memory_space<hbm>>
    %dma_wait3A_153 = arith.constant 0 : i32
    %dma_wait3A_154 = arith.constant 0 : i32
    %dma_wait3A_155 = tpu.memref_slice %arg3[%dma_wait3A_153, %dma_wait3A_154] : memref<10000x64xf32, #tpu.memory_space<hbm>> -> memref<64x64xf32, #tpu.memory_space<hbm>>
    tpu.wait_dma2 semaphore(%arg30 : memref<!tpu.dma_semaphore, #tpu.memory_space<semaphore_mem>>) src(%dma_wait3A_155 : memref<64x64xf32, #tpu.memory_space<hbm>>) dst(%arg15 : memref<64x64xf32, #tpu.memory_space<vmem>>)
    %dma_wait3A_156 = arith.constant 0 : i32
    %dma_wait3A_157 = arith.constant 0 : i32
    %dma_wait3A_158 = tpu.memref_slice %arg3[%dma_wait3A_156, %dma_wait3A_157] : memref<10000x64xf32, #tpu.memory_space<hbm>> -> memref<64x64xf32, #tpu.memory_space<hbm>>
    %dma_wait3A_159 = arith.constant 0 : i32
    %dma_wait3A_160 = arith.constant 0 : i32
    %dma_wait3A_161 = tpu.memref_slice %arg3[%dma_wait3A_159, %dma_wait3A_160] : memref<10000x64xf32, #tpu.memory_space<hbm>> -> memref<64x64xf32, #tpu.memory_space<hbm>>
    tpu.wait_dma2 semaphore(%arg31 : memref<!tpu.dma_semaphore, #tpu.memory_space<semaphore_mem>>) src(%dma_wait3A_161 : memref<64x64xf32, #tpu.memory_space<hbm>>) dst(%arg16 : memref<64x64xf32, #tpu.memory_space<vmem>>)
    %dma_wait3A_162 = arith.constant 0 : i32
    %dma_wait3A_163 = arith.constant 0 : i32
    %dma_wait3A_164 = tpu.memref_slice %arg3[%dma_wait3A_162, %dma_wait3A_163] : memref<10000x64xf32, #tpu.memory_space<hbm>> -> memref<64x64xf32, #tpu.memory_space<hbm>>
    %dma_wait3A_165 = arith.constant 0 : i32
    %dma_wait3A_166 = arith.constant 0 : i32
    %dma_wait3A_167 = tpu.memref_slice %arg3[%dma_wait3A_165, %dma_wait3A_166] : memref<10000x64xf32, #tpu.memory_space<hbm>> -> memref<64x64xf32, #tpu.memory_space<hbm>>
    tpu.wait_dma2 semaphore(%arg32 : memref<!tpu.dma_semaphore, #tpu.memory_space<semaphore_mem>>) src(%dma_wait3A_167 : memref<64x64xf32, #tpu.memory_space<hbm>>) dst(%arg17 : memref<64x64xf32, #tpu.memory_space<vmem>>)
    %barrier3A_168 = arith.constant 0 : index
    tpu.barrier barrier_id(%barrier3A_168)
    %eq3A = arith.constant 0 : i32
    %eq3A_169 = arith.cmpi eq, %arg0, %eq3A : i32
    %convert_element_type3A = arith.extui %eq3A_169 : i1 to i32
    %cond3A = arith.constant 0 : i32
    %cond3A_170 = arith.cmpi ne, %convert_element_type3A, %cond3A : i32
    scf.if %cond3A_170 {
      "tpu.region"() ({
        %run_scoped3A = tpu.sem_alloc : memref<!tpu.dma_semaphore, #tpu.memory_space<semaphore_mem>>
        %dma_start3A_176 = arith.constant 0 : i32
        %dma_start3A_177 = tpu.memref_slice %arg5[%mul3A_4, %dma_start3A_176] : memref<10240x64xf32, #tpu.memory_space<hbm>> -> memref<640x64xf32, #tpu.memory_space<hbm>>
        %dma_start3A_178 = arith.constant 0 : i32
        %dma_start3A_179 = tpu.memref_slice %arg7[%mul3A_4, %dma_start3A_178] : memref<10240x64xf32, #tpu.memory_space<vmem_shared>> -> memref<640x64xf32, #tpu.memory_space<vmem_shared>>
        tpu.enqueue_dma source(%dma_start3A_179 : memref<640x64xf32, #tpu.memory_space<vmem_shared>>) target(%dma_start3A_177 : memref<640x64xf32, #tpu.memory_space<hbm>>) target_semaphore(%run_scoped3A : memref<!tpu.dma_semaphore, #tpu.memory_space<semaphore_mem>>)
        %dma_wait3A_180 = arith.constant 0 : i32
        %dma_wait3A_181 = tpu.memref_slice %arg5[%mul3A_4, %dma_wait3A_180] : memref<10240x64xf32, #tpu.memory_space<hbm>> -> memref<640x64xf32, #tpu.memory_space<hbm>>
        %dma_wait3A_182 = arith.constant 0 : i32
        %dma_wait3A_183 = tpu.memref_slice %arg7[%mul3A_4, %dma_wait3A_182] : memref<10240x64xf32, #tpu.memory_space<vmem_shared>> -> memref<640x64xf32, #tpu.memory_space<vmem_shared>>
        tpu.wait_dma2 semaphore(%run_scoped3A : memref<!tpu.dma_semaphore, #tpu.memory_space<semaphore_mem>>) src(%dma_wait3A_183 : memref<640x64xf32, #tpu.memory_space<vmem_shared>>) dst(%dma_wait3A_181 : memref<640x64xf32, #tpu.memory_space<hbm>>)
        tpu.yield
      }) : () -> ()
    } else {
    }
    %eq3A_171 = arith.constant 1 : i32
    %eq3A_172 = arith.cmpi eq, %arg0, %eq3A_171 : i32
    %convert_element_type3A_173 = arith.extui %eq3A_172 : i1 to i32
    %cond3A_174 = arith.constant 0 : i32
    %cond3A_175 = arith.cmpi ne, %convert_element_type3A_173, %cond3A_174 : i32
    scf.if %cond3A_175 {
      "tpu.region"() ({
        %run_scoped3A = tpu.sem_alloc : memref<!tpu.dma_semaphore, #tpu.memory_space<semaphore_mem>>
        %dma_start3A_176 = arith.constant 0 : i32
        %dma_start3A_177 = tpu.memref_slice %arg6[%mul3A_4, %dma_start3A_176] : memref<10240x64xf32, #tpu.memory_space<hbm>> -> memref<640x64xf32, #tpu.memory_space<hbm>>
        %dma_start3A_178 = arith.constant 0 : i32
        %dma_start3A_179 = tpu.memref_slice %arg7[%mul3A_4, %dma_start3A_178] : memref<10240x64xf32, #tpu.memory_space<vmem_shared>> -> memref<640x64xf32, #tpu.memory_space<vmem_shared>>
        tpu.enqueue_dma source(%dma_start3A_179 : memref<640x64xf32, #tpu.memory_space<vmem_shared>>) target(%dma_start3A_177 : memref<640x64xf32, #tpu.memory_space<hbm>>) target_semaphore(%run_scoped3A : memref<!tpu.dma_semaphore, #tpu.memory_space<semaphore_mem>>)
        %dma_wait3A_180 = arith.constant 0 : i32
        %dma_wait3A_181 = tpu.memref_slice %arg6[%mul3A_4, %dma_wait3A_180] : memref<10240x64xf32, #tpu.memory_space<hbm>> -> memref<640x64xf32, #tpu.memory_space<hbm>>
        %dma_wait3A_182 = arith.constant 0 : i32
        %dma_wait3A_183 = tpu.memref_slice %arg7[%mul3A_4, %dma_wait3A_182] : memref<10240x64xf32, #tpu.memory_space<vmem_shared>> -> memref<640x64xf32, #tpu.memory_space<vmem_shared>>
        tpu.wait_dma2 semaphore(%run_scoped3A : memref<!tpu.dma_semaphore, #tpu.memory_space<semaphore_mem>>) src(%dma_wait3A_183 : memref<640x64xf32, #tpu.memory_space<vmem_shared>>) dst(%dma_wait3A_181 : memref<640x64xf32, #tpu.memory_space<hbm>>)
        tpu.yield
      }) : () -> ()
    } else {
    }
    return
  }
}

module attributes {stable_mosaic.version = 14 : i64} {
  func.func @_lin1_body(%arg0: i32, %arg1: memref<1000x1xf32, #tpu.memory_space<vmem>>, %arg2: memref<1000x128xf32, #tpu.memory_space<vmem>>, %arg3: memref<128x128xf32, #tpu.memory_space<vmem>>, %arg4: memref<1000x128xf32, #tpu.memory_space<vmem>>) attributes {dimension_semantics = [#tpu.dimension_semantics<arbitrary>], iteration_bounds = array<i64: 10>, scalar_prefetch = 0 : i64, scratch_operands = 0 : i64, tpu.core_type = #tpu.core_type<tc>, window_params = [{transform_indices = @transform_0, window_bounds = array<i64: 1000, 1>}, {transform_indices = @transform_1, window_bounds = array<i64: 1000, 128>}, {pipeline_mode = #tpu.pipeline_mode<synchronous>, transform_indices = @transform_2, window_bounds = array<i64: 128, 128>}, {transform_indices = @transform_3, window_bounds = array<i64: 1000, 128>}]} {
    %get3A = arith.constant 0 : index
    %get3A_0 = arith.constant 0 : index
    %get3A_1 = vector.load %arg1[%get3A, %get3A_0] : memref<1000x1xf32, #tpu.memory_space<vmem>>, vector<1000x1xf32>
    %add3A = arith.constant 1.000000e+00 : f32
    %add3A_2 = vector.broadcast %add3A : f32 to vector<1000x1xf32>
    %add3A_3 = arith.addf %get3A_1, %add3A_2 : vector<1000x1xf32>
    %rsqrt3A = math.rsqrt %add3A_3 : vector<1000x1xf32>
    %get3A_4 = arith.constant 0 : index
    %get3A_5 = arith.constant 0 : index
    %get3A_6 = vector.load %arg2[%get3A_4, %get3A_5] : memref<1000x128xf32, #tpu.memory_space<vmem>>, vector<1000x128xf32>
    %get3A_7 = arith.constant 0 : index
    %get3A_8 = arith.constant 0 : index
    %get3A_9 = vector.load %arg3[%get3A_7, %get3A_8] : memref<128x128xf32, #tpu.memory_space<vmem>>, vector<128x128xf32>
    %dot_general3A = arith.constant dense<0.000000e+00> : vector<1000x128xf32>
    %dot_general3A_10 = tpu.matmul %get3A_6, %get3A_9, %dot_general3A {dimension_numbers = #tpu.dot_dimension_numbers<[1], [0], [0], [1], [0, 0, 1, 1], [], []>, transpose_lhs_hint = false} : vector<1000x128xf32>, vector<128x128xf32>, vector<1000x128xf32> -> vector<1000x128xf32>
    %mul3A = vector.broadcast %rsqrt3A : vector<1000x1xf32> to vector<1000x128xf32>
    %mul3A_11 = arith.mulf %mul3A, %dot_general3A_10 : vector<1000x128xf32>
    %swap3A = arith.constant 0 : index
    %swap3A_12 = arith.constant 0 : index
    %swap3A_13 = vector.load %arg4[%swap3A, %swap3A_12] : memref<1000x128xf32, #tpu.memory_space<vmem>>, vector<1000x128xf32>
    tpu.vector_store %arg4[%swap3A, %swap3A_12], %mul3A_11 {strides = array<i32>} : memref<1000x128xf32, #tpu.memory_space<vmem>>, vector<1000x128xf32>,
    return
  }
  func.func @transform_0(%arg0: i32) -> (i32, i32) {
    %c0_i32 = arith.constant 0 : i32
    %c0_i32_0 = arith.constant 0 : i32
    return %arg0, %c0_i32 : i32, i32
  }
  func.func @transform_1(%arg0: i32) -> (i32, i32) {
    %c0_i32 = arith.constant 0 : i32
    %c0_i32_0 = arith.constant 0 : i32
    return %arg0, %c0_i32 : i32, i32
  }
  func.func @transform_2(%arg0: i32) -> (i32, i32) {
    %c0_i32 = arith.constant 0 : i32
    %c0_i32_0 = arith.constant 0 : i32
    %c0_i32_1 = arith.constant 0 : i32
    return %c0_i32, %c0_i32_0 : i32, i32
  }
  func.func @transform_3(%arg0: i32) -> (i32, i32) {
    %c0_i32 = arith.constant 0 : i32
    %c0_i32_0 = arith.constant 0 : i32
    return %arg0, %c0_i32 : i32, i32
  }
}

module attributes {stable_mosaic.version = 14 : i64} {
  func.func @_lin2_body(%arg0: i32, %arg1: memref<1000x1xf32, #tpu.memory_space<vmem>>, %arg2: memref<1000x128xf32, #tpu.memory_space<vmem>>, %arg3: memref<1000x128xf32, #tpu.memory_space<vmem>>, %arg4: memref<1000x128xf32, #tpu.memory_space<vmem>>, %arg5: memref<1x128xf32, #tpu.memory_space<vmem>>, %arg6: memref<128x64xf32, #tpu.memory_space<vmem>>, %arg7: memref<1000x64xf32, #tpu.memory_space<vmem>>) attributes {dimension_semantics = [#tpu.dimension_semantics<arbitrary>], iteration_bounds = array<i64: 10>, scalar_prefetch = 0 : i64, scratch_operands = 0 : i64, tpu.core_type = #tpu.core_type<tc>, window_params = [{transform_indices = @transform_0, window_bounds = array<i64: 1000, 1>}, {transform_indices = @transform_1, window_bounds = array<i64: 1000, 128>}, {transform_indices = @transform_2, window_bounds = array<i64: 1000, 128>}, {transform_indices = @transform_3, window_bounds = array<i64: 1000, 128>}, {pipeline_mode = #tpu.pipeline_mode<synchronous>, transform_indices = @transform_4, window_bounds = array<i64: 1, 128>}, {pipeline_mode = #tpu.pipeline_mode<synchronous>, transform_indices = @transform_5, window_bounds = array<i64: 128, 64>}, {transform_indices = @transform_6, window_bounds = array<i64: 1000, 64>}]} {
    %get3A = arith.constant 0 : index
    %get3A_0 = arith.constant 0 : index
    %get3A_1 = vector.load %arg1[%get3A, %get3A_0] : memref<1000x1xf32, #tpu.memory_space<vmem>>, vector<1000x1xf32>
    %add3A = arith.constant 1.000000e+00 : f32
    %add3A_2 = vector.broadcast %add3A : f32 to vector<1000x1xf32>
    %add3A_3 = arith.addf %get3A_1, %add3A_2 : vector<1000x1xf32>
    %rsqrt3A = math.rsqrt %add3A_3 : vector<1000x1xf32>
    %get3A_4 = arith.constant 0 : index
    %get3A_5 = arith.constant 0 : index
    %get3A_6 = vector.load %arg2[%get3A_4, %get3A_5] : memref<1000x128xf32, #tpu.memory_space<vmem>>, vector<1000x128xf32>
    %get3A_7 = arith.constant 0 : index
    %get3A_8 = arith.constant 0 : index
    %get3A_9 = vector.load %arg3[%get3A_7, %get3A_8] : memref<1000x128xf32, #tpu.memory_space<vmem>>, vector<1000x128xf32>
    %add3A_10 = arith.addf %get3A_6, %get3A_9 : vector<1000x128xf32>
    %get3A_11 = arith.constant 0 : index
    %get3A_12 = arith.constant 0 : index
    %get3A_13 = vector.load %arg4[%get3A_11, %get3A_12] : memref<1000x128xf32, #tpu.memory_space<vmem>>, vector<1000x128xf32>
    %add3A_14 = arith.addf %add3A_10, %get3A_13 : vector<1000x128xf32>
    %mul3A = vector.broadcast %rsqrt3A : vector<1000x1xf32> to vector<1000x128xf32>
    %mul3A_15 = arith.mulf %mul3A, %add3A_14 : vector<1000x128xf32>
    %get3A_16 = arith.constant 0 : index
    %get3A_17 = arith.constant 0 : index
    %get3A_18 = vector.load %arg5[%get3A_16, %get3A_17] : memref<1x128xf32, #tpu.memory_space<vmem>>, vector<1x128xf32>
    %add3A_19 = vector.broadcast %get3A_18 : vector<1x128xf32> to vector<1000x128xf32>
    %add3A_20 = arith.addf %mul3A_15, %add3A_19 : vector<1000x128xf32>
    %max3A = arith.constant 0.000000e+00 : f32
    %max3A_21 = vector.broadcast %max3A : f32 to vector<1000x128xf32>
    %max3A_22 = arith.maximumf %add3A_20, %max3A_21 : vector<1000x128xf32>
    %get3A_23 = arith.constant 0 : index
    %get3A_24 = arith.constant 0 : index
    %get3A_25 = vector.load %arg6[%get3A_23, %get3A_24] : memref<128x64xf32, #tpu.memory_space<vmem>>, vector<128x64xf32>
    %dot_general3A = arith.constant dense<0.000000e+00> : vector<1000x64xf32>
    %dot_general3A_26 = tpu.matmul %max3A_22, %get3A_25, %dot_general3A {dimension_numbers = #tpu.dot_dimension_numbers<[1], [0], [0], [1], [0, 0, 1, 1], [], []>, transpose_lhs_hint = false} : vector<1000x128xf32>, vector<128x64xf32>, vector<1000x64xf32> -> vector<1000x64xf32>
    %mul3A_27 = vector.broadcast %rsqrt3A : vector<1000x1xf32> to vector<1000x64xf32>
    %mul3A_28 = arith.mulf %mul3A_27, %dot_general3A_26 : vector<1000x64xf32>
    %swap3A = arith.constant 0 : index
    %swap3A_29 = arith.constant 0 : index
    %swap3A_30 = vector.load %arg7[%swap3A, %swap3A_29] : memref<1000x64xf32, #tpu.memory_space<vmem>>, vector<1000x64xf32>
    tpu.vector_store %arg7[%swap3A, %swap3A_29], %mul3A_28 {strides = array<i32>} : memref<1000x64xf32, #tpu.memory_space<vmem>>, vector<1000x64xf32>,
    return
  }
  func.func @transform_0(%arg0: i32) -> (i32, i32) {
    %c0_i32 = arith.constant 0 : i32
    %c0_i32_0 = arith.constant 0 : i32
    return %arg0, %c0_i32 : i32, i32
  }
  func.func @transform_1(%arg0: i32) -> (i32, i32) {
    %c0_i32 = arith.constant 0 : i32
    %c0_i32_0 = arith.constant 0 : i32
    return %arg0, %c0_i32 : i32, i32
  }
  func.func @transform_2(%arg0: i32) -> (i32, i32) {
    %c0_i32 = arith.constant 0 : i32
    %c0_i32_0 = arith.constant 0 : i32
    return %arg0, %c0_i32 : i32, i32
  }
  func.func @transform_3(%arg0: i32) -> (i32, i32) {
    %c0_i32 = arith.constant 0 : i32
    %c0_i32_0 = arith.constant 0 : i32
    return %arg0, %c0_i32 : i32, i32
  }
  func.func @transform_4(%arg0: i32) -> (i32, i32) {
    %c0_i32 = arith.constant 0 : i32
    %c0_i32_0 = arith.constant 0 : i32
    %c0_i32_1 = arith.constant 0 : i32
    return %c0_i32, %c0_i32_0 : i32, i32
  }
  func.func @transform_5(%arg0: i32) -> (i32, i32) {
    %c0_i32 = arith.constant 0 : i32
    %c0_i32_0 = arith.constant 0 : i32
    %c0_i32_1 = arith.constant 0 : i32
    return %c0_i32, %c0_i32_0 : i32, i32
  }
  func.func @transform_6(%arg0: i32) -> (i32, i32) {
    %c0_i32 = arith.constant 0 : i32
    %c0_i32_0 = arith.constant 0 : i32
    return %arg0, %c0_i32 : i32, i32
  }
}

module attributes {stable_mosaic.version = 14 : i64} {
  func.func @_h2_body(%arg0: i32, %arg1: memref<1000x1xf32, #tpu.memory_space<vmem>>, %arg2: memref<1000x64xf32, #tpu.memory_space<vmem>>, %arg3: memref<1000x64xf32, #tpu.memory_space<vmem>>, %arg4: memref<1000x64xf32, #tpu.memory_space<vmem>>, %arg5: memref<1x64xf32, #tpu.memory_space<vmem>>, %arg6: memref<1000x64xf32, #tpu.memory_space<vmem>>) attributes {dimension_semantics = [#tpu.dimension_semantics<arbitrary>], iteration_bounds = array<i64: 10>, scalar_prefetch = 0 : i64, scratch_operands = 0 : i64, tpu.core_type = #tpu.core_type<tc>, window_params = [{transform_indices = @transform_0, window_bounds = array<i64: 1000, 1>}, {transform_indices = @transform_1, window_bounds = array<i64: 1000, 64>}, {transform_indices = @transform_2, window_bounds = array<i64: 1000, 64>}, {transform_indices = @transform_3, window_bounds = array<i64: 1000, 64>}, {pipeline_mode = #tpu.pipeline_mode<synchronous>, transform_indices = @transform_4, window_bounds = array<i64: 1, 64>}, {transform_indices = @transform_5, window_bounds = array<i64: 1000, 64>}]} {
    %get3A = arith.constant 0 : index
    %get3A_0 = arith.constant 0 : index
    %get3A_1 = vector.load %arg1[%get3A, %get3A_0] : memref<1000x1xf32, #tpu.memory_space<vmem>>, vector<1000x1xf32>
    %add3A = arith.constant 1.000000e+00 : f32
    %add3A_2 = vector.broadcast %add3A : f32 to vector<1000x1xf32>
    %add3A_3 = arith.addf %get3A_1, %add3A_2 : vector<1000x1xf32>
    %rsqrt3A = math.rsqrt %add3A_3 : vector<1000x1xf32>
    %get3A_4 = arith.constant 0 : index
    %get3A_5 = arith.constant 0 : index
    %get3A_6 = vector.load %arg2[%get3A_4, %get3A_5] : memref<1000x64xf32, #tpu.memory_space<vmem>>, vector<1000x64xf32>
    %get3A_7 = arith.constant 0 : index
    %get3A_8 = arith.constant 0 : index
    %get3A_9 = vector.load %arg3[%get3A_7, %get3A_8] : memref<1000x64xf32, #tpu.memory_space<vmem>>, vector<1000x64xf32>
    %add3A_10 = arith.addf %get3A_6, %get3A_9 : vector<1000x64xf32>
    %get3A_11 = arith.constant 0 : index
    %get3A_12 = arith.constant 0 : index
    %get3A_13 = vector.load %arg4[%get3A_11, %get3A_12] : memref<1000x64xf32, #tpu.memory_space<vmem>>, vector<1000x64xf32>
    %add3A_14 = arith.addf %add3A_10, %get3A_13 : vector<1000x64xf32>
    %mul3A = vector.broadcast %rsqrt3A : vector<1000x1xf32> to vector<1000x64xf32>
    %mul3A_15 = arith.mulf %mul3A, %add3A_14 : vector<1000x64xf32>
    %get3A_16 = arith.constant 0 : index
    %get3A_17 = arith.constant 0 : index
    %get3A_18 = vector.load %arg5[%get3A_16, %get3A_17] : memref<1x64xf32, #tpu.memory_space<vmem>>, vector<1x64xf32>
    %add3A_19 = vector.broadcast %get3A_18 : vector<1x64xf32> to vector<1000x64xf32>
    %add3A_20 = arith.addf %mul3A_15, %add3A_19 : vector<1000x64xf32>
    %swap3A = arith.constant 0 : index
    %swap3A_21 = arith.constant 0 : index
    %swap3A_22 = vector.load %arg6[%swap3A, %swap3A_21] : memref<1000x64xf32, #tpu.memory_space<vmem>>, vector<1000x64xf32>
    tpu.vector_store %arg6[%swap3A, %swap3A_21], %add3A_20 {strides = array<i32>} : memref<1000x64xf32, #tpu.memory_space<vmem>>, vector<1000x64xf32>,
    return
  }
  func.func @transform_0(%arg0: i32) -> (i32, i32) {
    %c0_i32 = arith.constant 0 : i32
    %c0_i32_0 = arith.constant 0 : i32
    return %arg0, %c0_i32 : i32, i32
  }
  func.func @transform_1(%arg0: i32) -> (i32, i32) {
    %c0_i32 = arith.constant 0 : i32
    %c0_i32_0 = arith.constant 0 : i32
    return %arg0, %c0_i32 : i32, i32
  }
  func.func @transform_2(%arg0: i32) -> (i32, i32) {
    %c0_i32 = arith.constant 0 : i32
    %c0_i32_0 = arith.constant 0 : i32
    return %arg0, %c0_i32 : i32, i32
  }
  func.func @transform_3(%arg0: i32) -> (i32, i32) {
    %c0_i32 = arith.constant 0 : i32
    %c0_i32_0 = arith.constant 0 : i32
    return %arg0, %c0_i32 : i32, i32
  }
  func.func @transform_4(%arg0: i32) -> (i32, i32) {
    %c0_i32 = arith.constant 0 : i32
    %c0_i32_0 = arith.constant 0 : i32
    %c0_i32_1 = arith.constant 0 : i32
    return %c0_i32, %c0_i32_0 : i32, i32
  }
  func.func @transform_5(%arg0: i32) -> (i32, i32) {
    %c0_i32 = arith.constant 0 : i32
    %c0_i32_0 = arith.constant 0 : i32
    return %arg0, %c0_i32 : i32, i32
  }
}

module attributes {stable_mosaic.version = 14 : i64} {
  func.func @_dec_body(%arg0: i32, %arg1: memref<400x64xf32, #tpu.memory_space<vmem>>, %arg2: memref<10000x64xf32, #tpu.memory_space<vmem>>, %arg3: memref<400x10000xf32, #tpu.memory_space<vmem>>) attributes {dimension_semantics = [#tpu.dimension_semantics<arbitrary>], iteration_bounds = array<i64: 25>, scalar_prefetch = 0 : i64, scratch_operands = 0 : i64, tpu.core_type = #tpu.core_type<tc>, window_params = [{transform_indices = @transform_0, window_bounds = array<i64: 400, 64>}, {pipeline_mode = #tpu.pipeline_mode<synchronous>, transform_indices = @transform_1, window_bounds = array<i64: 10000, 64>}, {transform_indices = @transform_2, window_bounds = array<i64: 400, 10000>}]} {
    %get3A = arith.constant 0 : index
    %get3A_0 = arith.constant 0 : index
    %get3A_1 = vector.load %arg1[%get3A, %get3A_0] : memref<400x64xf32, #tpu.memory_space<vmem>>, vector<400x64xf32>
    %get3A_2 = arith.constant 0 : index
    %get3A_3 = arith.constant 0 : index
    %get3A_4 = vector.load %arg2[%get3A_2, %get3A_3] : memref<10000x64xf32, #tpu.memory_space<vmem>>, vector<10000x64xf32>
    %dot_general3A = arith.constant dense<0.000000e+00> : vector<400x10000xf32>
    %dot_general3A_5 = tpu.matmul %get3A_1, %get3A_4, %dot_general3A {dimension_numbers = #tpu.dot_dimension_numbers<[1], [1], [0], [0], [0, 0, 1, 0], [], []>, transpose_lhs_hint = false} : vector<400x64xf32>, vector<10000x64xf32>, vector<400x10000xf32> -> vector<400x10000xf32>
    %logistic3A = arith.negf %dot_general3A_5 : vector<400x10000xf32>
    %logistic3A_6 = math.exp %logistic3A : vector<400x10000xf32>
    %logistic3A_7 = arith.constant 1.000000e+00 : f32
    %logistic3A_8 = vector.broadcast %logistic3A_7 : f32 to vector<400x10000xf32>
    %logistic3A_9 = arith.addf %logistic3A_8, %logistic3A_6 : vector<400x10000xf32>
    %logistic3A_10 = arith.divf %logistic3A_8, %logistic3A_9 : vector<400x10000xf32>
    %swap3A = arith.constant 0 : index
    %swap3A_11 = arith.constant 0 : index
    %swap3A_12 = vector.load %arg3[%swap3A, %swap3A_11] : memref<400x10000xf32, #tpu.memory_space<vmem>>, vector<400x10000xf32>
    tpu.vector_store %arg3[%swap3A, %swap3A_11], %logistic3A_10 {strides = array<i32>} : memref<400x10000xf32, #tpu.memory_space<vmem>>, vector<400x10000xf32>,
    return
  }
  func.func @transform_0(%arg0: i32) -> (i32, i32) {
    %c0_i32 = arith.constant 0 : i32
    %c0_i32_0 = arith.constant 0 : i32
    return %arg0, %c0_i32 : i32, i32
  }
  func.func @transform_1(%arg0: i32) -> (i32, i32) {
    %c0_i32 = arith.constant 0 : i32
    %c0_i32_0 = arith.constant 0 : i32
    %c0_i32_1 = arith.constant 0 : i32
    return %c0_i32, %c0_i32_0 : i32, i32
  }
  func.func @transform_2(%arg0: i32) -> (i32, i32) {
    %c0_i32 = arith.constant 0 : i32
    %c0_i32_0 = arith.constant 0 : i32
    return %arg0, %c0_i32 : i32, i32
  }
}

</mosaic_0001>

<sc_bundles>
// kernel: kernel.12.cloned.1.call-start
scs
__scs_entry_jumppad:
0x0: {  	(pc) =	sbr.rel $0x88, $3  }
0x1: {  	(tag) =	ssettag $0x0;
	lr =	simm.s32 $0x1  }
0x2: {  	[smem:$0x3F9B] =	sst lr;
	_ =	strace $0xD0000000  }
0x3: {  	_ = 	snop  }
0x4: {  	_ = 	snop  }
0x5: {  	_ = 	snop  }
0x6: {  	_ = 	snop  }
0x7: {  	_ = 	snop  }
__scs_overlays_trampoline_lowered:
0x8: {  	[smem:$0x3FAA] =	sst s0  }
0x9: {  	[smem:$0x3FAB] =	sst s1  }
0xa: {  	[smem:$0x3FAC] =	sst s2  }
0xb: {  	[smem:$0x3FAD] =	sst s3  }
0xc: {  	[smem:$0x3FAE] =	sst s4  }
0xd: {  	[smem:$0x3FAF] =	sst s5  }
0xe: {  	[smem:$0x3FB0] =	sst s6  }
0xf: {  	[smem:$0x3FB1] =	sst s7  }
0x10: {  	[smem:$0x3FB2] =	sst s8  }
0x11: {  	[smem:$0x3FB3] =	sst s9;
	s0 =	simm.s32 @!p0 $0x0  }
0x12: {  	s1 =	sld [smem:$0x3F99];
	s0 =	simm.s32 @p0 $0x1  }
0x13: {  	[smem:$0x3FB4] =	sst s0;
	s0 =	simm.s32 @!p1 $0x0  }
0x14: {  	s2 =	sld [smem:$0x3F98];
	s0 =	simm.s32 @p1 $0x1  }
0x15: {  	[smem:$0x3FB5] =	sst s0;
	s0 =	simm.s32 @!p2 $0x0  }
0x16: {  	s3 =	sld [smem:$0x3FDB];
	s0 =	simm.s32 @p2 $0x1  }
0x17: {  	s4 =	simm.s32 $0x1BF5;
	[smem:$0x3FB7] =	sst s0  }
0x18: {  	s0 =	sld [smem:$0x3F9A];
	_ =	swait.ge [sflag:s4], $0x0  }
0x19: {  	s7 =	sld [smem:$0x3F9B]  }
0x1a: {  	s8 =	sadd.s32 $0xFFFFE003, lr  }
0x1b: {  	s9 =	sadd.s32 $0xFFFFFEF7, lr;
	s5 =	simm.s32 $0xFFFFFFFF;
	p2 =	slt.u32 s8, $0xFFFFF086  }
0x1c: {  	p1 =	slt.u32 s9, $0xF7A;
	s5 =	simm.s32 @!p2 $0x0  }
0x1d: {  	s5 =	simm.s32 @p1 $0x1;
	p0 =	seq.s32 s7, s2  }
0x1e: {  	s7 =	smul.u32 @!p0 $0xF7A, s2;
	p2 =	seq.s32 @!p0 s5, $0x0  }
0x1f: {  	s9 =	smul.u32 $0xF7A, s1;
	s8 =	simm.s32 @!p0 $0x1BF5;
	p2 =	por !p2, p0  }
0x20: {  	[sflag:s8] =	ssyncset.s32 @!p0 $0xFFFFF086;
	s6 =	sadd.s32 @!p0 s3, s7;
	s7 =	simm.s32 @!p0 $0x108  }
0x21: {  	s3 =	sadd.s32 s3, s9;
	s6 =	sadd.s32 @!p0 $0x88, s6;
	s7 =	simm.s32 @p2 $0x1082  }
0x22: {  	[simem:s7], [sflag:s8] =	dma.local @!p0 [hbm:s6], $0xF7A  }
0x23: {  	s9 =	sor.u32 $0xD0000000, s2;
	s6 =	simm.s32 $0x108;
	_ =	swait.ge @!p0 [sflag:s8], $0x0  }
0x24: {  	s3 =	sadd.s32 $0x88, s3;
	s6 =	simm.s32 @!p1 $0x1082;
	[sflag:s4] =	ssyncset.s32 $0xFFFFF086  }
0x25: {  	[simem:s6], [sflag:s4] =	dma.local [hbm:s3], $0xF7A  }
0x26: {  	[smem:$0x3F9B] =	sst s1;
	(tag) =	ssettag s2;
	_ =	strace s9  }
0x27: {  	s1 =	sld [smem:$0x3FAB]  }
0x28: {  	s2 =	sld [smem:$0x3FAC]  }
0x29: {  	s4 =	sld [smem:$0x3FAE]  }
0x2a: {  	p0 =	seq.s32 s5, $0x0;
	s5 =	sld [smem:$0x3FAF]  }
0x2b: {  	s6 =	sld [smem:$0x3FB0]  }
0x2c: {  	s7 =	sld [smem:$0x3FB1]  }
0x2d: {  	s3 =	simm.s32 $0x108;
	s8 =	sld [smem:$0x3FB2]  }
0x2e: {  	s3 =	simm.s32 @!p0 $0x1082;
	s9 =	sld [smem:$0x3FB3]  }
0x2f: {  	lr =	sadd.s32 s0, s3;
	s0 =	sld [smem:$0x3FAA]  }
0x30: {  	s3 =	sld [smem:$0x3FAD]  }
0x31: {  	[smem:$0x3FB6] =	sst s10  }
0x32: {  	s10 =	sld [smem:$0x3FB4];
	_ =	sdelay $0x3  }
0x33: {  	p0 =	seq.s32 s10, $0x1;
	s10 =	sld [smem:$0x3FB6];
	_ =	sdelay $0x3  }
0x34: {  	[smem:$0x3FB6] =	sst s10  }
0x35: {  	s10 =	sld [smem:$0x3FB5];
	_ =	sdelay $0x3  }
0x36: {  	p1 =	seq.s32 s10, $0x1;
	s10 =	sld [smem:$0x3FB6];
	_ =	sdelay $0x3  }
0x37: {  	[smem:$0x3FB6] =	sst s10  }
0x38: {  	s10 =	sld [smem:$0x3FB7]  }
0x39: {  	_ = 	snop;
	(pc) =	sbr.ind lr, $3  }
0x3a: {  	_ = 	snop  }
0x3b: {  	_ = 	snop  }
0x3c: {  	p2 =	seq.s32 s10, $0x1;
	s10 =	sld [smem:$0x3FB6]  }
0x3d: {  	_ =	shalt  }
0x3e: {  	_ =	shalt  }
0x3f: {  	_ =	shalt  }
0x40: {  	_ =	shalt  }
0x41: {  	_ =	shalt  }
0x42: {  	_ =	shalt  }
0x43: {  	_ =	shalt  }
0x44: {  	_ =	shalt  }
0x45: {  	_ =	shalt  }
0x46: {  	_ =	shalt  }
0x47: {  	_ =	shalt  }
0x48: {  	_ =	shalt  }
0x49: {  	_ =	shalt  }
0x4a: {  	_ =	shalt  }
0x4b: {  	_ =	shalt  }
0x4c: {  	_ =	shalt  }
0x4d: {  	_ =	shalt  }
0x4e: {  	_ =	shalt  }
0x4f: {  	_ =	shalt  }
0x50: {  	_ =	shalt  }
0x51: {  	_ =	shalt  }
0x52: {  	_ =	shalt  }
0x53: {  	_ =	shalt  }
0x54: {  	_ =	shalt  }
0x55: {  	_ =	shalt  }
0x56: {  	_ =	shalt  }
0x57: {  	_ =	shalt  }
0x58: {  	_ =	shalt  }
0x59: {  	_ =	shalt  }
0x5a: {  	_ =	shalt  }
0x5b: {  	_ =	shalt  }
0x5c: {  	_ =	shalt  }
0x5d: {  	_ =	shalt  }
0x5e: {  	_ =	shalt  }
0x5f: {  	_ =	shalt  }
0x60: {  	_ =	shalt  }
0x61: {  	_ =	shalt  }
0x62: {  	_ =	shalt  }
0x63: {  	_ =	shalt  }
0x64: {  	_ =	shalt  }
0x65: {  	_ =	shalt  }
0x66: {  	_ =	shalt  }
0x67: {  	_ =	shalt  }
0x68: {  	_ =	shalt  }
0x69: {  	_ =	shalt  }
0x6a: {  	_ =	shalt  }
0x6b: {  	_ =	shalt  }
0x6c: {  	_ =	shalt  }
0x6d: {  	_ =	shalt  }
0x6e: {  	_ =	shalt  }
0x6f: {  	_ =	shalt  }
0x70: {  	_ =	shalt  }
0x71: {  	_ =	shalt  }
0x72: {  	_ =	shalt  }
0x73: {  	_ =	shalt  }
0x74: {  	_ =	shalt  }
0x75: {  	_ =	shalt  }
0x76: {  	_ =	shalt  }
0x77: {  	_ =	shalt  }
0x78: {  	_ =	shalt  }
0x79: {  	_ =	shalt  }
0x7a: {  	_ =	shalt  }
0x7b: {  	_ =	shalt  }
0x7c: {  	_ =	shalt  }
0x7d: {  	_ =	shalt  }
0x7e: {  	_ =	shalt  }
0x7f: {  	_ =	shalt  }
0x80: {  	_ =	shalt  }
0x81: {  	_ =	shalt  }
0x82: {  	_ =	shalt  }
0x83: {  	_ =	shalt  }
0x84: {  	_ =	shalt  }
0x85: {  	_ =	shalt  }
0x86: {  	_ =	shalt  }
0x87: {  	_ =	shalt  }
.Lfunc_end0:
.L_simem_size_0:
called_computation.1_lowered:
.L_overlay_start_0:
0x88: {  	s2 =	sld [smem:$0x3FD9]  }
0x89: {  	s3 =	sld [smem:$0x3FFE];
	_ =	sdelay $0x1  }
0x8a: {  	s1 =	srdreg.scid  }
0x8b: {  	s0 =	sand.u32 $0x1, s1  }
0x8c: {  	s17 =	sshll.u32 s0, $0xA;
	s2 =	sadd.s32 s3, s2  }
0x8d: {  	s2 =	sadd.s32 s2, s17  }
0x8e: {  	[smem:$0x3FC2] =	sst s2  }
0x8f: {  	_ = 	snop  }
0x90: {  	s2 =	sld [smem:$0x3FD0];
	(tm) =	ssettm $0x1  }
0x91: {  	s18 =	sld [smem:$0x3FFB];
	_ =	sdelay $0x3  }
0x92: {  	_ =	strace s18  }
0x93: {  	s3 =	sld [smem:$0x3FFC];
	_ =	sdelay $0x3  }
0x94: {  	_ =	strace s3  }
0x95: {  	s3 =	sld [smem:$0x3FFD];
	_ =	sdelay $0x3  }
0x96: {  	_ =	strace s3  }
0x97: {  	_ =	strace $0x8FFFFFFF  }
0x98: {  	s19 =	sld [smem:$0x3FDB];
	_ =	sdelay $0x1  }
0x99: {  	s4 =	simm.s32 $_scs_section_size  }
0x9a: {  	s5 =	simm.s32 $_size__tile_overlayer_lowered;
	s6 =	simm.s32 $_tile_overlayer_lowered  }
0x9b: {  	s22 =	simm.s32 $0x1BFF;
	s21 =	sshll.u32 s6, $0x1;
	s3 =	sadd.s32 s4, s19  }
0x9c: {  	s7 =	simm.s32 $0x0;
	s20 =	sshll.u32 s5, $0x1;
	s5 =	sadd.s32 s21, s3  }
0x9d: {  	[timem:s7], [sflag:s22] =	dma.local [hbm:s5], s20  }
0x9e: {  	_ =	swait.ge [sflag:s22], s20  }
0x9f: {  	s4 =	ssub.s32 $0x0, s20;
	[sflag:s22] =	ssyncset.done $0x0  }
0xa0: {  	[sflag:s22] =	ssyncadd.s32 s4;
	_ =	sdelay $0x1  }
0xa1: {  	s23 =	simm.s32 $0x1B8B  }
0xa2: {  	_ =	swait.ge [sflag:s23], $0x1  }
0xa3: {  	[sflag:s23] =	ssyncset.done $0x0  }
0xa4: {  	s25 =	simm.s32 $0x1B8E;
	s24 =	sld [smem:$0x3FFE];
	[sflag:s23] =	ssyncadd.s32 $0xFFFFFFFF  }
0xa5: {  	s26 =	simm.s32 $execute0_lowered;
	[smem:$0x3FD2] =	sst s25  }
0xa6: {  	s5 =	sshll.u32 s26, $0x1;
	_ =	strace $0x80000049;
	[dreg:$0x1] =	wrdreg $0xFFFFFFFF  }
0xa7: {  	s28 =	simm.s32 $_size_execute0_lowered;
	s3 =	sadd.s32 s3, s5;
	[dreg:$0x0] =	wrdreg $0x0  }
0xa8: {  	s5 =	sshll.u32 s28, $0x1;
	[dreg:$0x2] =	wrdreg s3  }
0xa9: {  	[dreg:$0x3] =	wrdreg s5  }
0xaa: {  	[dreg:$0x4] =	wrdreg $0xC0  }
0xab: {  	_ =	task [dreg:s7], $0x5FFFF  }
0xac: {  	[dreg:$0x1] =	wrdreg $0xFFFFFFFF  }
0xad: {  	[dreg:$0x0] =	wrdreg $0x60  }
0xae: {  	[dreg:$0x2] =	wrdreg s2  }
0xaf: {  	[dreg:$0x3] =	wrdreg s24  }
0xb0: {  	[dreg:$0x4] =	wrdreg $0x0  }
0xb1: {  	[dreg:$0x5] =	wrdreg $0x9  }
0xb2: {  	_ =	task.clear_ibuf [dreg:s7], $0x6FFFF;
	_ =	strace $0x90000049  }
0xb3: {  	s29 =	simm.s32 $0x9;
	_ =	strace $0x8000004B  }
0xb4: {  	_ =	swait.ge [sflag:s29], $0x1  }
0xb5: {  	[sflag:s29] =	ssyncadd.s32 $0xFFFFFFFF  }
0xb6: {  	_ =	strace $0x9000004B  }
0xb7: {  	_ =	sfence  }
0xb8: {  	s30 =	sld [smem:$0x0];
	_ =	sdelay $0x2  }
0xb9: {  	s31 =	sshll.u32 s1, $0xD;
	s1 =	sshrl.u32 s1, $0x2  }
0xba: {  	s3 =	sand.u32 $0x4000, s31;
	s1 =	sadd.s32 s1, s30  }
0xbb: {  	s0 =	sor.u32 s3, s0;
	s1 =	sshll.u32 s1, $0x11  }
0xbc: {  	s0 =	sor.u32 s1, s0  }
0xbd: {  	s0 =	sadd.s32 $0x8F2B, s0  }
0xbe: {  	[sflag:s0] =	ssyncadd.remote.s32 $0x1  }
0xbf: {  	_ =	sfence.sel $0xFFFF  }
0xc0: {  	[dreg:$0x0] =	wrdreg $0xFFFFFFFF;
	(pc) =	sbr.abs _section_cstart, $3  }
0xc1: {  	[dreg:$0x1] =	wrdreg $0xFFFFFFFF  }
0xc2: {  	_ =	task.clear_ibuf [dreg:s7], $0x2FFFF;
	_ =	strace $0x9FFFFFFF  }
0xc3: {  	(tm) =	ssettm $0x7FFFFFFF  }
tec
execute0_lowered:
.L_overlay_start_1:
0x0: {  	(tag) =	ssettag $0x1  }
0x1: {  	s0 =	rddreg [dreg:$0x0]  }
0x2: {  	s2 =	rddreg [dreg:$0x1]  }
0x3: {  	s1 =	rddreg [dreg:$0x2];
	s3 =	simm.s32 $0x0  }
0x4: {  	s4 =	srdreg.scid;
	s10 =	stileid.u32;
	s28 =	simm.s32 $0x3  }
0x5: {  	s30 =	simm.s32 $0x4;
	s29 =	simm.s32 $0x1A500;
	s13 =	simm.s32 $0x9  }
0x6: {  	s16 =	simm.s32 $0xB;
	s12 =	simm.s32 $0xE;
	s18 =	simm.s32 $0x0  }
0x7: {  	s31 =	simm.s32 $0x18500;
	[smem:$0x7FF] =	sst s3;
	s5 =	sand.u32 $0x1, s4  }
0x8: {  	s19 =	sshll.u32 s10, $0x1;
	s8 =	smul.u32 $0x50000, s10;
	s4 =	sadd.s32 $0x3400, s2  }
0x9: {  	s11 =	sadd.s32 $0x2A600, s2;
	s20 =	sshll.u32 s10, $0x6;
	s22 =	smul.u32 $0x140, s10  }
0xa: {  	s10 =	smul.u32 $0x2800, s10;
	_ =	strace $0x8000004A;
	s6 =	ssub.s32 $0x2, s5  }
0xb: {  	s7 =	sor.u32 s5, s19;
	[dreg:$0x4] =	wrdreg s11;
	s15 =	sor.u32 $0x1C10, s20  }
0xc: {  	s25 =	smul.u32 $0xA0, s5;
	p0 =	seq.s32 s5, $0x1;
	s5 =	simm.s32 $0x54E00  }
0xd: {  	s9 =	sshrl.u32 s6, $0x1;
	s7 =	smul.u32 $0x1400, s7;
	s8 =	sshrl.u32 s8, $0x2  }
0xe: {  	s5 =	simm.s32 @!p0 $0x2CE00;
	[dreg:$0x6] =	wrdreg s15;
	s6 =	ssub.s32 s6, s9  }
0xf: {  	s8 =	sadd.s32 s8, s1;
	s2 =	sadd.s32 s5, s2;
	s21 =	sadd.s32 s0, s7  }
0x10: {  	s5 =	simm.s32 $0x6;
	s6 =	smax.u32 s6, $0x1;
	[dreg:$0x5] =	wrdreg s21  }
0x11: {  	s9 =	simm.s32 $0x7;
	s2 =	sadd.s32 s2, s10;
	[dreg:$0xb] =	wrdreg s6  }
0x12: {  	s17 =	sshrl.u32 s8, $0x3;
	s7 =	sadd.s32 $0x20, s21;
	[dreg:$0xc] =	wrdreg s2  }
0x13: {  	s8 =	simm.s32 $0xC;
	s23 =	sadd.s32 $0x40, s21;
	[dreg:$0x7] =	wrdreg s7  }
0x14: {  	s10 =	simm.s32 $0xD;
	s24 =	sadd.s32 $0x60, s21;
	[dreg:$0x8] =	wrdreg s23  }
0x15: {  	s11 =	sadd.s32 $0x80, s21;
	s2 =	simm.s32 $0x1C500;
	[dreg:$0x9] =	wrdreg s24  }
.Ltmp0:
0x16: {  	s6 =	simm.s32 $0xF;
	[dreg:$0xa] =	wrdreg s11;
	(pc) =	sbr.rel .LBB2_1-.Ltmp0, $4  }
0x17: {  	s7 =	sadd.s32 s25, s22;
	s23 =	simm.s32 $0x40;
	s25 =	simm.s32 $0x2  }
0x18: {  	s24 =	simm.s32 $0x16500;
	s11 =	simm.s32 $0x8;
	s26 =	sshll.u32 s7, $0x5  }
0x19: {  	s22 =	simm.s32 $0x1C500;
	s7 =	simm.s32 $0xA;
	s0 =	sadd.s32 s26, s0  }
0x1a: {  	s26 =	simm.s32 $0x18500;
	[dreg:$0xd] =	wrdreg s0;
	s0 =	simm.s32 $0x5  }
.LBB2_4:
0x1b: {  	_ =	swait.ge [sflag:s16], $0x2000  }
0x1c: {  	[sflag:s16] =	ssyncset.done $0x0  }
0x1d: {  	[sflag:s16] =	ssyncadd.s32 $0xFFFFE000  }
0x1e: {  	_ =	swait.ge [sflag:s8], $0x2000  }
0x1f: {  	[sflag:s8] =	ssyncset.done $0x0  }
0x20: {  	[sflag:s8] =	ssyncadd.s32 $0xFFFFE000  }
0x21: {  	_ =	swait.ge [sflag:s10], $0x2000  }
0x22: {  	[sflag:s10] =	ssyncset.done $0x0  }
0x23: {  	[sflag:s10] =	ssyncadd.s32 $0xFFFFE000  }
0x24: {  	_ =	swait.ge [sflag:s12], $0x2000  }
0x25: {  	[sflag:s12] =	ssyncset.done $0x0  }
0x26: {  	[sflag:s12] =	ssyncadd.s32 $0xFFFFE000  }
0x27: {  	_ =	swait.ge [sflag:s6], $0x2000  }
0x28: {  	[sflag:s6] =	ssyncset.done $0x0  }
0x29: {  	[sflag:s6] =	ssyncadd.s32 $0xFFFFE000  }
0x2a: {  	[bflag:$0x0] =	sbarrier.arrive $0xFFFF  }
0x2b: {  	s15 =	rddreg [dreg:$0x6]  }
0x2c: {  	s21 =	simm.s32 $0x10;
	s14 =	rddreg [dreg:$0xc]  }
0x2d: {  	[hbm:s14], [sflag:s15] =	dma.local [spmem:s17], $0x2800  }
0x2e: {  	_ =	swait.ge [sflag:s21], $0x2800  }
0x2f: {  	s18 =	rddreg [dreg:$0xe]  }
0x30: {  	s24 =	rddreg [dreg:$0xb];
	s18 =	sadd.s32 $0x1, s18  }
0x31: {  	p0 =	sne.s32 s18, s24  }
.Ltmp1:
0x32: {  	_ = 	snop;
	(pc) =	sbr.rel @!p0 .LBB2_5-.Ltmp1, $4  }
0x33: {  	_ = 	snop  }
0x34: {  	s26 =	simm.s32 $0x10  }
0x35: {  	s29 =	simm.s32 $0x1A500;
	s2 =	simm.s32 $0x1C500;
	[sflag:s21] =	ssyncset.done $0x0  }
0x36: {  	[sflag:s26] =	ssyncadd.s32 $0xFFFFD800;
	s26 =	simm.s32 $0x18500;
	s24 =	simm.s32 $0x16500  }
.LBB2_1:
0x37: {  	[dreg:$0xe] =	wrdreg s18  }
0x38: {  	s21 =	simm.s32 $0x10;
	s14 =	rddreg [dreg:$0x4]  }
0x39: {  	[spmem:s17], [sflag:s15] =	dma.local [hbm:s14], $0x2800  }
0x3a: {  	_ =	swait.ge [sflag:s21], $0x2800  }
0x3b: {  	[sflag:s21] =	ssyncset.done $0x0  }
0x3c: {  	[sflag:s21] =	ssyncadd.s32 $0xFFFFD800  }
0x3d: {  	[bflag:$0x0] =	sbarrier.arrive $0xFFFF  }
0x3e: {  	s15 =	simm.s32 $0x14000;
	s18 =	rddreg [dreg:$0x5]  }
0x3f: {  	[tilespmem:s15], [sflag:$0x1] =	stream.linear.gather [hbm4b:s18+s3], $0x100, $0x38;
	[tilespmem:$0x1E500] =	vst v63  }
0x40: {  	s19 =	rddreg [dreg:$0x7];
	s18 =	simm.s32 $0x14100  }
0x41: {  	[tilespmem:s18], [sflag:$0x2] =	stream.linear.gather [hbm4b:s19+s3], $0x100, $0x38;
	[tilespmem:$0x1E500] =	vst v63  }
0x42: {  	s20 =	rddreg [dreg:$0x8];
	s19 =	simm.s32 $0x14200  }
0x43: {  	[tilespmem:s19], [sflag:$0x3] =	stream.linear.gather [hbm4b:s20+s3], $0x100, $0x38;
	[tilespmem:$0x1E500] =	vst v63  }
0x44: {  	s21 =	rddreg [dreg:$0x9];
	s20 =	simm.s32 $0x14300  }
0x45: {  	[tilespmem:s20], [sflag:$0x4] =	stream.linear.gather [hbm4b:s21+s3], $0x100, $0x38;
	[tilespmem:$0x1E500] =	vst v63  }
0x46: {  	s14 =	rddreg [dreg:$0xa];
	s21 =	simm.s32 $0x14400  }
0x47: {  	[tilespmem:s21], [sflag:$0x5] =	stream.linear.gather [hbm4b:s14+s3], $0x100, $0x38;
	[tilespmem:$0x1E500] =	vst v63  }
0x48: {  	s14 =	simm.s32 $0x1  }
0x49: {  	_ =	swait.ge [sflag:s14], $0x100  }
0x4a: {  	[sflag:s14] =	ssyncset.done $0x0  }
0x4b: {  	[sflag:s14] =	ssyncadd.s32 $0xFFFFFF00;
	s14 =	simm.s32 $0x14500  }
0x4c: {  	[tilespmem:s14], [sflag:$0x6] =	stream.indirect.gather [hbm4b:s4+s23], $0x80, s15, s23, $0xb8;
	[tilespmem:$0x1E500] =	vst v63  }
0x4d: {  	_ =	swait.ge [sflag:s25], $0x100  }
0x4e: {  	[sflag:s25] =	ssyncset.done $0x0  }
0x4f: {  	[sflag:s25] =	ssyncadd.s32 $0xFFFFFF00  }
0x50: {  	[tilespmem:s24], [sflag:$0x7] =	stream.indirect.gather [hbm4b:s4+s23], $0x80, s18, s23, $0xb8;
	[tilespmem:$0x1E500] =	vst v63  }
0x51: {  	_ =	swait.ge [sflag:s28], $0x100  }
0x52: {  	[sflag:s28] =	ssyncset.done $0x0  }
0x53: {  	[sflag:s28] =	ssyncadd.s32 $0xFFFFFF00  }
0x54: {  	[tilespmem:s26], [sflag:$0x8] =	stream.indirect.gather [hbm4b:s4+s23], $0x80, s19, s23, $0xb8;
	[tilespmem:$0x1E500] =	vst v63  }
0x55: {  	_ =	swait.ge [sflag:s30], $0x100  }
0x56: {  	[sflag:s30] =	ssyncset.done $0x0  }
0x57: {  	[sflag:s30] =	ssyncadd.s32 $0xFFFFFF00  }
0x58: {  	[tilespmem:s29], [sflag:$0x9] =	stream.indirect.gather [hbm4b:s4+s23], $0x80, s20, s23, $0xb8;
	[tilespmem:$0x1E500] =	vst v63  }
0x59: {  	_ =	swait.ge [sflag:s0], $0x100  }
0x5a: {  	[sflag:s0] =	ssyncset.done $0x0  }
0x5b: {  	s15 =	simm.s32 $0x0;
	[sflag:s0] =	ssyncadd.s32 $0xFFFFFF00  }
0x5c: {  	[tilespmem:s2], [sflag:$0xA] =	stream.indirect.gather [hbm4b:s4+s23], $0x80, s21, s23, $0xb8;
	[tilespmem:$0x1E500] =	vst v63  }
.LBB2_2:
0x5d: {  	_ =	swait.ge [sflag:s5], $0x2000  }
0x5e: {  	[sflag:s5] =	ssyncset.done $0x0  }
0x5f: {  	s18 =	simm.s32 $0x14080;
	[sflag:s5] =	ssyncadd.s32 $0xFFFFE000  }
0x60: {  	[spmem:s1] =	stream.indirect.scatter.add.f32 [tilespmem:s14], [sflag:$0xB], $0x80, s18, s23, $0xb8;
	[tilespmem:$0x1E500] =	vst v63  }
0x61: {  	_ =	swait.ge [sflag:s9], $0x2000  }
0x62: {  	[sflag:s9] =	ssyncset.done $0x0  }
0x63: {  	s20 =	simm.s32 $0x14180;
	[sflag:s9] =	ssyncadd.s32 $0xFFFFE000  }
0x64: {  	[spmem:s1] =	stream.indirect.scatter.add.f32 [tilespmem:s24], [sflag:$0xC], $0x80, s20, s23, $0xb8;
	[tilespmem:$0x1E500] =	vst v63  }
0x65: {  	_ =	swait.ge [sflag:s11], $0x2000  }
0x66: {  	[sflag:s11] =	ssyncset.done $0x0  }
0x67: {  	s21 =	simm.s32 $0x14280;
	[sflag:s11] =	ssyncadd.s32 $0xFFFFE000  }
0x68: {  	[spmem:s1] =	stream.indirect.scatter.add.f32 [tilespmem:s26], [sflag:$0xD], $0x80, s21, s23, $0xb8;
	[tilespmem:$0x1E500] =	vst v63  }
0x69: {  	_ =	swait.ge [sflag:s13], $0x2000  }
0x6a: {  	[sflag:s13] =	ssyncset.done $0x0  }
0x6b: {  	p0 =	seq.s32 s15, $0x1360;
	s24 =	simm.s32 $0x14380;
	[sflag:s13] =	ssyncadd.s32 $0xFFFFE000  }
0x6c: {  	[spmem:s1] =	stream.indirect.scatter.add.f32 [tilespmem:s29], [sflag:$0xE], $0x80, s24, s23, $0xb8;
	[tilespmem:$0x1E500] =	vst v63  }
.Ltmp2:
0x6d: {  	_ =	swait.ge [sflag:s7], $0x2000;
	(pc) =	sbr.rel @p0 .LBB2_4-.Ltmp2, $4  }
0x6e: {  	[sflag:s7] =	ssyncset.done $0x0  }
0x6f: {  	s26 =	simm.s32 $0x14480;
	[sflag:s7] =	ssyncadd.s32 $0xFFFFE000  }
0x70: {  	[spmem:s1] =	stream.indirect.scatter.add.f32 [tilespmem:s2], [sflag:$0xF], $0x80, s26, s23, $0xb8;
	[tilespmem:$0x1E500] =	vst v63  }
0x71: {  	s29 =	simm.s32 $0x16500;
	s2 =	simm.s32 $0x1A500;
	s26 =	simm.s32 $0x14500  }
0x72: {  	_ =	swait.ge [sflag:s16], $0x2000  }
0x73: {  	s14 =	rddreg [dreg:$0xd]  }
0x74: {  	[sflag:s16] =	ssyncset.done $0x0;
	s14 =	sadd.s32 s15, s14  }
0x75: {  	s19 =	simm.s32 $0x14000;
	[sflag:s16] =	ssyncadd.s32 $0xFFFFE000;
	s20 =	sadd.s32 $0xA0, s14  }
0x76: {  	[tilespmem:s19], [sflag:$0x1] =	stream.linear.gather [hbm4b:s20+s3], $0x100, $0x38;
	[tilespmem:$0x1E500] =	vst v63  }
0x77: {  	_ =	swait.ge [sflag:s8], $0x2000  }
0x78: {  	[sflag:s8] =	ssyncset.done $0x0  }
0x79: {  	s21 =	sadd.s32 $0xC0, s14;
	s20 =	simm.s32 $0x14100;
	[sflag:s8] =	ssyncadd.s32 $0xFFFFE000  }
0x7a: {  	[tilespmem:s20], [sflag:$0x2] =	stream.linear.gather [hbm4b:s21+s3], $0x100, $0x38;
	[tilespmem:$0x1E500] =	vst v63  }
0x7b: {  	_ =	swait.ge [sflag:s10], $0x2000  }
0x7c: {  	[sflag:s10] =	ssyncset.done $0x0  }
0x7d: {  	s24 =	sadd.s32 $0xE0, s14;
	s21 =	simm.s32 $0x14200;
	[sflag:s10] =	ssyncadd.s32 $0xFFFFE000  }
0x7e: {  	[tilespmem:s21], [sflag:$0x3] =	stream.linear.gather [hbm4b:s24+s3], $0x100, $0x38;
	[tilespmem:$0x1E500] =	vst v63  }
0x7f: {  	_ =	swait.ge [sflag:s12], $0x2000  }
0x80: {  	s18 =	smov.u32 s17;
	[sflag:s12] =	ssyncset.done $0x0  }
0x81: {  	s17 =	sadd.s32 $0x100, s14;
	s24 =	simm.s32 $0x14300;
	[sflag:s12] =	ssyncadd.s32 $0xFFFFE000  }
0x82: {  	[tilespmem:s24], [sflag:$0x4] =	stream.linear.gather [hbm4b:s17+s3], $0x100, $0x38;
	[tilespmem:$0x1E500] =	vst v63  }
0x83: {  	_ =	swait.ge [sflag:s6], $0x2000  }
0x84: {  	s14 =	sadd.s32 $0x120, s14;
	[sflag:s6] =	ssyncset.done $0x0  }
0x85: {  	s17 =	smov.u32 s18;
	s18 =	simm.s32 $0x14400;
	[sflag:s6] =	ssyncadd.s32 $0xFFFFE000  }
0x86: {  	[tilespmem:s18], [sflag:$0x5] =	stream.linear.gather [hbm4b:s14+s3], $0x100, $0x38;
	[tilespmem:$0x1E500] =	vst v63  }
0x87: {  	s14 =	simm.s32 $0x1  }
0x88: {  	_ =	swait.ge [sflag:s14], $0x100  }
0x89: {  	[sflag:s14] =	ssyncset.done $0x0  }
0x8a: {  	[sflag:s14] =	ssyncadd.s32 $0xFFFFFF00  }
0x8b: {  	[tilespmem:s26], [sflag:$0x6] =	stream.indirect.gather [hbm4b:s4+s23], $0x80, s19, s23, $0xb8;
	[tilespmem:$0x1E500] =	vst v63  }
0x8c: {  	_ =	swait.ge [sflag:s25], $0x100  }
0x8d: {  	[sflag:s25] =	ssyncset.done $0x0  }
0x8e: {  	[sflag:s25] =	ssyncadd.s32 $0xFFFFFF00  }
0x8f: {  	[tilespmem:s29], [sflag:$0x7] =	stream.indirect.gather [hbm4b:s4+s23], $0x80, s20, s23, $0xb8;
	[tilespmem:$0x1E500] =	vst v63  }
0x90: {  	_ =	swait.ge [sflag:s28], $0x100  }
0x91: {  	[sflag:s28] =	ssyncset.done $0x0  }
0x92: {  	[sflag:s28] =	ssyncadd.s32 $0xFFFFFF00  }
0x93: {  	[tilespmem:s31], [sflag:$0x8] =	stream.indirect.gather [hbm4b:s4+s23], $0x80, s21, s23, $0xb8;
	[tilespmem:$0x1E500] =	vst v63  }
0x94: {  	_ =	swait.ge [sflag:s30], $0x100  }
0x95: {  	[sflag:s30] =	ssyncset.done $0x0  }
0x96: {  	[sflag:s30] =	ssyncadd.s32 $0xFFFFFF00  }
0x97: {  	[tilespmem:s2], [sflag:$0x9] =	stream.indirect.gather [hbm4b:s4+s23], $0x80, s24, s23, $0xb8;
	[tilespmem:$0x1E500] =	vst v63  }
.Ltmp3:
0x98: {  	_ = 	snop;
	(pc) =	sbr.rel .LBB2_2-.Ltmp3, $4  }
0x99: {  	s15 =	sadd.s32 $0xA0, s15;
	s14 =	simm.s32 $0x14500;
	_ =	swait.ge [sflag:s0], $0x100  }
0x9a: {  	s26 =	simm.s32 $0x18500;
	s29 =	simm.s32 $0x1A500;
	[sflag:s0] =	ssyncset.done $0x0  }
0x9b: {  	s24 =	simm.s32 $0x16500;
	s2 =	simm.s32 $0x1C500;
	[sflag:s0] =	ssyncadd.s32 $0xFFFFFF00  }
0x9c: {  	[tilespmem:s22], [sflag:$0xA] =	stream.indirect.gather [hbm4b:s4+s23], $0x80, s18, s23, $0xb8;
	[tilespmem:$0x1E500] =	vst v63  }
.LBB2_5:
0x9d: {  	_ =	sfence.sel $0x180000  }
0x9e: {  	[bflag:$0x0] =	sbarrier.arrive $0xFFFF  }
0x9f: {  	_ =	strace $0x9000004A  }
0xa0: {  	s0 =	stileid.u32;
	[bflag:$0x2] =	sbarrier.arrive $0xFFFF  }
0xa1: {  	p0 =	sne.s32 s0, $0x0;
	s0 =	rddreg [dreg:$0x3]  }
0xa2: {  	s0 =	sadd.s32 @!p0 $0x100000, s0  }
0xa3: {  	[sflag:s0] =	ssyncadd.tile.s32 @!p0 $0x1;
	_ =	shalt  }
.Lfunc_end2:
_tile_overlayer_lowered:
.L_overlay_start_2:
0xa4: {  	(tag) =	ssettag $0x2  }
0xa5: {  	s0 =	rddreg [dreg:$0x0];
	s2 =	stileid.u32  }
0xa6: {  	s1 =	rddreg [dreg:$0x1];
	p0 =	sne.s32 s2, $0x0  }
0xa7: {  	s3 =	rddreg [dreg:$0x2];
	[bflag:$0x3] =	sbarrier.arrive $0xFFFF;
	s2 =	simm.s32 @!p0 $0x1C10  }
0xa8: {  	[timem:s3], [sflag:s2] =	dma.local @!p0 [hbm:s0], s1  }
0xa9: {  	s0 =	simm.s32 @!p0 $0x10  }
0xaa: {  	_ =	swait.ge @!p0 [sflag:s0], s1  }
0xab: {  	s1 =	ssub.s32 @!p0 $0x0, s1;
	[sflag:s0] =	ssyncset.done @!p0 $0x0  }
0xac: {  	[sflag:s0] =	ssyncadd.s32 @!p0 s1  }
0xad: {  	[bflag:$0x3] =	sbarrier.arrive $0xFFFF  }
0xae: {  	_ =	shalt  }

// kernel: kernel.15.cloned.1.call-start
scs
__scs_entry_jumppad:
0x0: {  	(pc) =	sbr.rel $0x88, $3  }
0x1: {  	(tag) =	ssettag $0x0;
	lr =	simm.s32 $0x1  }
0x2: {  	[smem:$0x3F9B] =	sst lr;
	_ =	strace $0xD0000000  }
0x3: {  	_ = 	snop  }
0x4: {  	_ = 	snop  }
0x5: {  	_ = 	snop  }
0x6: {  	_ = 	snop  }
0x7: {  	_ = 	snop  }
__scs_overlays_trampoline_lowered:
0x8: {  	[smem:$0x3FAA] =	sst s0  }
0x9: {  	[smem:$0x3FAB] =	sst s1  }
0xa: {  	[smem:$0x3FAC] =	sst s2  }
0xb: {  	[smem:$0x3FAD] =	sst s3  }
0xc: {  	[smem:$0x3FAE] =	sst s4  }
0xd: {  	[smem:$0x3FAF] =	sst s5  }
0xe: {  	[smem:$0x3FB0] =	sst s6  }
0xf: {  	[smem:$0x3FB1] =	sst s7  }
0x10: {  	[smem:$0x3FB2] =	sst s8  }
0x11: {  	[smem:$0x3FB3] =	sst s9;
	s0 =	simm.s32 @!p0 $0x0  }
0x12: {  	s1 =	sld [smem:$0x3F99];
	s0 =	simm.s32 @p0 $0x1  }
0x13: {  	[smem:$0x3FB4] =	sst s0;
	s0 =	simm.s32 @!p1 $0x0  }
0x14: {  	s2 =	sld [smem:$0x3F98];
	s0 =	simm.s32 @p1 $0x1  }
0x15: {  	[smem:$0x3FB5] =	sst s0;
	s0 =	simm.s32 @!p2 $0x0  }
0x16: {  	s3 =	sld [smem:$0x3FDB];
	s0 =	simm.s32 @p2 $0x1  }
0x17: {  	s4 =	simm.s32 $0x1BF5;
	[smem:$0x3FB7] =	sst s0  }
0x18: {  	s0 =	sld [smem:$0x3F9A];
	_ =	swait.ge [sflag:s4], $0x0  }
0x19: {  	s7 =	sld [smem:$0x3F9B]  }
0x1a: {  	s8 =	sadd.s32 $0xFFFFE003, lr  }
0x1b: {  	s9 =	sadd.s32 $0xFFFFFEF7, lr;
	s5 =	simm.s32 $0xFFFFFFFF;
	p2 =	slt.u32 s8, $0xFFFFF086  }
0x1c: {  	p1 =	slt.u32 s9, $0xF7A;
	s5 =	simm.s32 @!p2 $0x0  }
0x1d: {  	s5 =	simm.s32 @p1 $0x1;
	p0 =	seq.s32 s7, s2  }
0x1e: {  	s7 =	smul.u32 @!p0 $0xF7A, s2;
	p2 =	seq.s32 @!p0 s5, $0x0  }
0x1f: {  	s9 =	smul.u32 $0xF7A, s1;
	s8 =	simm.s32 @!p0 $0x1BF5;
	p2 =	por !p2, p0  }
0x20: {  	[sflag:s8] =	ssyncset.s32 @!p0 $0xFFFFF086;
	s6 =	sadd.s32 @!p0 s3, s7;
	s7 =	simm.s32 @!p0 $0x108  }
0x21: {  	s3 =	sadd.s32 s3, s9;
	s6 =	sadd.s32 @!p0 $0x88, s6;
	s7 =	simm.s32 @p2 $0x1082  }
0x22: {  	[simem:s7], [sflag:s8] =	dma.local @!p0 [hbm:s6], $0xF7A  }
0x23: {  	s9 =	sor.u32 $0xD0000000, s2;
	s6 =	simm.s32 $0x108;
	_ =	swait.ge @!p0 [sflag:s8], $0x0  }
0x24: {  	s3 =	sadd.s32 $0x88, s3;
	s6 =	simm.s32 @!p1 $0x1082;
	[sflag:s4] =	ssyncset.s32 $0xFFFFF086  }
0x25: {  	[simem:s6], [sflag:s4] =	dma.local [hbm:s3], $0xF7A  }
0x26: {  	[smem:$0x3F9B] =	sst s1;
	(tag) =	ssettag s2;
	_ =	strace s9  }
0x27: {  	s1 =	sld [smem:$0x3FAB]  }
0x28: {  	s2 =	sld [smem:$0x3FAC]  }
0x29: {  	s4 =	sld [smem:$0x3FAE]  }
0x2a: {  	p0 =	seq.s32 s5, $0x0;
	s5 =	sld [smem:$0x3FAF]  }
0x2b: {  	s6 =	sld [smem:$0x3FB0]  }
0x2c: {  	s7 =	sld [smem:$0x3FB1]  }
0x2d: {  	s3 =	simm.s32 $0x108;
	s8 =	sld [smem:$0x3FB2]  }
0x2e: {  	s3 =	simm.s32 @!p0 $0x1082;
	s9 =	sld [smem:$0x3FB3]  }
0x2f: {  	lr =	sadd.s32 s0, s3;
	s0 =	sld [smem:$0x3FAA]  }
0x30: {  	s3 =	sld [smem:$0x3FAD]  }
0x31: {  	[smem:$0x3FB6] =	sst s10  }
0x32: {  	s10 =	sld [smem:$0x3FB4];
	_ =	sdelay $0x3  }
0x33: {  	p0 =	seq.s32 s10, $0x1;
	s10 =	sld [smem:$0x3FB6];
	_ =	sdelay $0x3  }
0x34: {  	[smem:$0x3FB6] =	sst s10  }
0x35: {  	s10 =	sld [smem:$0x3FB5];
	_ =	sdelay $0x3  }
0x36: {  	p1 =	seq.s32 s10, $0x1;
	s10 =	sld [smem:$0x3FB6];
	_ =	sdelay $0x3  }
0x37: {  	[smem:$0x3FB6] =	sst s10  }
0x38: {  	s10 =	sld [smem:$0x3FB7]  }
0x39: {  	_ = 	snop;
	(pc) =	sbr.ind lr, $3  }
0x3a: {  	_ = 	snop  }
0x3b: {  	_ = 	snop  }
0x3c: {  	p2 =	seq.s32 s10, $0x1;
	s10 =	sld [smem:$0x3FB6]  }
0x3d: {  	_ =	shalt  }
0x3e: {  	_ =	shalt  }
0x3f: {  	_ =	shalt  }
0x40: {  	_ =	shalt  }
0x41: {  	_ =	shalt  }
0x42: {  	_ =	shalt  }
0x43: {  	_ =	shalt  }
0x44: {  	_ =	shalt  }
0x45: {  	_ =	shalt  }
0x46: {  	_ =	shalt  }
0x47: {  	_ =	shalt  }
0x48: {  	_ =	shalt  }
0x49: {  	_ =	shalt  }
0x4a: {  	_ =	shalt  }
0x4b: {  	_ =	shalt  }
0x4c: {  	_ =	shalt  }
0x4d: {  	_ =	shalt  }
0x4e: {  	_ =	shalt  }
0x4f: {  	_ =	shalt  }
0x50: {  	_ =	shalt  }
0x51: {  	_ =	shalt  }
0x52: {  	_ =	shalt  }
0x53: {  	_ =	shalt  }
0x54: {  	_ =	shalt  }
0x55: {  	_ =	shalt  }
0x56: {  	_ =	shalt  }
0x57: {  	_ =	shalt  }
0x58: {  	_ =	shalt  }
0x59: {  	_ =	shalt  }
0x5a: {  	_ =	shalt  }
0x5b: {  	_ =	shalt  }
0x5c: {  	_ =	shalt  }
0x5d: {  	_ =	shalt  }
0x5e: {  	_ =	shalt  }
0x5f: {  	_ =	shalt  }
0x60: {  	_ =	shalt  }
0x61: {  	_ =	shalt  }
0x62: {  	_ =	shalt  }
0x63: {  	_ =	shalt  }
0x64: {  	_ =	shalt  }
0x65: {  	_ =	shalt  }
0x66: {  	_ =	shalt  }
0x67: {  	_ =	shalt  }
0x68: {  	_ =	shalt  }
0x69: {  	_ =	shalt  }
0x6a: {  	_ =	shalt  }
0x6b: {  	_ =	shalt  }
0x6c: {  	_ =	shalt  }
0x6d: {  	_ =	shalt  }
0x6e: {  	_ =	shalt  }
0x6f: {  	_ =	shalt  }
0x70: {  	_ =	shalt  }
0x71: {  	_ =	shalt  }
0x72: {  	_ =	shalt  }
0x73: {  	_ =	shalt  }
0x74: {  	_ =	shalt  }
0x75: {  	_ =	shalt  }
0x76: {  	_ =	shalt  }
0x77: {  	_ =	shalt  }
0x78: {  	_ =	shalt  }
0x79: {  	_ =	shalt  }
0x7a: {  	_ =	shalt  }
0x7b: {  	_ =	shalt  }
0x7c: {  	_ =	shalt  }
0x7d: {  	_ =	shalt  }
0x7e: {  	_ =	shalt  }
0x7f: {  	_ =	shalt  }
0x80: {  	_ =	shalt  }
0x81: {  	_ =	shalt  }
0x82: {  	_ =	shalt  }
0x83: {  	_ =	shalt  }
0x84: {  	_ =	shalt  }
0x85: {  	_ =	shalt  }
0x86: {  	_ =	shalt  }
0x87: {  	_ =	shalt  }
.Lfunc_end0:
.L_simem_size_0:
called_computation.2_lowered:
.L_overlay_start_0:
0x88: {  	s2 =	sld [smem:$0x3FD9]  }
0x89: {  	s3 =	sld [smem:$0x3FFE];
	_ =	sdelay $0x1  }
0x8a: {  	s1 =	srdreg.scid  }
0x8b: {  	s0 =	sand.u32 $0x1, s1  }
0x8c: {  	s17 =	sshll.u32 s0, $0xA;
	s2 =	sadd.s32 s3, s2  }
0x8d: {  	s2 =	sadd.s32 s2, s17  }
0x8e: {  	[smem:$0x3FC2] =	sst s2  }
0x8f: {  	_ = 	snop  }
0x90: {  	s2 =	sld [smem:$0x3FD0];
	(tm) =	ssettm $0x1  }
0x91: {  	s18 =	sld [smem:$0x3FFB];
	_ =	sdelay $0x3  }
0x92: {  	_ =	strace s18  }
0x93: {  	s3 =	sld [smem:$0x3FFC];
	_ =	sdelay $0x3  }
0x94: {  	_ =	strace s3  }
0x95: {  	s3 =	sld [smem:$0x3FFD];
	_ =	sdelay $0x3  }
0x96: {  	_ =	strace s3  }
0x97: {  	_ =	strace $0x8FFFFFFF  }
0x98: {  	s19 =	sld [smem:$0x3FDB];
	_ =	sdelay $0x1  }
0x99: {  	s4 =	simm.s32 $_scs_section_size  }
0x9a: {  	s5 =	simm.s32 $_size__tile_overlayer_lowered;
	s6 =	simm.s32 $_tile_overlayer_lowered  }
0x9b: {  	s22 =	simm.s32 $0x1BFF;
	s21 =	sshll.u32 s6, $0x1;
	s3 =	sadd.s32 s4, s19  }
0x9c: {  	s7 =	simm.s32 $0x0;
	s20 =	sshll.u32 s5, $0x1;
	s5 =	sadd.s32 s21, s3  }
0x9d: {  	[timem:s7], [sflag:s22] =	dma.local [hbm:s5], s20  }
0x9e: {  	_ =	swait.ge [sflag:s22], s20  }
0x9f: {  	s4 =	ssub.s32 $0x0, s20;
	[sflag:s22] =	ssyncset.done $0x0  }
0xa0: {  	[sflag:s22] =	ssyncadd.s32 s4;
	_ =	sdelay $0x1  }
0xa1: {  	s23 =	simm.s32 $0x1B8B  }
0xa2: {  	_ =	swait.ge [sflag:s23], $0x1  }
0xa3: {  	[sflag:s23] =	ssyncset.done $0x0  }
0xa4: {  	s25 =	simm.s32 $0x1B8E;
	s24 =	sld [smem:$0x3FFE];
	[sflag:s23] =	ssyncadd.s32 $0xFFFFFFFF  }
0xa5: {  	s26 =	simm.s32 $execute0_lowered;
	[smem:$0x3FD2] =	sst s25  }
0xa6: {  	s5 =	sshll.u32 s26, $0x1;
	_ =	strace $0x8000004C;
	[dreg:$0x1] =	wrdreg $0xFFFFFFFF  }
0xa7: {  	s28 =	simm.s32 $_size_execute0_lowered;
	s3 =	sadd.s32 s3, s5;
	[dreg:$0x0] =	wrdreg $0x0  }
0xa8: {  	s5 =	sshll.u32 s28, $0x1;
	[dreg:$0x2] =	wrdreg s3  }
0xa9: {  	[dreg:$0x3] =	wrdreg s5  }
0xaa: {  	[dreg:$0x4] =	wrdreg $0xC0  }
0xab: {  	_ =	task [dreg:s7], $0x5FFFF  }
0xac: {  	[dreg:$0x1] =	wrdreg $0xFFFFFFFF  }
0xad: {  	[dreg:$0x0] =	wrdreg $0x60  }
0xae: {  	[dreg:$0x2] =	wrdreg s24  }
0xaf: {  	[dreg:$0x3] =	wrdreg s2  }
0xb0: {  	[dreg:$0x4] =	wrdreg $0x0  }
0xb1: {  	[dreg:$0x5] =	wrdreg $0x9  }
0xb2: {  	_ =	task.clear_ibuf [dreg:s7], $0x6FFFF;
	_ =	strace $0x9000004C  }
0xb3: {  	s29 =	simm.s32 $0x9;
	_ =	strace $0x8000004E  }
0xb4: {  	_ =	swait.ge [sflag:s29], $0x1  }
0xb5: {  	[sflag:s29] =	ssyncadd.s32 $0xFFFFFFFF  }
0xb6: {  	_ =	strace $0x9000004E  }
0xb7: {  	_ =	sfence  }
0xb8: {  	s30 =	sld [smem:$0x0];
	_ =	sdelay $0x2  }
0xb9: {  	s31 =	sshll.u32 s1, $0xD;
	s1 =	sshrl.u32 s1, $0x2  }
0xba: {  	s3 =	sand.u32 $0x4000, s31;
	s1 =	sadd.s32 s1, s30  }
0xbb: {  	s0 =	sor.u32 s3, s0;
	s1 =	sshll.u32 s1, $0x11  }
0xbc: {  	s0 =	sor.u32 s1, s0  }
0xbd: {  	s0 =	sadd.s32 $0x8F2B, s0  }
0xbe: {  	[sflag:s0] =	ssyncadd.remote.s32 $0x1  }
0xbf: {  	_ =	sfence.sel $0xFFFF  }
0xc0: {  	[dreg:$0x0] =	wrdreg $0xFFFFFFFF;
	(pc) =	sbr.abs _section_cstart, $3  }
0xc1: {  	[dreg:$0x1] =	wrdreg $0xFFFFFFFF  }
0xc2: {  	_ =	task.clear_ibuf [dreg:s7], $0x2FFFF;
	_ =	strace $0x9FFFFFFF  }
0xc3: {  	(tm) =	ssettm $0x7FFFFFFF  }
tec
execute0_lowered:
.L_overlay_start_1:
0x0: {  	(tag) =	ssettag $0x1  }
0x1: {  	s0 =	rddreg [dreg:$0x0]  }
0x2: {  	s1 =	rddreg [dreg:$0x1]  }
0x3: {  	s3 =	rddreg [dreg:$0x2]  }
0x4: {  	s4 =	simm.s32 $0x0;
	s2 =	srdreg.scid;
	s11 =	stileid.u32  }
0x5: {  	s28 =	simm.s32 $0x3;
	s30 =	simm.s32 $0x4;
	s29 =	simm.s32 $0xD280  }
0x6: {  	s13 =	simm.s32 $0x9;
	s16 =	simm.s32 $0xB;
	s31 =	simm.s32 $0xC280  }
0x7: {  	[smem:$0x7FF] =	sst s4;
	s2 =	sand.u32 $0x1, s2;
	s5 =	sshll.u32 s11, $0x1  }
0x8: {  	s7 =	smul.u32 $0xA000, s11;
	s9 =	sadd.s32 $0x7CE00, s0;
	s10 =	sadd.s32 $0x3400, s0  }
0x9: {  	s19 =	sshll.u32 s11, $0x6;
	s20 =	smul.u32 $0x140, s11;
	s11 =	simm.s32 $0x8  }
0xa: {  	s6 =	ssub.s32 $0x2, s2;
	s5 =	sor.u32 s2, s5;
	_ =	strace $0x8000004D  }
0xb: {  	[dreg:$0x4] =	wrdreg s10;
	s15 =	sor.u32 $0x1C10, s19;
	s23 =	smul.u32 $0xA0, s2  }
0xc: {  	p0 =	seq.s32 s2, $0x1;
	s2 =	simm.s32 $0x4800;
	s10 =	simm.s32 $0xD  }
0xd: {  	s8 =	sshrl.u32 s6, $0x1;
	s5 =	smul.u32 $0xA00, s5;
	s18 =	sadd.s32 s7, s3  }
0xe: {  	s7 =	sshrl.u32 s7, $0x3;
	s2 =	simm.s32 @!p0 $0x18800;
	[dreg:$0x6] =	wrdreg s15  }
0xf: {  	s6 =	ssub.s32 s6, s8;
	s0 =	sadd.s32 s2, s0;
	s17 =	sshrl.u32 s18, $0x3  }
0x10: {  	s2 =	simm.s32 $0xE280;
	s8 =	simm.s32 $0xC;
	s12 =	sadd.s32 s9, s5  }
0x11: {  	s18 =	simm.s32 $0x0;
	s6 =	smax.u32 s6, $0x1;
	[dreg:$0x5] =	wrdreg s12  }
0x12: {  	s0 =	sadd.s32 s0, s7;
	s7 =	simm.s32 $0xA;
	[dreg:$0xb] =	wrdreg s6  }
0x13: {  	s5 =	sadd.s32 $0x10, s12;
	s21 =	sadd.s32 $0x20, s12;
	[dreg:$0xc] =	wrdreg s0  }
0x14: {  	s22 =	sadd.s32 $0x30, s12;
	s24 =	sadd.s32 $0x40, s12;
	[dreg:$0x7] =	wrdreg s5  }
0x15: {  	s0 =	simm.s32 $0x5;
	s12 =	simm.s32 $0xE;
	[dreg:$0x8] =	wrdreg s21  }
.Ltmp0:
0x16: {  	s6 =	simm.s32 $0xF;
	[dreg:$0x9] =	wrdreg s22;
	(pc) =	sbr.rel .LBB2_1-.Ltmp0, $4  }
0x17: {  	[dreg:$0xa] =	wrdreg s24;
	s5 =	sadd.s32 s23, s20;
	s23 =	simm.s32 $0x40  }
0x18: {  	s24 =	simm.s32 $0xB280;
	s22 =	simm.s32 $0xE280;
	s25 =	sshll.u32 s5, $0x4  }
0x19: {  	s5 =	simm.s32 $0x6;
	s26 =	sadd.s32 s25, s9;
	s25 =	simm.s32 $0x2  }
0x1a: {  	s9 =	simm.s32 $0x7;
	[dreg:$0xd] =	wrdreg s26;
	s26 =	simm.s32 $0xC280  }
.LBB2_4:
0x1b: {  	_ =	swait.ge [sflag:s16], $0x1000  }
0x1c: {  	[sflag:s16] =	ssyncset.done $0x0  }
0x1d: {  	[sflag:s16] =	ssyncadd.s32 $0xFFFFF000  }
0x1e: {  	_ =	swait.ge [sflag:s8], $0x1000  }
0x1f: {  	[sflag:s8] =	ssyncset.done $0x0  }
0x20: {  	[sflag:s8] =	ssyncadd.s32 $0xFFFFF000  }
0x21: {  	_ =	swait.ge [sflag:s10], $0x1000  }
0x22: {  	[sflag:s10] =	ssyncset.done $0x0  }
0x23: {  	[sflag:s10] =	ssyncadd.s32 $0xFFFFF000  }
0x24: {  	_ =	swait.ge [sflag:s12], $0x1000  }
0x25: {  	[sflag:s12] =	ssyncset.done $0x0  }
0x26: {  	[sflag:s12] =	ssyncadd.s32 $0xFFFFF000  }
0x27: {  	_ =	swait.ge [sflag:s6], $0x1000  }
0x28: {  	[sflag:s6] =	ssyncset.done $0x0  }
0x29: {  	[sflag:s6] =	ssyncadd.s32 $0xFFFFF000  }
0x2a: {  	[bflag:$0x0] =	sbarrier.arrive $0xFFFF  }
0x2b: {  	s15 =	rddreg [dreg:$0x6]  }
0x2c: {  	s21 =	simm.s32 $0x10;
	s14 =	rddreg [dreg:$0xc]  }
0x2d: {  	[hbm:s14], [sflag:s15] =	dma.local [spmem:s17], $0x1400  }
0x2e: {  	_ =	swait.ge [sflag:s21], $0x1400  }
0x2f: {  	s18 =	rddreg [dreg:$0xe]  }
0x30: {  	s24 =	rddreg [dreg:$0xb];
	s18 =	sadd.s32 $0x1, s18  }
0x31: {  	p0 =	sne.s32 s18, s24  }
.Ltmp1:
0x32: {  	_ = 	snop;
	(pc) =	sbr.rel @!p0 .LBB2_5-.Ltmp1, $4  }
0x33: {  	_ = 	snop  }
0x34: {  	s26 =	simm.s32 $0x10  }
0x35: {  	s29 =	simm.s32 $0xD280;
	s2 =	simm.s32 $0xE280;
	[sflag:s21] =	ssyncset.done $0x0  }
0x36: {  	[sflag:s26] =	ssyncadd.s32 $0xFFFFEC00;
	s26 =	simm.s32 $0xC280;
	s24 =	simm.s32 $0xB280  }
.LBB2_1:
0x37: {  	[dreg:$0xe] =	wrdreg s18  }
0x38: {  	s21 =	simm.s32 $0x10;
	s14 =	rddreg [dreg:$0x4]  }
0x39: {  	[spmem:s17], [sflag:s15] =	dma.local [hbm:s14], $0x1400  }
0x3a: {  	_ =	swait.ge [sflag:s21], $0x1400  }
0x3b: {  	[sflag:s21] =	ssyncset.done $0x0  }
0x3c: {  	[sflag:s21] =	ssyncadd.s32 $0xFFFFEC00  }
0x3d: {  	[bflag:$0x0] =	sbarrier.arrive $0xFFFF  }
0x3e: {  	s15 =	simm.s32 $0xA000;
	s18 =	rddreg [dreg:$0x5]  }
0x3f: {  	[tilespmem:s15], [sflag:$0x1] =	stream.linear.gather [hbm4b:s18+s4], $0x80, $0x38;
	[tilespmem:$0xF280] =	vst v63  }
0x40: {  	s19 =	rddreg [dreg:$0x7];
	s18 =	simm.s32 $0xA080  }
0x41: {  	[tilespmem:s18], [sflag:$0x2] =	stream.linear.gather [hbm4b:s19+s4], $0x80, $0x38;
	[tilespmem:$0xF280] =	vst v63  }
0x42: {  	s20 =	rddreg [dreg:$0x8];
	s19 =	simm.s32 $0xA100  }
0x43: {  	[tilespmem:s19], [sflag:$0x3] =	stream.linear.gather [hbm4b:s20+s4], $0x80, $0x38;
	[tilespmem:$0xF280] =	vst v63  }
0x44: {  	s21 =	rddreg [dreg:$0x9];
	s20 =	simm.s32 $0xA180  }
0x45: {  	[tilespmem:s20], [sflag:$0x4] =	stream.linear.gather [hbm4b:s21+s4], $0x80, $0x38;
	[tilespmem:$0xF280] =	vst v63  }
0x46: {  	s14 =	rddreg [dreg:$0xa];
	s21 =	simm.s32 $0xA200  }
0x47: {  	[tilespmem:s21], [sflag:$0x5] =	stream.linear.gather [hbm4b:s14+s4], $0x80, $0x38;
	[tilespmem:$0xF280] =	vst v63  }
0x48: {  	s14 =	simm.s32 $0x1  }
0x49: {  	_ =	swait.ge [sflag:s14], $0x80  }
0x4a: {  	[sflag:s14] =	ssyncset.done $0x0  }
0x4b: {  	[sflag:s14] =	ssyncadd.s32 $0xFFFFFF80;
	s14 =	simm.s32 $0xA280  }
0x4c: {  	[tilespmem:s14], [sflag:$0x6] =	stream.indirect.gather [hbm4b:s1+s23], $0x40, s15, s23, $0xb8;
	[tilespmem:$0xF280] =	vst v63  }
0x4d: {  	_ =	swait.ge [sflag:s25], $0x80  }
0x4e: {  	[sflag:s25] =	ssyncset.done $0x0  }
0x4f: {  	[sflag:s25] =	ssyncadd.s32 $0xFFFFFF80  }
0x50: {  	[tilespmem:s24], [sflag:$0x7] =	stream.indirect.gather [hbm4b:s1+s23], $0x40, s18, s23, $0xb8;
	[tilespmem:$0xF280] =	vst v63  }
0x51: {  	_ =	swait.ge [sflag:s28], $0x80  }
0x52: {  	[sflag:s28] =	ssyncset.done $0x0  }
0x53: {  	[sflag:s28] =	ssyncadd.s32 $0xFFFFFF80  }
0x54: {  	[tilespmem:s26], [sflag:$0x8] =	stream.indirect.gather [hbm4b:s1+s23], $0x40, s19, s23, $0xb8;
	[tilespmem:$0xF280] =	vst v63  }
0x55: {  	_ =	swait.ge [sflag:s30], $0x80  }
0x56: {  	[sflag:s30] =	ssyncset.done $0x0  }
0x57: {  	[sflag:s30] =	ssyncadd.s32 $0xFFFFFF80  }
0x58: {  	[tilespmem:s29], [sflag:$0x9] =	stream.indirect.gather [hbm4b:s1+s23], $0x40, s20, s23, $0xb8;
	[tilespmem:$0xF280] =	vst v63  }
0x59: {  	_ =	swait.ge [sflag:s0], $0x80  }
0x5a: {  	[sflag:s0] =	ssyncset.done $0x0  }
0x5b: {  	s15 =	simm.s32 $0x0;
	[sflag:s0] =	ssyncadd.s32 $0xFFFFFF80  }
0x5c: {  	[tilespmem:s2], [sflag:$0xA] =	stream.indirect.gather [hbm4b:s1+s23], $0x40, s21, s23, $0xb8;
	[tilespmem:$0xF280] =	vst v63  }
.LBB2_2:
0x5d: {  	_ =	swait.ge [sflag:s5], $0x1000  }
0x5e: {  	[sflag:s5] =	ssyncset.done $0x0  }
0x5f: {  	s18 =	simm.s32 $0xA040;
	[sflag:s5] =	ssyncadd.s32 $0xFFFFF000  }
0x60: {  	[spmem:s3] =	stream.indirect.scatter.add.f32 [tilespmem:s14], [sflag:$0xB], $0x40, s18, s23, $0xb8;
	[tilespmem:$0xF280] =	vst v63  }
0x61: {  	_ =	swait.ge [sflag:s9], $0x1000  }
0x62: {  	[sflag:s9] =	ssyncset.done $0x0  }
0x63: {  	s20 =	simm.s32 $0xA0C0;
	[sflag:s9] =	ssyncadd.s32 $0xFFFFF000  }
0x64: {  	[spmem:s3] =	stream.indirect.scatter.add.f32 [tilespmem:s24], [sflag:$0xC], $0x40, s20, s23, $0xb8;
	[tilespmem:$0xF280] =	vst v63  }
0x65: {  	_ =	swait.ge [sflag:s11], $0x1000  }
0x66: {  	[sflag:s11] =	ssyncset.done $0x0  }
0x67: {  	s21 =	simm.s32 $0xA140;
	[sflag:s11] =	ssyncadd.s32 $0xFFFFF000  }
0x68: {  	[spmem:s3] =	stream.indirect.scatter.add.f32 [tilespmem:s26], [sflag:$0xD], $0x40, s21, s23, $0xb8;
	[tilespmem:$0xF280] =	vst v63  }
0x69: {  	_ =	swait.ge [sflag:s13], $0x1000  }
0x6a: {  	[sflag:s13] =	ssyncset.done $0x0  }
0x6b: {  	p0 =	seq.s32 s15, $0x9B0;
	s24 =	simm.s32 $0xA1C0;
	[sflag:s13] =	ssyncadd.s32 $0xFFFFF000  }
0x6c: {  	[spmem:s3] =	stream.indirect.scatter.add.f32 [tilespmem:s29], [sflag:$0xE], $0x40, s24, s23, $0xb8;
	[tilespmem:$0xF280] =	vst v63  }
.Ltmp2:
0x6d: {  	_ =	swait.ge [sflag:s7], $0x1000;
	(pc) =	sbr.rel @p0 .LBB2_4-.Ltmp2, $4  }
0x6e: {  	[sflag:s7] =	ssyncset.done $0x0  }
0x6f: {  	s26 =	simm.s32 $0xA240;
	[sflag:s7] =	ssyncadd.s32 $0xFFFFF000  }
0x70: {  	[spmem:s3] =	stream.indirect.scatter.add.f32 [tilespmem:s2], [sflag:$0xF], $0x40, s26, s23, $0xb8;
	[tilespmem:$0xF280] =	vst v63  }
0x71: {  	s29 =	simm.s32 $0xB280;
	s2 =	simm.s32 $0xD280;
	s26 =	simm.s32 $0xA280  }
0x72: {  	_ =	swait.ge [sflag:s16], $0x1000  }
0x73: {  	s14 =	rddreg [dreg:$0xd]  }
0x74: {  	[sflag:s16] =	ssyncset.done $0x0;
	s14 =	sadd.s32 s15, s14  }
0x75: {  	s19 =	simm.s32 $0xA000;
	[sflag:s16] =	ssyncadd.s32 $0xFFFFF000;
	s20 =	sadd.s32 $0x50, s14  }
0x76: {  	[tilespmem:s19], [sflag:$0x1] =	stream.linear.gather [hbm4b:s20+s4], $0x80, $0x38;
	[tilespmem:$0xF280] =	vst v63  }
0x77: {  	_ =	swait.ge [sflag:s8], $0x1000  }
0x78: {  	[sflag:s8] =	ssyncset.done $0x0  }
0x79: {  	s21 =	sadd.s32 $0x60, s14;
	s20 =	simm.s32 $0xA080;
	[sflag:s8] =	ssyncadd.s32 $0xFFFFF000  }
0x7a: {  	[tilespmem:s20], [sflag:$0x2] =	stream.linear.gather [hbm4b:s21+s4], $0x80, $0x38;
	[tilespmem:$0xF280] =	vst v63  }
0x7b: {  	_ =	swait.ge [sflag:s10], $0x1000  }
0x7c: {  	[sflag:s10] =	ssyncset.done $0x0  }
0x7d: {  	s24 =	sadd.s32 $0x70, s14;
	s21 =	simm.s32 $0xA100;
	[sflag:s10] =	ssyncadd.s32 $0xFFFFF000  }
0x7e: {  	[tilespmem:s21], [sflag:$0x3] =	stream.linear.gather [hbm4b:s24+s4], $0x80, $0x38;
	[tilespmem:$0xF280] =	vst v63  }
0x7f: {  	_ =	swait.ge [sflag:s12], $0x1000  }
0x80: {  	s18 =	smov.u32 s17;
	[sflag:s12] =	ssyncset.done $0x0  }
0x81: {  	s17 =	sadd.s32 $0x80, s14;
	s24 =	simm.s32 $0xA180;
	[sflag:s12] =	ssyncadd.s32 $0xFFFFF000  }
0x82: {  	[tilespmem:s24], [sflag:$0x4] =	stream.linear.gather [hbm4b:s17+s4], $0x80, $0x38;
	[tilespmem:$0xF280] =	vst v63  }
0x83: {  	_ =	swait.ge [sflag:s6], $0x1000  }
0x84: {  	s14 =	sadd.s32 $0x90, s14;
	[sflag:s6] =	ssyncset.done $0x0  }
0x85: {  	s17 =	smov.u32 s18;
	s18 =	simm.s32 $0xA200;
	[sflag:s6] =	ssyncadd.s32 $0xFFFFF000  }
0x86: {  	[tilespmem:s18], [sflag:$0x5] =	stream.linear.gather [hbm4b:s14+s4], $0x80, $0x38;
	[tilespmem:$0xF280] =	vst v63  }
0x87: {  	s14 =	simm.s32 $0x1  }
0x88: {  	_ =	swait.ge [sflag:s14], $0x80  }
0x89: {  	[sflag:s14] =	ssyncset.done $0x0  }
0x8a: {  	[sflag:s14] =	ssyncadd.s32 $0xFFFFFF80  }
0x8b: {  	[tilespmem:s26], [sflag:$0x6] =	stream.indirect.gather [hbm4b:s1+s23], $0x40, s19, s23, $0xb8;
	[tilespmem:$0xF280] =	vst v63  }
0x8c: {  	_ =	swait.ge [sflag:s25], $0x80  }
0x8d: {  	[sflag:s25] =	ssyncset.done $0x0  }
0x8e: {  	[sflag:s25] =	ssyncadd.s32 $0xFFFFFF80  }
0x8f: {  	[tilespmem:s29], [sflag:$0x7] =	stream.indirect.gather [hbm4b:s1+s23], $0x40, s20, s23, $0xb8;
	[tilespmem:$0xF280] =	vst v63  }
0x90: {  	_ =	swait.ge [sflag:s28], $0x80  }
0x91: {  	[sflag:s28] =	ssyncset.done $0x0  }
0x92: {  	[sflag:s28] =	ssyncadd.s32 $0xFFFFFF80  }
0x93: {  	[tilespmem:s31], [sflag:$0x8] =	stream.indirect.gather [hbm4b:s1+s23], $0x40, s21, s23, $0xb8;
	[tilespmem:$0xF280] =	vst v63  }
0x94: {  	_ =	swait.ge [sflag:s30], $0x80  }
0x95: {  	[sflag:s30] =	ssyncset.done $0x0  }
0x96: {  	[sflag:s30] =	ssyncadd.s32 $0xFFFFFF80  }
0x97: {  	[tilespmem:s2], [sflag:$0x9] =	stream.indirect.gather [hbm4b:s1+s23], $0x40, s24, s23, $0xb8;
	[tilespmem:$0xF280] =	vst v63  }
.Ltmp3:
0x98: {  	_ = 	snop;
	(pc) =	sbr.rel .LBB2_2-.Ltmp3, $4  }
0x99: {  	s15 =	sadd.s32 $0x50, s15;
	s14 =	simm.s32 $0xA280;
	_ =	swait.ge [sflag:s0], $0x80  }
0x9a: {  	s26 =	simm.s32 $0xC280;
	s29 =	simm.s32 $0xD280;
	[sflag:s0] =	ssyncset.done $0x0  }
0x9b: {  	s24 =	simm.s32 $0xB280;
	s2 =	simm.s32 $0xE280;
	[sflag:s0] =	ssyncadd.s32 $0xFFFFFF80  }
0x9c: {  	[tilespmem:s22], [sflag:$0xA] =	stream.indirect.gather [hbm4b:s1+s23], $0x40, s18, s23, $0xb8;
	[tilespmem:$0xF280] =	vst v63  }
.LBB2_5:
0x9d: {  	_ =	sfence.sel $0x180000  }
0x9e: {  	[bflag:$0x0] =	sbarrier.arrive $0xFFFF  }
0x9f: {  	_ =	strace $0x9000004D  }
0xa0: {  	s0 =	stileid.u32;
	[bflag:$0x2] =	sbarrier.arrive $0xFFFF  }
0xa1: {  	p0 =	sne.s32 s0, $0x0;
	s0 =	rddreg [dreg:$0x3]  }
0xa2: {  	s0 =	sadd.s32 @!p0 $0x100000, s0  }
0xa3: {  	[sflag:s0] =	ssyncadd.tile.s32 @!p0 $0x1;
	_ =	shalt  }
.Lfunc_end2:
_tile_overlayer_lowered:
.L_overlay_start_2:
0xa4: {  	(tag) =	ssettag $0x2  }
0xa5: {  	s0 =	rddreg [dreg:$0x0];
	s2 =	stileid.u32  }
0xa6: {  	s1 =	rddreg [dreg:$0x1];
	p0 =	sne.s32 s2, $0x0  }
0xa7: {  	s3 =	rddreg [dreg:$0x2];
	[bflag:$0x3] =	sbarrier.arrive $0xFFFF;
	s2 =	simm.s32 @!p0 $0x1C10  }
0xa8: {  	[timem:s3], [sflag:s2] =	dma.local @!p0 [hbm:s0], s1  }
0xa9: {  	s0 =	simm.s32 @!p0 $0x10  }
0xaa: {  	_ =	swait.ge @!p0 [sflag:s0], s1  }
0xab: {  	s1 =	ssub.s32 @!p0 $0x0, s1;
	[sflag:s0] =	ssyncset.done @!p0 $0x0  }
0xac: {  	[sflag:s0] =	ssyncadd.s32 @!p0 s1  }
0xad: {  	[bflag:$0x3] =	sbarrier.arrive $0xFFFF  }
0xae: {  	_ =	shalt  }

// kernel: kernel.9.cloned.1.call-start
scs
__scs_entry_jumppad:
0x0: {  	(pc) =	sbr.rel $0x88, $3  }
0x1: {  	(tag) =	ssettag $0x0;
	lr =	simm.s32 $0x1  }
0x2: {  	[smem:$0x3F9B] =	sst lr;
	_ =	strace $0xD0000000  }
0x3: {  	_ = 	snop  }
0x4: {  	_ = 	snop  }
0x5: {  	_ = 	snop  }
0x6: {  	_ = 	snop  }
0x7: {  	_ = 	snop  }
__scs_overlays_trampoline_lowered:
0x8: {  	[smem:$0x3FAA] =	sst s0  }
0x9: {  	[smem:$0x3FAB] =	sst s1  }
0xa: {  	[smem:$0x3FAC] =	sst s2  }
0xb: {  	[smem:$0x3FAD] =	sst s3  }
0xc: {  	[smem:$0x3FAE] =	sst s4  }
0xd: {  	[smem:$0x3FAF] =	sst s5  }
0xe: {  	[smem:$0x3FB0] =	sst s6  }
0xf: {  	[smem:$0x3FB1] =	sst s7  }
0x10: {  	[smem:$0x3FB2] =	sst s8  }
0x11: {  	[smem:$0x3FB3] =	sst s9;
	s0 =	simm.s32 @!p0 $0x0  }
0x12: {  	s1 =	sld [smem:$0x3F99];
	s0 =	simm.s32 @p0 $0x1  }
0x13: {  	[smem:$0x3FB4] =	sst s0;
	s0 =	simm.s32 @!p1 $0x0  }
0x14: {  	s2 =	sld [smem:$0x3F98];
	s0 =	simm.s32 @p1 $0x1  }
0x15: {  	[smem:$0x3FB5] =	sst s0;
	s0 =	simm.s32 @!p2 $0x0  }
0x16: {  	s3 =	sld [smem:$0x3FDB];
	s0 =	simm.s32 @p2 $0x1  }
0x17: {  	s4 =	simm.s32 $0x1BF5;
	[smem:$0x3FB7] =	sst s0  }
0x18: {  	s0 =	sld [smem:$0x3F9A];
	_ =	swait.ge [sflag:s4], $0x0  }
0x19: {  	s7 =	sld [smem:$0x3F9B]  }
0x1a: {  	s8 =	sadd.s32 $0xFFFFE003, lr  }
0x1b: {  	s9 =	sadd.s32 $0xFFFFFEF7, lr;
	s5 =	simm.s32 $0xFFFFFFFF;
	p2 =	slt.u32 s8, $0xFFFFF086  }
0x1c: {  	p1 =	slt.u32 s9, $0xF7A;
	s5 =	simm.s32 @!p2 $0x0  }
0x1d: {  	s5 =	simm.s32 @p1 $0x1;
	p0 =	seq.s32 s7, s2  }
0x1e: {  	s7 =	smul.u32 @!p0 $0xF7A, s2;
	p2 =	seq.s32 @!p0 s5, $0x0  }
0x1f: {  	s9 =	smul.u32 $0xF7A, s1;
	s8 =	simm.s32 @!p0 $0x1BF5;
	p2 =	por !p2, p0  }
0x20: {  	[sflag:s8] =	ssyncset.s32 @!p0 $0xFFFFF086;
	s6 =	sadd.s32 @!p0 s3, s7;
	s7 =	simm.s32 @!p0 $0x108  }
0x21: {  	s3 =	sadd.s32 s3, s9;
	s6 =	sadd.s32 @!p0 $0x88, s6;
	s7 =	simm.s32 @p2 $0x1082  }
0x22: {  	[simem:s7], [sflag:s8] =	dma.local @!p0 [hbm:s6], $0xF7A  }
0x23: {  	s9 =	sor.u32 $0xD0000000, s2;
	s6 =	simm.s32 $0x108;
	_ =	swait.ge @!p0 [sflag:s8], $0x0  }
0x24: {  	s3 =	sadd.s32 $0x88, s3;
	s6 =	simm.s32 @!p1 $0x1082;
	[sflag:s4] =	ssyncset.s32 $0xFFFFF086  }
0x25: {  	[simem:s6], [sflag:s4] =	dma.local [hbm:s3], $0xF7A  }
0x26: {  	[smem:$0x3F9B] =	sst s1;
	(tag) =	ssettag s2;
	_ =	strace s9  }
0x27: {  	s1 =	sld [smem:$0x3FAB]  }
0x28: {  	s2 =	sld [smem:$0x3FAC]  }
0x29: {  	s4 =	sld [smem:$0x3FAE]  }
0x2a: {  	p0 =	seq.s32 s5, $0x0;
	s5 =	sld [smem:$0x3FAF]  }
0x2b: {  	s6 =	sld [smem:$0x3FB0]  }
0x2c: {  	s7 =	sld [smem:$0x3FB1]  }
0x2d: {  	s3 =	simm.s32 $0x108;
	s8 =	sld [smem:$0x3FB2]  }
0x2e: {  	s3 =	simm.s32 @!p0 $0x1082;
	s9 =	sld [smem:$0x3FB3]  }
0x2f: {  	lr =	sadd.s32 s0, s3;
	s0 =	sld [smem:$0x3FAA]  }
0x30: {  	s3 =	sld [smem:$0x3FAD]  }
0x31: {  	[smem:$0x3FB6] =	sst s10  }
0x32: {  	s10 =	sld [smem:$0x3FB4];
	_ =	sdelay $0x3  }
0x33: {  	p0 =	seq.s32 s10, $0x1;
	s10 =	sld [smem:$0x3FB6];
	_ =	sdelay $0x3  }
0x34: {  	[smem:$0x3FB6] =	sst s10  }
0x35: {  	s10 =	sld [smem:$0x3FB5];
	_ =	sdelay $0x3  }
0x36: {  	p1 =	seq.s32 s10, $0x1;
	s10 =	sld [smem:$0x3FB6];
	_ =	sdelay $0x3  }
0x37: {  	[smem:$0x3FB6] =	sst s10  }
0x38: {  	s10 =	sld [smem:$0x3FB7]  }
0x39: {  	_ = 	snop;
	(pc) =	sbr.ind lr, $3  }
0x3a: {  	_ = 	snop  }
0x3b: {  	_ = 	snop  }
0x3c: {  	p2 =	seq.s32 s10, $0x1;
	s10 =	sld [smem:$0x3FB6]  }
0x3d: {  	_ =	shalt  }
0x3e: {  	_ =	shalt  }
0x3f: {  	_ =	shalt  }
0x40: {  	_ =	shalt  }
0x41: {  	_ =	shalt  }
0x42: {  	_ =	shalt  }
0x43: {  	_ =	shalt  }
0x44: {  	_ =	shalt  }
0x45: {  	_ =	shalt  }
0x46: {  	_ =	shalt  }
0x47: {  	_ =	shalt  }
0x48: {  	_ =	shalt  }
0x49: {  	_ =	shalt  }
0x4a: {  	_ =	shalt  }
0x4b: {  	_ =	shalt  }
0x4c: {  	_ =	shalt  }
0x4d: {  	_ =	shalt  }
0x4e: {  	_ =	shalt  }
0x4f: {  	_ =	shalt  }
0x50: {  	_ =	shalt  }
0x51: {  	_ =	shalt  }
0x52: {  	_ =	shalt  }
0x53: {  	_ =	shalt  }
0x54: {  	_ =	shalt  }
0x55: {  	_ =	shalt  }
0x56: {  	_ =	shalt  }
0x57: {  	_ =	shalt  }
0x58: {  	_ =	shalt  }
0x59: {  	_ =	shalt  }
0x5a: {  	_ =	shalt  }
0x5b: {  	_ =	shalt  }
0x5c: {  	_ =	shalt  }
0x5d: {  	_ =	shalt  }
0x5e: {  	_ =	shalt  }
0x5f: {  	_ =	shalt  }
0x60: {  	_ =	shalt  }
0x61: {  	_ =	shalt  }
0x62: {  	_ =	shalt  }
0x63: {  	_ =	shalt  }
0x64: {  	_ =	shalt  }
0x65: {  	_ =	shalt  }
0x66: {  	_ =	shalt  }
0x67: {  	_ =	shalt  }
0x68: {  	_ =	shalt  }
0x69: {  	_ =	shalt  }
0x6a: {  	_ =	shalt  }
0x6b: {  	_ =	shalt  }
0x6c: {  	_ =	shalt  }
0x6d: {  	_ =	shalt  }
0x6e: {  	_ =	shalt  }
0x6f: {  	_ =	shalt  }
0x70: {  	_ =	shalt  }
0x71: {  	_ =	shalt  }
0x72: {  	_ =	shalt  }
0x73: {  	_ =	shalt  }
0x74: {  	_ =	shalt  }
0x75: {  	_ =	shalt  }
0x76: {  	_ =	shalt  }
0x77: {  	_ =	shalt  }
0x78: {  	_ =	shalt  }
0x79: {  	_ =	shalt  }
0x7a: {  	_ =	shalt  }
0x7b: {  	_ =	shalt  }
0x7c: {  	_ =	shalt  }
0x7d: {  	_ =	shalt  }
0x7e: {  	_ =	shalt  }
0x7f: {  	_ =	shalt  }
0x80: {  	_ =	shalt  }
0x81: {  	_ =	shalt  }
0x82: {  	_ =	shalt  }
0x83: {  	_ =	shalt  }
0x84: {  	_ =	shalt  }
0x85: {  	_ =	shalt  }
0x86: {  	_ =	shalt  }
0x87: {  	_ =	shalt  }
.Lfunc_end0:
.L_simem_size_0:
called_computation_lowered:
.L_overlay_start_0:
0x88: {  	s2 =	sld [smem:$0x3FD9]  }
0x89: {  	s3 =	sld [smem:$0x3FFE];
	_ =	sdelay $0x1  }
0x8a: {  	s1 =	srdreg.scid  }
0x8b: {  	s0 =	sand.u32 $0x1, s1  }
0x8c: {  	s16 =	sshll.u32 s0, $0xA;
	s2 =	sadd.s32 s3, s2  }
0x8d: {  	s2 =	sadd.s32 s2, s16  }
0x8e: {  	[smem:$0x3FC2] =	sst s2  }
0x8f: {  	_ = 	snop  }
0x90: {  	(tm) =	ssettm $0x1  }
0x91: {  	s17 =	sld [smem:$0x3FFB];
	_ =	sdelay $0x3  }
0x92: {  	_ =	strace s17  }
0x93: {  	s2 =	sld [smem:$0x3FFC];
	_ =	sdelay $0x3  }
0x94: {  	_ =	strace s2  }
0x95: {  	s2 =	sld [smem:$0x3FFD];
	_ =	sdelay $0x3  }
0x96: {  	_ =	strace s2  }
0x97: {  	_ =	strace $0x8FFFFFFF  }
0x98: {  	s18 =	sld [smem:$0x3FDB];
	_ =	sdelay $0x1  }
0x99: {  	s19 =	simm.s32 $_scs_section_size  }
0x9a: {  	s4 =	simm.s32 $_size__tile_overlayer_lowered;
	s5 =	simm.s32 $_tile_overlayer_lowered  }
0x9b: {  	s22 =	simm.s32 $0x1BFF;
	s21 =	sshll.u32 s5, $0x1;
	s2 =	sadd.s32 s19, s18  }
0x9c: {  	s6 =	simm.s32 $0x0;
	s20 =	sshll.u32 s4, $0x1;
	s4 =	sadd.s32 s21, s2  }
0x9d: {  	[timem:s6], [sflag:s22] =	dma.local [hbm:s4], s20  }
0x9e: {  	_ =	swait.ge [sflag:s22], s20  }
0x9f: {  	s3 =	ssub.s32 $0x0, s20;
	[sflag:s22] =	ssyncset.done $0x0  }
0xa0: {  	[sflag:s22] =	ssyncadd.s32 s3;
	_ =	sdelay $0x1  }
0xa1: {  	s23 =	simm.s32 $0x1B8B  }
0xa2: {  	_ =	swait.ge [sflag:s23], $0x1  }
0xa3: {  	[sflag:s23] =	ssyncset.done $0x0  }
0xa4: {  	s25 =	simm.s32 $0x1B8E;
	s24 =	sld [smem:$0x3FFE];
	[sflag:s23] =	ssyncadd.s32 $0xFFFFFFFF  }
0xa5: {  	s26 =	simm.s32 $execute0_lowered;
	[smem:$0x3FD2] =	sst s25  }
0xa6: {  	s4 =	sshll.u32 s26, $0x1;
	_ =	strace $0x80000046;
	[dreg:$0x1] =	wrdreg $0xFFFFFFFF  }
0xa7: {  	s28 =	simm.s32 $_size_execute0_lowered;
	s2 =	sadd.s32 s2, s4;
	[dreg:$0x0] =	wrdreg $0x0  }
0xa8: {  	s4 =	sshll.u32 s28, $0x1;
	[dreg:$0x2] =	wrdreg s2  }
0xa9: {  	[dreg:$0x3] =	wrdreg s4  }
0xaa: {  	[dreg:$0x4] =	wrdreg $0xC0  }
0xab: {  	_ =	task [dreg:s6], $0x5FFFF  }
0xac: {  	[dreg:$0x1] =	wrdreg $0xFFFFFFFF  }
0xad: {  	[dreg:$0x0] =	wrdreg $0x60  }
0xae: {  	[dreg:$0x2] =	wrdreg s24  }
0xaf: {  	[dreg:$0x3] =	wrdreg $0x0  }
0xb0: {  	[dreg:$0x4] =	wrdreg $0x9  }
0xb1: {  	_ =	task.clear_ibuf [dreg:s6], $0x5FFFF;
	_ =	strace $0x90000046  }
0xb2: {  	s29 =	simm.s32 $0x9;
	_ =	strace $0x80000048  }
0xb3: {  	_ =	swait.ge [sflag:s29], $0x1  }
0xb4: {  	[sflag:s29] =	ssyncadd.s32 $0xFFFFFFFF  }
0xb5: {  	_ =	strace $0x90000048  }
0xb6: {  	_ =	sfence  }
0xb7: {  	s30 =	sld [smem:$0x0];
	_ =	sdelay $0x2  }
0xb8: {  	s31 =	sshll.u32 s1, $0xD;
	s1 =	sshrl.u32 s1, $0x2  }
0xb9: {  	s3 =	sand.u32 $0x4000, s31;
	s1 =	sadd.s32 s1, s30  }
0xba: {  	s0 =	sor.u32 s3, s0;
	s1 =	sshll.u32 s1, $0x11  }
0xbb: {  	s0 =	sor.u32 s1, s0  }
0xbc: {  	s0 =	sadd.s32 $0x8F2B, s0  }
0xbd: {  	[sflag:s0] =	ssyncadd.remote.s32 $0x1  }
0xbe: {  	_ =	sfence.sel $0xFFFF  }
0xbf: {  	[dreg:$0x0] =	wrdreg $0xFFFFFFFF;
	(pc) =	sbr.abs _section_cstart, $3  }
0xc0: {  	[dreg:$0x1] =	wrdreg $0xFFFFFFFF  }
0xc1: {  	_ =	task.clear_ibuf [dreg:s6], $0x2FFFF;
	_ =	strace $0x9FFFFFFF  }
0xc2: {  	(tm) =	ssettm $0x7FFFFFFF  }
0xc3: {  	_ =	shalt  }
tec
execute0_lowered:
.L_overlay_start_1:
0x0: {  	(tag) =	ssettag $0x1  }
0x1: {  	s1 =	srdreg.scid  }
0x2: {  	s1 =	sand.u32 $0x1, s1  }
0x3: {  	p0 =	seq.s32 s1, $0x1  }
.Ltmp0:
0x4: {  	_ = 	snop;
	(pc) =	sbr.rel @p0 .LBB2_13-.Ltmp0, $4  }
0x5: {  	s7 =	rddreg [dreg:$0x0]  }
0x6: {  	s5 =	rddreg [dreg:$0x1];
	s4 =	simm.s32 $0x0  }
0x7: {  	[smem:$0x7FF] =	sst s4  }
0x8: {  	s0 =	rddreg [dreg:$0x2];
	_ =	strace $0x80000047;
	s1 =	stileid.u32  }
0x9: {  	s9 =	smul.u32 $0x280, s1;
	_ =	sdelay $0x1  }
0xa: {  	s2 =	sshll.u32 s1, $0x6;
	s6 =	sadd.s32 $0xD400, s7;
	s3 =	sadd.s32 s9, s5  }
0xb: {  	s8 =	simm.s32 $0x2;
	s2 =	sor.u32 $0x1C02, s2;
	s3 =	sshrl.u32 s3, $0x3  }
0xc: {  	[spmem:s3], [sflag:s2] =	dma.local [hbm:s6], $0x50  }
0xd: {  	_ =	swait.ge [sflag:s8], $0x50  }
0xe: {  	s10 =	sadd.s32 $0xD200, s7;
	p0 =	seq.s32 s1, $0xF;
	[sflag:s8] =	ssyncset.done $0x0  }
.Ltmp1:
0xf: {  	s6 =	simm.s32 $0x5280;
	[sflag:s8] =	ssyncadd.s32 $0xFFFFFFB0;
	(pc) =	sbr.rel @!p0 .LBB2_2-.Ltmp1, $4  }
0x10: {  	[tilespmem:s6], [sflag:$0x2] =	stream.linear.gather [hbm4b:s10+s4], $0x80, $0x38;
	[tilespmem:$0x5300] =	vst v63  }
0x11: {  	s31 =	sshrl.u32 s9, $0x3;
	_ =	swait.ge [sflag:s8], $0x80  }
0x12: {  	s4 =	sadd.s32 s31, s7;
	[sflag:s8] =	ssyncset.done $0x0  }
0x13: {  	s4 =	sadd.s32 $0xD600, s4;
	[sflag:s8] =	ssyncadd.s32 $0xFFFFFF80  }
0x14: {  	s9 =	sadd.s32 $0xCA00, s7;
	s7 =	simm.s32 $0x0;
	s10 =	simm.s32 $0x280  }
0x15: {  	[tilespmem:s10], [sflag:$0x2] =	stream.linear.gather [hbm4b:s9+s7], $0x3200, $0x38;
	[tilespmem:$0x5300] =	vst v63  }
0x16: {  	_ =	swait.ge [sflag:s8], $0x3200  }
0x17: {  	[sflag:s8] =	ssyncset.done $0x0  }
0x18: {  	[sflag:s8] =	ssyncadd.s32 $0xFFFFCE00  }
0x19: {  	s8 =	simm.s32 $0x80;
	[bflag:$0x0] =	sbarrier.arrive $0xFFFF  }
.LBB2_8:
0x1a: {  	p0 =	sne.s32 s7, $0xC600  }
.Ltmp2:
0x1b: {  	_ = 	snop;
	(pc) =	sbr.rel @p0 .LBB2_8-.Ltmp2, $4  }
0x1c: {  	_ = 	snop  }
0x1d: {  	s9 =	sshra.s32 s7, $0x2  }
0x1e: {  	s7 =	sadd.s32 $0x200, s7;
	s9 =	sadd.s32 $0x280, s9  }
0x1f: {  	[spmem:s5] =	stream.indirect.scatter.add.f32 [tilespmem:s6], [sflag:$0x1], $0x1, s9, s8, $0xb8;
	[tilespmem:$0x5300] =	vst v63  }
0x20: {  	s5 =	simm.s32 $0x1  }
0x21: {  	_ =	swait.ge [sflag:s5], $0x80  }
0x22: {  	s6 =	simm.s32 $0x63;
	[sflag:s5] =	ssyncset.done $0x0  }
.LBB2_10:
0x23: {  	p0 =	sne.s32 s6, $0x1;
	s6 =	sadd.s32 $0xFFFFFFFF, s6;
	[sflag:s5] =	ssyncadd.s32 $0xFFFFFF80  }
.Ltmp3:
0x24: {  	(pc) =	sbr.rel @p0 .LBB2_10-.Ltmp3, $3  }
0x25: {  	_ =	sdelay $0x1  }
0x26: {  	_ =	swait.ge [sflag:s5], $0x80  }
0x27: {  	[sflag:s5] =	ssyncset.done $0x0  }
.Ltmp4:
0x28: {  	(pc) =	sbr.rel .LBB2_12-.Ltmp4, $2  }
0x29: {  	_ =	sdelay $0x2  }
0x2a: {  	[sflag:s5] =	ssyncadd.s32 $0xFFFFFF80  }
.LBB2_2:
0x2b: {  	s9 =	smul.u32 $0xA00, s1;
	_ =	sdelay $0x1  }
0x2c: {  	s7 =	sadd.s32 s9, s7  }
0x2d: {  	s10 =	simm.s32 $0x280;
	s9 =	sadd.s32 $0x3400, s7;
	s7 =	simm.s32 $0x0  }
0x2e: {  	[tilespmem:s10], [sflag:$0x2] =	stream.linear.gather [hbm4b:s9+s7], $0x5000, $0x38;
	[tilespmem:$0x5300] =	vst v63  }
0x2f: {  	_ =	swait.ge [sflag:s8], $0x5000  }
0x30: {  	[sflag:s8] =	ssyncset.done $0x0  }
0x31: {  	[sflag:s8] =	ssyncadd.s32 $0xFFFFB000  }
0x32: {  	s8 =	simm.s32 $0x80;
	[bflag:$0x0] =	sbarrier.arrive $0xFFFF  }
.LBB2_3:
0x33: {  	p0 =	sne.s32 s7, $0x13E00  }
.Ltmp5:
0x34: {  	_ = 	snop;
	(pc) =	sbr.rel @p0 .LBB2_3-.Ltmp5, $4  }
0x35: {  	_ = 	snop  }
0x36: {  	s9 =	sshra.s32 s7, $0x2  }
0x37: {  	s7 =	sadd.s32 $0x200, s7;
	s9 =	sadd.s32 $0x280, s9  }
0x38: {  	[spmem:s5] =	stream.indirect.scatter.add.f32 [tilespmem:s6], [sflag:$0x1], $0x1, s9, s8, $0xb8;
	[tilespmem:$0x5300] =	vst v63  }
0x39: {  	s5 =	simm.s32 $0x1  }
0x3a: {  	_ =	swait.ge [sflag:s5], $0x80  }
0x3b: {  	s6 =	simm.s32 $0x9F;
	[sflag:s5] =	ssyncset.done $0x0  }
.LBB2_5:
0x3c: {  	p0 =	seq.s32 s6, $0x1;
	s6 =	sadd.s32 $0xFFFFFFFF, s6;
	[sflag:s5] =	ssyncadd.s32 $0xFFFFFF80  }
.Ltmp6:
0x3d: {  	(pc) =	sbr.rel @!p0 .LBB2_5-.Ltmp6, $3  }
0x3e: {  	_ =	sdelay $0x1  }
0x3f: {  	_ =	swait.ge [sflag:s5], $0x80  }
0x40: {  	[sflag:s5] =	ssyncset.done $0x0  }
0x41: {  	[sflag:s5] =	ssyncadd.s32 $0xFFFFFF80  }
.LBB2_12:
0x42: {  	[bflag:$0x0] =	sbarrier.arrive $0xFFFF;
	s31 =	simm.s32 $0x2  }
0x43: {  	[hbm:s4], [sflag:s2] =	dma.local [spmem:s3], $0x50  }
0x44: {  	_ =	swait.ge [sflag:s31], $0x50  }
0x45: {  	[sflag:s31] =	ssyncset.done $0x0  }
0x46: {  	[sflag:s31] =	ssyncadd.s32 $0xFFFFFFB0  }
.LBB2_13:
0x47: {  	_ =	sfence.sel $0x180000  }
0x48: {  	[bflag:$0x0] =	sbarrier.arrive $0xFFFF  }
0x49: {  	p0 =	sne.s32 s1, $0x0;
	_ =	strace $0x90000047  }
0x4a: {  	s0 =	sadd.s32 @!p0 $0x100000, s0;
	[bflag:$0x2] =	sbarrier.arrive $0xFFFF  }
0x4b: {  	[sflag:s0] =	ssyncadd.tile.s32 @!p0 $0x1;
	_ =	shalt  }
.Lfunc_end2:
_tile_overlayer_lowered:
.L_overlay_start_2:
0x4c: {  	(tag) =	ssettag $0x2  }
0x4d: {  	s0 =	rddreg [dreg:$0x0];
	s2 =	stileid.u32  }
0x4e: {  	s1 =	rddreg [dreg:$0x1];
	p0 =	sne.s32 s2, $0x0  }
0x4f: {  	s3 =	rddreg [dreg:$0x2];
	[bflag:$0x3] =	sbarrier.arrive $0xFFFF;
	s2 =	simm.s32 @!p0 $0x1C02  }
0x50: {  	[timem:s3], [sflag:s2] =	dma.local @!p0 [hbm:s0], s1  }
0x51: {  	s0 =	simm.s32 @!p0 $0x2  }
0x52: {  	_ =	swait.ge @!p0 [sflag:s0], s1  }
0x53: {  	s1 =	ssub.s32 @!p0 $0x0, s1;
	[sflag:s0] =	ssyncset.done @!p0 $0x0  }
0x54: {  	[sflag:s0] =	ssyncadd.s32 @!p0 s1  }
0x55: {  	[bflag:$0x3] =	sbarrier.arrive $0xFFFF  }
0x56: {  	_ =	shalt  }

</sc_bundles>
